<compile_context>
chip_gen: v7x
topology: tpu7x:2x2x1
jax: 0.10.2.dev20260603
libtpu: 0.0.44.dev20260713+nightly
codegen_flags: <defaults>
</compile_context>

<pallas_src>
import functools

import jax
import jax.numpy as jnp
from jax import lax
from jax.experimental import pallas as pl
from jax.experimental.pallas import tpu as pltpu
from jax.experimental.pallas import tpu_sc as plsc

_T = 2048
_E = 64
_D = 768
_BT = 64
_N_ROWS = 2560
_NW = 32
_TPW = _T // _NW

_MESH = dict(core_axis_name="c", subcore_axis_name="s")



def _route_dispatch_body(idx_hbm, w_hbm, x_hbm,
                         poff_hbm, cnt_hbm, pos_hbm, wpad_hbm, xpad_hbm,
                         idx_t, pos_t, hist_v, lbase_v, cntr_v, thist_v,
                         ghist_v, tbase_v, poff_v, cnts_v,
                         pos_all_v, w_all_v, wpad_v, pos_d, rows_v,
                         hist_sh, pos_sh, sem):
    c = lax.axis_index("c")
    s = lax.axis_index("s")
    lanes = lax.iota(jnp.int32, 16)
    ones = jnp.ones((16,), jnp.int32)
    zeros = jnp.zeros((16,), jnp.int32)

    pltpu.sync_copy(idx_hbm.at[pl.ds(s * 128, 128)], idx_t)

    wid = s * 2 + c
    dbase = wid * _TPW
    xcp = pltpu.async_copy(x_hbm.at[pl.ds(dbase, _TPW)], rows_v, sem)

    def zbody(i, carry):
        hist_v[pl.ds(i * 16, 16)] = zeros
        cntr_v[pl.ds(i * 16, 16)] = zeros
        return carry

    lax.fori_loop(0, 64, zbody, 0)

    for j in range(8):
        e = idx_t[pl.ds(j * 16, 16)]
        plsc.addupdate_scatter(hist_v, [lanes * 64 + e], ones)

    for ch in range(4):
        run = zeros
        for l in range(16):
            lbase_v[pl.ds(l * 64 + ch * 16, 16)] = run
            run = run + hist_v[pl.ds(l * 64 + ch * 16, 16)]
        thist_v[pl.ds(ch * 16, 16)] = run

    pltpu.sync_copy(thist_v, hist_sh.at[pl.ds(s * 64, 64)])
    plsc.subcore_barrier()
    pltpu.sync_copy(hist_sh, ghist_v)
    carry = zeros
    for ch in range(4):
        tbase = zeros
        total = zeros
        for t in range(16):
            g = ghist_v[pl.ds(t * 64 + ch * 16, 16)]
            tbase = tbase + jnp.where(jnp.broadcast_to(t < s, (16,)), g, zeros)
            total = total + g
        tbase_v[pl.ds(ch * 16, 16)] = tbase
        cnts_v[pl.ds(ch * 16, 16)] = total
        pc = ((total + 7) >> 3) << 3
        incl = plsc.cumsum(pc)
        poff_v[pl.ds(ch * 16, 16)] = incl - pc + carry
        carry = carry + jnp.broadcast_to(jnp.sum(pc), (16,))

    for j in range(8):
        e = idx_t[pl.ds(j * 16, 16)]
        stripe = lanes * 64 + e
        base = plsc.load_gather(poff_v, [e])
        tb = plsc.load_gather(tbase_v, [e])
        lb = plsc.load_gather(lbase_v, [stripe])
        cr = plsc.load_gather(cntr_v, [stripe])
        p = base + tb + lb + cr
        plsc.store_scatter(cntr_v, [stripe], cr + ones)
        pos_t[pl.ds(j * 16, 16)] = p

    pltpu.sync_copy(pos_t, pos_sh.at[pl.ds(s * 128, 128)])

    @pl.when(c == 0)
    def _():
        pltpu.sync_copy(pos_t, pos_hbm.at[pl.ds(s * 128, 128)])

    @pl.when((c == 0) & (s == 0))
    def _():
        pltpu.sync_copy(poff_v, poff_hbm)
        pltpu.sync_copy(cnts_v, cnt_hbm)

    plsc.subcore_barrier()

    @pl.when((c == 0) & (s == 0))
    def _():
        pltpu.sync_copy(pos_sh, pos_all_v)
        pltpu.sync_copy(w_hbm, w_all_v)

        def wbody(j, carry):
            wv = w_all_v[pl.ds(j * 16, 16)]
            p = pos_all_v[pl.ds(j * 16, 16)]
            plsc.store_scatter(wpad_v, [p], wv)
            return carry

        lax.fori_loop(0, 128, wbody, 0)
        pltpu.sync_copy(wpad_v, wpad_hbm)

    pltpu.sync_copy(pos_sh.at[pl.ds(dbase, _TPW)], pos_d)
    xcp.wait()
    pltpu.async_copy(rows_v, xpad_hbm.at[pos_d], sem).wait()


def _route_dispatch(idx, w, x):
    return pl.kernel(
        _route_dispatch_body,
        out_type=[
            jax.ShapeDtypeStruct((_E,), jnp.int32),
            jax.ShapeDtypeStruct((_E,), jnp.int32),
            jax.ShapeDtypeStruct((_T,), jnp.int32),
            jax.ShapeDtypeStruct((_N_ROWS,), jnp.float32),
            jax.ShapeDtypeStruct((_N_ROWS, _D), jnp.float32),
        ],
        mesh=plsc.VectorSubcoreMesh(**_MESH),
        compiler_params=pltpu.CompilerParams(needs_layout_passes=False),
        scratch_types=[
            pltpu.VMEM((128,), jnp.int32),
            pltpu.VMEM((128,), jnp.int32),
            pltpu.VMEM((1024,), jnp.int32),
            pltpu.VMEM((1024,), jnp.int32),
            pltpu.VMEM((1024,), jnp.int32),
            pltpu.VMEM((_E,), jnp.int32),
            pltpu.VMEM((1024,), jnp.int32),
            pltpu.VMEM((_E,), jnp.int32),
            pltpu.VMEM((_E,), jnp.int32),
            pltpu.VMEM((_E,), jnp.int32),
            pltpu.VMEM((_T,), jnp.int32),
            pltpu.VMEM((_T,), jnp.float32),
            pltpu.VMEM((_N_ROWS,), jnp.float32),
            pltpu.VMEM((_TPW,), jnp.int32),
            pltpu.VMEM((_TPW, _D), jnp.float32),
            pltpu.VMEM_SHARED((1024,), jnp.int32),
            pltpu.VMEM_SHARED((_T,), jnp.int32),
            pltpu.SemaphoreType.DMA,
        ],
    )(idx, w, x)



def _gmm_body(poff_ref, cnt_ref, x_ref, w_ref, fc1_ref, fc2_ref, out_ref, *,
              bt, d_half, epb):
    g = pl.program_id(0)
    for k in range(epb):
        e = g * epb + k
        start_e = poff_ref[e]
        nt = (cnt_ref[e] + bt - 1) // bt

        def body(i, carry, k=k, start_e=start_e):
            start = pl.multiple_of(start_e + i * bt, 8)
            rows = x_ref[pl.ds(start, bt), :]
            y = lax.dot_general(rows, fc1_ref[k], (((1,), (1,)), ((), ())),
                                preferred_element_type=jnp.float32)
            y1 = y[:, :d_half]
            gate = y[:, d_half:]
            h = y1 * (gate * jax.nn.sigmoid(gate))
            yo = lax.dot_general(h, fc2_ref[k], (((1,), (1,)), ((), ())),
                                 preferred_element_type=jnp.float32)
            out_ref[pl.ds(start, bt), :] = yo * w_ref[pl.ds(start, bt), :]
            return carry

        lax.fori_loop(0, nt, body, 0)


def _grouped_mlp(poff, counts, x_pad, w_pad, fc1_weights, fc2_weights, *,
                 bt=_BT, epb=4):
    n_rows, d_model = x_pad.shape
    n_experts, d_ff2, _ = fc1_weights.shape
    d_half = d_ff2 // 2
    grid_spec = pltpu.PrefetchScalarGridSpec(
        num_scalar_prefetch=2,
        grid=(n_experts // epb,),
        in_specs=[
            pl.BlockSpec((n_rows, d_model), lambda g, poff, cnt: (0, 0)),
            pl.BlockSpec((n_rows, 1), lambda g, poff, cnt: (0, 0)),
            pl.BlockSpec((epb, d_ff2, d_model), lambda g, poff, cnt: (g, 0, 0)),
            pl.BlockSpec((epb, d_model, d_half), lambda g, poff, cnt: (g, 0, 0)),
        ],
        out_specs=pl.BlockSpec((n_rows, d_model), lambda g, poff, cnt: (0, 0)),
    )
    return pl.pallas_call(
        functools.partial(_gmm_body, bt=bt, d_half=d_half, epb=epb),
        grid_spec=grid_spec,
        out_shape=jax.ShapeDtypeStruct((n_rows, d_model), jnp.float32),
    )(poff, counts, x_pad, w_pad, fc1_weights, fc2_weights)



def _combine_body(outpad_hbm, pos_hbm, out_hbm, pos_v, rows_a, rows_b,
                  sem_a, sem_b):
    wid = lax.axis_index("s") * 2 + lax.axis_index("c")
    base = wid * _TPW
    half = _TPW // 2
    pltpu.sync_copy(pos_hbm.at[pl.ds(base, _TPW)], pos_v)
    ca = pltpu.async_copy(outpad_hbm.at[pos_v.at[pl.ds(0, half)]], rows_a,
                          sem_a)
    cb = pltpu.async_copy(outpad_hbm.at[pos_v.at[pl.ds(half, half)]], rows_b,
                          sem_b)
    ca.wait()
    pltpu.sync_copy(rows_a, out_hbm.at[pl.ds(base, half)])
    cb.wait()
    pltpu.sync_copy(rows_b, out_hbm.at[pl.ds(base + half, half)])


def _combine(out_pad, pos):
    return pl.kernel(
        _combine_body,
        out_type=jax.ShapeDtypeStruct((_T, _D), jnp.float32),
        mesh=plsc.VectorSubcoreMesh(**_MESH),
        scratch_types=[
            pltpu.VMEM((_TPW,), jnp.int32),
            pltpu.VMEM((_TPW // 2, _D), jnp.float32),
            pltpu.VMEM((_TPW // 2, _D), jnp.float32),
            pltpu.SemaphoreType.DMA,
            pltpu.SemaphoreType.DMA,
        ],
    )(out_pad, pos)




def kernel(x, weights, indices, fc1_weights, fc2_weights):
    idx = indices.reshape(-1).astype(jnp.int32)
    w = weights.reshape(-1)
    poff, counts, pos, w_pad, x_pad = _route_dispatch(idx, w, x)
    out_pad = _grouped_mlp(poff, counts, x_pad, w_pad.reshape(-1, 1),
                           fc1_weights, fc2_weights)
    return _combine(out_pad, pos)

# --- scband reference (transcript-rebuilt; emitter-appended) ---
"""Pipeline reference for scband-mo-e-16226386444690 (READ-ONLY COPY).

The authoritative reference and input builder live on the scoring server;
editing this copy changes nothing except your own understanding.
"""

import jax, jax.numpy as jnp
import numpy as np

IN_FEATURES = 768
D_INTERMEDIATE = 256
N_EXPERTS = 64
TOP_K = 1
N_TOKENS = 2048


def setup_inputs(seed: int = 0) -> dict:
    key = jax.random.key(seed)
    k1, k2, k3, k4, k5 = jax.random.split(key, 5)
    x = jax.random.normal(k1, (N_TOKENS, IN_FEATURES), dtype=jnp.float32)
    weights = jax.random.uniform(k2, (N_TOKENS, TOP_K), dtype=jnp.float32)
    indices = jax.random.randint(k3, (N_TOKENS, TOP_K), 0, N_EXPERTS)
    # learned parameters, sized per init_kwargs (matches _RoutedExperts.__init__)
    fc1_weights = jax.random.normal(k4, (N_EXPERTS, 2 * D_INTERMEDIATE, IN_FEATURES), dtype=jnp.float32) / (IN_FEATURES ** 0.5)
    fc2_weights = jax.random.normal(k5, (N_EXPERTS, IN_FEATURES, D_INTERMEDIATE), dtype=jnp.float32) / (D_INTERMEDIATE ** 0.5)
    return {
        "x": x,
        "weights": weights,
        "indices": indices,
        "fc1_weights": fc1_weights,
        "fc2_weights": fc2_weights,
    }


def reference(x, weights, indices, fc1_weights, fc2_weights):
    # Faithful single-process (ep_mesh=None) routed-experts forward.
    # Math identical to RoutedExpertsTorchEPForLoop / NoEP variants:
    #   out[t] = sum_k weights[t, k] * expert_{indices[t, k]}(x[t])
    # where each expert is a gated MLP: fc2( (y * silu(gate)) ), y,gate = chunk(fc1(x)).
    n_experts = fc1_weights.shape[0]
    out = jnp.zeros_like(x)
    for e in range(n_experts):
        # combined routing weight for tokens that selected expert e (sums over activated slots)
        m = jnp.sum(jnp.where(indices == e, weights, 0.0), axis=-1)  # [T]
        y = x @ fc1_weights[e].T  # [T, 2*d_intermediate]
        y1, gate = jnp.split(y, 2, axis=-1)
        h = y1 * jax.nn.silu(gate)
        yo = h @ fc2_weights[e].T  # [T, in_features]
        out = out + m[:, None] * yo
    return out

if __name__ == "__main__":
    import jax
    _d = setup_inputs()
    print(jax.jit(kernel)(*tuple(_d.values())))

</pallas_src>

<mosaic_0001>
#map = affine_map<(d0, d1) -> (0)>
#map1 = affine_map<(d0, d1) -> (0, 0)>
module attributes {stable_mosaic.version = 14 : i64} {
  func.func @_route_dispatch_body(%arg0: i32, %arg1: i32, %arg2: memref<2048xi32, #tpu.memory_space<hbm>>, %arg3: memref<2048xf32, #tpu.memory_space<hbm>>, %arg4: memref<2048x768xf32, #tpu.memory_space<hbm>>, %arg5: memref<64xi32, #tpu.memory_space<hbm>>, %arg6: memref<64xi32, #tpu.memory_space<hbm>>, %arg7: memref<2048xi32, #tpu.memory_space<hbm>>, %arg8: memref<2560xf32, #tpu.memory_space<hbm>>, %arg9: memref<2560x768xf32, #tpu.memory_space<hbm>>, %arg10: memref<128xi32, #tpu.memory_space<vmem>>, %arg11: memref<128xi32, #tpu.memory_space<vmem>>, %arg12: memref<1024xi32, #tpu.memory_space<vmem>>, %arg13: memref<1024xi32, #tpu.memory_space<vmem>>, %arg14: memref<1024xi32, #tpu.memory_space<vmem>>, %arg15: memref<64xi32, #tpu.memory_space<vmem>>, %arg16: memref<1024xi32, #tpu.memory_space<vmem>>, %arg17: memref<64xi32, #tpu.memory_space<vmem>>, %arg18: memref<64xi32, #tpu.memory_space<vmem>>, %arg19: memref<64xi32, #tpu.memory_space<vmem>>, %arg20: memref<2048xi32, #tpu.memory_space<vmem>>, %arg21: memref<2048xf32, #tpu.memory_space<vmem>>, %arg22: memref<2560xf32, #tpu.memory_space<vmem>>, %arg23: memref<64xi32, #tpu.memory_space<vmem>>, %arg24: memref<64x768xf32, #tpu.memory_space<vmem>>, %arg25: memref<1024xi32, #tpu.memory_space<vmem_shared>>, %arg26: memref<2048xi32, #tpu.memory_space<vmem_shared>>, %arg27: memref<!tpu.dma_semaphore, #tpu.memory_space<semaphore_mem>>) attributes {dimension_semantics = [#tpu.dimension_semantics<core_parallel>, #tpu.dimension_semantics<subcore_parallel>], iteration_bounds = array<i64: 2, 16>, scalar_prefetch = 0 : i64, scratch_operands = 18 : i64, tpu.core_type = #tpu.core_type<sc_vector_subcore>, window_params = [{transform_indices = #map}, {transform_indices = #map}, {transform_indices = #map1}, {transform_indices = #map}, {transform_indices = #map}, {transform_indices = #map}, {transform_indices = #map}, {transform_indices = #map1}]} {
    %iota3A = tpu.iota {dimensions = array<i32: 0>} : vector<16xi32>
    %broadcast_in_dim3A = arith.constant 1 : i32
    %broadcast_in_dim3A_0 = vector.broadcast %broadcast_in_dim3A : i32 to vector<16xi32>
    %broadcast_in_dim3A_1 = arith.constant 0 : i32
    %broadcast_in_dim3A_2 = vector.broadcast %broadcast_in_dim3A_1 : i32 to vector<16xi32>
    %mul3A = arith.constant 128 : i32
    %mul3A_3 = arith.muli %arg1, %mul3A : i32
    "tpu.region"() ({
      %run_scoped3A = tpu.sem_alloc : memref<!tpu.dma_semaphore, #tpu.memory_space<semaphore_mem>>
      %dma_start3A_1157 = tpu.memref_slice %arg2[%mul3A_3] : memref<2048xi32, #tpu.memory_space<hbm>> -> memref<128xi32, #tpu.memory_space<hbm>>
      %dma_start3A_1158 = tpu.memref_slice %arg2[%mul3A_3] : memref<2048xi32, #tpu.memory_space<hbm>> -> memref<128xi32, #tpu.memory_space<hbm>>
      tpu.enqueue_dma source(%dma_start3A_1158 : memref<128xi32, #tpu.memory_space<hbm>>) target(%arg10 : memref<128xi32, #tpu.memory_space<vmem>>) target_semaphore(%run_scoped3A : memref<!tpu.dma_semaphore, #tpu.memory_space<semaphore_mem>>)
      %dma_wait3A_1159 = tpu.memref_slice %arg2[%mul3A_3] : memref<2048xi32, #tpu.memory_space<hbm>> -> memref<128xi32, #tpu.memory_space<hbm>>
      %dma_wait3A_1160 = tpu.memref_slice %arg2[%mul3A_3] : memref<2048xi32, #tpu.memory_space<hbm>> -> memref<128xi32, #tpu.memory_space<hbm>>
      tpu.wait_dma2 semaphore(%run_scoped3A : memref<!tpu.dma_semaphore, #tpu.memory_space<semaphore_mem>>) src(%dma_wait3A_1160 : memref<128xi32, #tpu.memory_space<hbm>>) dst(%arg10 : memref<128xi32, #tpu.memory_space<vmem>>)
      tpu.yield
    }) : () -> ()
    %mul3A_4 = arith.constant 2 : i32
    %mul3A_5 = arith.muli %arg1, %mul3A_4 : i32
    %add3A = arith.addi %mul3A_5, %arg0 : i32
    %mul3A_6 = arith.constant 64 : i32
    %mul3A_7 = arith.muli %add3A, %mul3A_6 : i32
    %dma_start3A = arith.constant 0 : i32
    %dma_start3A_8 = tpu.memref_slice %arg4[%mul3A_7, %dma_start3A] : memref<2048x768xf32, #tpu.memory_space<hbm>> -> memref<64x768xf32, #tpu.memory_space<hbm>>
    %dma_start3A_9 = arith.constant 0 : i32
    %dma_start3A_10 = tpu.memref_slice %arg4[%mul3A_7, %dma_start3A_9] : memref<2048x768xf32, #tpu.memory_space<hbm>> -> memref<64x768xf32, #tpu.memory_space<hbm>>
    tpu.enqueue_dma source(%dma_start3A_10 : memref<64x768xf32, #tpu.memory_space<hbm>>) target(%arg24 : memref<64x768xf32, #tpu.memory_space<vmem>>) target_semaphore(%arg27 : memref<!tpu.dma_semaphore, #tpu.memory_space<semaphore_mem>>)
    %scan3A = arith.constant 0 : i32
    %scan3A_11 = arith.constant 0 : i32
    %scan3A_12 = arith.constant 64 : i32
    %scan3A_13 = arith.addi %scan3A_11, %scan3A_12 : i32
    %scan3A_14 = arith.constant 1 : i32
    scf.for %scan3A_1157 = %scan3A_11 to %scan3A_13 step %scan3A_14  : i32 {
      %mul3A_1158 = arith.constant 16 : i32
      %mul3A_1159 = arith.muli %scan3A_1157, %mul3A_1158 : i32
      %swap3A_1160 = arith.index_cast %mul3A_1159 : i32 to index
      %swap3A_1161 = tpu.vector_load %arg12[%swap3A_1160] {strides = array<i32>} : memref<1024xi32, #tpu.memory_space<vmem>>, vector<16xi32>,
      tpu.vector_store %arg12[%swap3A_1160], %broadcast_in_dim3A_2 {strides = array<i32>} : memref<1024xi32, #tpu.memory_space<vmem>>, vector<16xi32>,
      %mul3A_1162 = arith.constant 16 : i32
      %mul3A_1163 = arith.muli %scan3A_1157, %mul3A_1162 : i32
      %swap3A_1164 = arith.index_cast %mul3A_1163 : i32 to index
      %swap3A_1165 = tpu.vector_load %arg14[%swap3A_1164] {strides = array<i32>} : memref<1024xi32, #tpu.memory_space<vmem>>, vector<16xi32>,
      tpu.vector_store %arg14[%swap3A_1164], %broadcast_in_dim3A_2 {strides = array<i32>} : memref<1024xi32, #tpu.memory_space<vmem>>, vector<16xi32>,
    }
    %scan3A_15 = arith.constant 64 : i32
    %get3A = arith.constant 0 : index
    %get3A_16 = tpu.vector_load %arg10[%get3A] {strides = array<i32>} : memref<128xi32, #tpu.memory_space<vmem>>, vector<16xi32>,
    %mul3A_17 = arith.constant 64 : i32
    %mul3A_18 = vector.broadcast %mul3A_17 : i32 to vector<16xi32>
    %mul3A_19 = arith.muli %iota3A, %mul3A_18 : vector<16xi32>
    %add3A_20 = arith.addi %mul3A_19, %get3A_16 : vector<16xi32>
    tpu.vector_store_idx %arg12[%add3A_20], %broadcast_in_dim3A_0 {add = true} : memref<1024xi32, #tpu.memory_space<vmem>>[vector<16xi32>], vector<16xi32>,
    %get3A_21 = arith.constant 16 : index
    %get3A_22 = tpu.vector_load %arg10[%get3A_21] {strides = array<i32>} : memref<128xi32, #tpu.memory_space<vmem>>, vector<16xi32>,
    %mul3A_23 = arith.constant 64 : i32
    %mul3A_24 = vector.broadcast %mul3A_23 : i32 to vector<16xi32>
    %mul3A_25 = arith.muli %iota3A, %mul3A_24 : vector<16xi32>
    %add3A_26 = arith.addi %mul3A_25, %get3A_22 : vector<16xi32>
    tpu.vector_store_idx %arg12[%add3A_26], %broadcast_in_dim3A_0 {add = true} : memref<1024xi32, #tpu.memory_space<vmem>>[vector<16xi32>], vector<16xi32>,
    %get3A_27 = arith.constant 32 : index
    %get3A_28 = tpu.vector_load %arg10[%get3A_27] {strides = array<i32>} : memref<128xi32, #tpu.memory_space<vmem>>, vector<16xi32>,
    %mul3A_29 = arith.constant 64 : i32
    %mul3A_30 = vector.broadcast %mul3A_29 : i32 to vector<16xi32>
    %mul3A_31 = arith.muli %iota3A, %mul3A_30 : vector<16xi32>
    %add3A_32 = arith.addi %mul3A_31, %get3A_28 : vector<16xi32>
    tpu.vector_store_idx %arg12[%add3A_32], %broadcast_in_dim3A_0 {add = true} : memref<1024xi32, #tpu.memory_space<vmem>>[vector<16xi32>], vector<16xi32>,
    %get3A_33 = arith.constant 48 : index
    %get3A_34 = tpu.vector_load %arg10[%get3A_33] {strides = array<i32>} : memref<128xi32, #tpu.memory_space<vmem>>, vector<16xi32>,
    %mul3A_35 = arith.constant 64 : i32
    %mul3A_36 = vector.broadcast %mul3A_35 : i32 to vector<16xi32>
    %mul3A_37 = arith.muli %iota3A, %mul3A_36 : vector<16xi32>
    %add3A_38 = arith.addi %mul3A_37, %get3A_34 : vector<16xi32>
    tpu.vector_store_idx %arg12[%add3A_38], %broadcast_in_dim3A_0 {add = true} : memref<1024xi32, #tpu.memory_space<vmem>>[vector<16xi32>], vector<16xi32>,
    %get3A_39 = arith.constant 64 : index
    %get3A_40 = tpu.vector_load %arg10[%get3A_39] {strides = array<i32>} : memref<128xi32, #tpu.memory_space<vmem>>, vector<16xi32>,
    %mul3A_41 = arith.constant 64 : i32
    %mul3A_42 = vector.broadcast %mul3A_41 : i32 to vector<16xi32>
    %mul3A_43 = arith.muli %iota3A, %mul3A_42 : vector<16xi32>
    %add3A_44 = arith.addi %mul3A_43, %get3A_40 : vector<16xi32>
    tpu.vector_store_idx %arg12[%add3A_44], %broadcast_in_dim3A_0 {add = true} : memref<1024xi32, #tpu.memory_space<vmem>>[vector<16xi32>], vector<16xi32>,
    %get3A_45 = arith.constant 80 : index
    %get3A_46 = tpu.vector_load %arg10[%get3A_45] {strides = array<i32>} : memref<128xi32, #tpu.memory_space<vmem>>, vector<16xi32>,
    %mul3A_47 = arith.constant 64 : i32
    %mul3A_48 = vector.broadcast %mul3A_47 : i32 to vector<16xi32>
    %mul3A_49 = arith.muli %iota3A, %mul3A_48 : vector<16xi32>
    %add3A_50 = arith.addi %mul3A_49, %get3A_46 : vector<16xi32>
    tpu.vector_store_idx %arg12[%add3A_50], %broadcast_in_dim3A_0 {add = true} : memref<1024xi32, #tpu.memory_space<vmem>>[vector<16xi32>], vector<16xi32>,
    %get3A_51 = arith.constant 96 : index
    %get3A_52 = tpu.vector_load %arg10[%get3A_51] {strides = array<i32>} : memref<128xi32, #tpu.memory_space<vmem>>, vector<16xi32>,
    %mul3A_53 = arith.constant 64 : i32
    %mul3A_54 = vector.broadcast %mul3A_53 : i32 to vector<16xi32>
    %mul3A_55 = arith.muli %iota3A, %mul3A_54 : vector<16xi32>
    %add3A_56 = arith.addi %mul3A_55, %get3A_52 : vector<16xi32>
    tpu.vector_store_idx %arg12[%add3A_56], %broadcast_in_dim3A_0 {add = true} : memref<1024xi32, #tpu.memory_space<vmem>>[vector<16xi32>], vector<16xi32>,
    %get3A_57 = arith.constant 112 : index
    %get3A_58 = tpu.vector_load %arg10[%get3A_57] {strides = array<i32>} : memref<128xi32, #tpu.memory_space<vmem>>, vector<16xi32>,
    %mul3A_59 = arith.constant 64 : i32
    %mul3A_60 = vector.broadcast %mul3A_59 : i32 to vector<16xi32>
    %mul3A_61 = arith.muli %iota3A, %mul3A_60 : vector<16xi32>
    %add3A_62 = arith.addi %mul3A_61, %get3A_58 : vector<16xi32>
    tpu.vector_store_idx %arg12[%add3A_62], %broadcast_in_dim3A_0 {add = true} : memref<1024xi32, #tpu.memory_space<vmem>>[vector<16xi32>], vector<16xi32>,
    %swap3A = arith.constant 0 : index
    %swap3A_63 = tpu.vector_load %arg13[%swap3A] {strides = array<i32>} : memref<1024xi32, #tpu.memory_space<vmem>>, vector<16xi32>,
    tpu.vector_store %arg13[%swap3A], %broadcast_in_dim3A_2 {strides = array<i32>} : memref<1024xi32, #tpu.memory_space<vmem>>, vector<16xi32>,
    %get3A_64 = arith.constant 0 : index
    %get3A_65 = tpu.vector_load %arg12[%get3A_64] {strides = array<i32>} : memref<1024xi32, #tpu.memory_space<vmem>>, vector<16xi32>,
    %add3A_66 = arith.addi %broadcast_in_dim3A_2, %get3A_65 : vector<16xi32>
    %swap3A_67 = arith.constant 64 : index
    %swap3A_68 = tpu.vector_load %arg13[%swap3A_67] {strides = array<i32>} : memref<1024xi32, #tpu.memory_space<vmem>>, vector<16xi32>,
    tpu.vector_store %arg13[%swap3A_67], %add3A_66 {strides = array<i32>} : memref<1024xi32, #tpu.memory_space<vmem>>, vector<16xi32>,
    %get3A_69 = arith.constant 64 : index
    %get3A_70 = tpu.vector_load %arg12[%get3A_69] {strides = array<i32>} : memref<1024xi32, #tpu.memory_space<vmem>>, vector<16xi32>,
    %add3A_71 = arith.addi %add3A_66, %get3A_70 : vector<16xi32>
    %swap3A_72 = arith.constant 128 : index
    %swap3A_73 = tpu.vector_load %arg13[%swap3A_72] {strides = array<i32>} : memref<1024xi32, #tpu.memory_space<vmem>>, vector<16xi32>,
    tpu.vector_store %arg13[%swap3A_72], %add3A_71 {strides = array<i32>} : memref<1024xi32, #tpu.memory_space<vmem>>, vector<16xi32>,
    %get3A_74 = arith.constant 128 : index
    %get3A_75 = tpu.vector_load %arg12[%get3A_74] {strides = array<i32>} : memref<1024xi32, #tpu.memory_space<vmem>>, vector<16xi32>,
    %add3A_76 = arith.addi %add3A_71, %get3A_75 : vector<16xi32>
    %swap3A_77 = arith.constant 192 : index
    %swap3A_78 = tpu.vector_load %arg13[%swap3A_77] {strides = array<i32>} : memref<1024xi32, #tpu.memory_space<vmem>>, vector<16xi32>,
    tpu.vector_store %arg13[%swap3A_77], %add3A_76 {strides = array<i32>} : memref<1024xi32, #tpu.memory_space<vmem>>, vector<16xi32>,
    %get3A_79 = arith.constant 192 : index
    %get3A_80 = tpu.vector_load %arg12[%get3A_79] {strides = array<i32>} : memref<1024xi32, #tpu.memory_space<vmem>>, vector<16xi32>,
    %add3A_81 = arith.addi %add3A_76, %get3A_80 : vector<16xi32>
    %swap3A_82 = arith.constant 256 : index
    %swap3A_83 = tpu.vector_load %arg13[%swap3A_82] {strides = array<i32>} : memref<1024xi32, #tpu.memory_space<vmem>>, vector<16xi32>,
    tpu.vector_store %arg13[%swap3A_82], %add3A_81 {strides = array<i32>} : memref<1024xi32, #tpu.memory_space<vmem>>, vector<16xi32>,
    %get3A_84 = arith.constant 256 : index
    %get3A_85 = tpu.vector_load %arg12[%get3A_84] {strides = array<i32>} : memref<1024xi32, #tpu.memory_space<vmem>>, vector<16xi32>,
    %add3A_86 = arith.addi %add3A_81, %get3A_85 : vector<16xi32>
    %swap3A_87 = arith.constant 320 : index
    %swap3A_88 = tpu.vector_load %arg13[%swap3A_87] {strides = array<i32>} : memref<1024xi32, #tpu.memory_space<vmem>>, vector<16xi32>,
    tpu.vector_store %arg13[%swap3A_87], %add3A_86 {strides = array<i32>} : memref<1024xi32, #tpu.memory_space<vmem>>, vector<16xi32>,
    %get3A_89 = arith.constant 320 : index
    %get3A_90 = tpu.vector_load %arg12[%get3A_89] {strides = array<i32>} : memref<1024xi32, #tpu.memory_space<vmem>>, vector<16xi32>,
    %add3A_91 = arith.addi %add3A_86, %get3A_90 : vector<16xi32>
    %swap3A_92 = arith.constant 384 : index
    %swap3A_93 = tpu.vector_load %arg13[%swap3A_92] {strides = array<i32>} : memref<1024xi32, #tpu.memory_space<vmem>>, vector<16xi32>,
    tpu.vector_store %arg13[%swap3A_92], %add3A_91 {strides = array<i32>} : memref<1024xi32, #tpu.memory_space<vmem>>, vector<16xi32>,
    %get3A_94 = arith.constant 384 : index
    %get3A_95 = tpu.vector_load %arg12[%get3A_94] {strides = array<i32>} : memref<1024xi32, #tpu.memory_space<vmem>>, vector<16xi32>,
    %add3A_96 = arith.addi %add3A_91, %get3A_95 : vector<16xi32>
    %swap3A_97 = arith.constant 448 : index
    %swap3A_98 = tpu.vector_load %arg13[%swap3A_97] {strides = array<i32>} : memref<1024xi32, #tpu.memory_space<vmem>>, vector<16xi32>,
    tpu.vector_store %arg13[%swap3A_97], %add3A_96 {strides = array<i32>} : memref<1024xi32, #tpu.memory_space<vmem>>, vector<16xi32>,
    %get3A_99 = arith.constant 448 : index
    %get3A_100 = tpu.vector_load %arg12[%get3A_99] {strides = array<i32>} : memref<1024xi32, #tpu.memory_space<vmem>>, vector<16xi32>,
    %add3A_101 = arith.addi %add3A_96, %get3A_100 : vector<16xi32>
    %swap3A_102 = arith.constant 512 : index
    %swap3A_103 = tpu.vector_load %arg13[%swap3A_102] {strides = array<i32>} : memref<1024xi32, #tpu.memory_space<vmem>>, vector<16xi32>,
    tpu.vector_store %arg13[%swap3A_102], %add3A_101 {strides = array<i32>} : memref<1024xi32, #tpu.memory_space<vmem>>, vector<16xi32>,
    %get3A_104 = arith.constant 512 : index
    %get3A_105 = tpu.vector_load %arg12[%get3A_104] {strides = array<i32>} : memref<1024xi32, #tpu.memory_space<vmem>>, vector<16xi32>,
    %add3A_106 = arith.addi %add3A_101, %get3A_105 : vector<16xi32>
    %swap3A_107 = arith.constant 576 : index
    %swap3A_108 = tpu.vector_load %arg13[%swap3A_107] {strides = array<i32>} : memref<1024xi32, #tpu.memory_space<vmem>>, vector<16xi32>,
    tpu.vector_store %arg13[%swap3A_107], %add3A_106 {strides = array<i32>} : memref<1024xi32, #tpu.memory_space<vmem>>, vector<16xi32>,
    %get3A_109 = arith.constant 576 : index
    %get3A_110 = tpu.vector_load %arg12[%get3A_109] {strides = array<i32>} : memref<1024xi32, #tpu.memory_space<vmem>>, vector<16xi32>,
    %add3A_111 = arith.addi %add3A_106, %get3A_110 : vector<16xi32>
    %swap3A_112 = arith.constant 640 : index
    %swap3A_113 = tpu.vector_load %arg13[%swap3A_112] {strides = array<i32>} : memref<1024xi32, #tpu.memory_space<vmem>>, vector<16xi32>,
    tpu.vector_store %arg13[%swap3A_112], %add3A_111 {strides = array<i32>} : memref<1024xi32, #tpu.memory_space<vmem>>, vector<16xi32>,
    %get3A_114 = arith.constant 640 : index
    %get3A_115 = tpu.vector_load %arg12[%get3A_114] {strides = array<i32>} : memref<1024xi32, #tpu.memory_space<vmem>>, vector<16xi32>,
    %add3A_116 = arith.addi %add3A_111, %get3A_115 : vector<16xi32>
    %swap3A_117 = arith.constant 704 : index
    %swap3A_118 = tpu.vector_load %arg13[%swap3A_117] {strides = array<i32>} : memref<1024xi32, #tpu.memory_space<vmem>>, vector<16xi32>,
    tpu.vector_store %arg13[%swap3A_117], %add3A_116 {strides = array<i32>} : memref<1024xi32, #tpu.memory_space<vmem>>, vector<16xi32>,
    %get3A_119 = arith.constant 704 : index
    %get3A_120 = tpu.vector_load %arg12[%get3A_119] {strides = array<i32>} : memref<1024xi32, #tpu.memory_space<vmem>>, vector<16xi32>,
    %add3A_121 = arith.addi %add3A_116, %get3A_120 : vector<16xi32>
    %swap3A_122 = arith.constant 768 : index
    %swap3A_123 = tpu.vector_load %arg13[%swap3A_122] {strides = array<i32>} : memref<1024xi32, #tpu.memory_space<vmem>>, vector<16xi32>,
    tpu.vector_store %arg13[%swap3A_122], %add3A_121 {strides = array<i32>} : memref<1024xi32, #tpu.memory_space<vmem>>, vector<16xi32>,
    %get3A_124 = arith.constant 768 : index
    %get3A_125 = tpu.vector_load %arg12[%get3A_124] {strides = array<i32>} : memref<1024xi32, #tpu.memory_space<vmem>>, vector<16xi32>,
    %add3A_126 = arith.addi %add3A_121, %get3A_125 : vector<16xi32>
    %swap3A_127 = arith.constant 832 : index
    %swap3A_128 = tpu.vector_load %arg13[%swap3A_127] {strides = array<i32>} : memref<1024xi32, #tpu.memory_space<vmem>>, vector<16xi32>,
    tpu.vector_store %arg13[%swap3A_127], %add3A_126 {strides = array<i32>} : memref<1024xi32, #tpu.memory_space<vmem>>, vector<16xi32>,
    %get3A_129 = arith.constant 832 : index
    %get3A_130 = tpu.vector_load %arg12[%get3A_129] {strides = array<i32>} : memref<1024xi32, #tpu.memory_space<vmem>>, vector<16xi32>,
    %add3A_131 = arith.addi %add3A_126, %get3A_130 : vector<16xi32>
    %swap3A_132 = arith.constant 896 : index
    %swap3A_133 = tpu.vector_load %arg13[%swap3A_132] {strides = array<i32>} : memref<1024xi32, #tpu.memory_space<vmem>>, vector<16xi32>,
    tpu.vector_store %arg13[%swap3A_132], %add3A_131 {strides = array<i32>} : memref<1024xi32, #tpu.memory_space<vmem>>, vector<16xi32>,
    %get3A_134 = arith.constant 896 : index
    %get3A_135 = tpu.vector_load %arg12[%get3A_134] {strides = array<i32>} : memref<1024xi32, #tpu.memory_space<vmem>>, vector<16xi32>,
    %add3A_136 = arith.addi %add3A_131, %get3A_135 : vector<16xi32>
    %swap3A_137 = arith.constant 960 : index
    %swap3A_138 = tpu.vector_load %arg13[%swap3A_137] {strides = array<i32>} : memref<1024xi32, #tpu.memory_space<vmem>>, vector<16xi32>,
    tpu.vector_store %arg13[%swap3A_137], %add3A_136 {strides = array<i32>} : memref<1024xi32, #tpu.memory_space<vmem>>, vector<16xi32>,
    %get3A_139 = arith.constant 960 : index
    %get3A_140 = tpu.vector_load %arg12[%get3A_139] {strides = array<i32>} : memref<1024xi32, #tpu.memory_space<vmem>>, vector<16xi32>,
    %add3A_141 = arith.addi %add3A_136, %get3A_140 : vector<16xi32>
    %swap3A_142 = arith.constant 0 : index
    %swap3A_143 = tpu.vector_load %arg15[%swap3A_142] {strides = array<i32>} : memref<64xi32, #tpu.memory_space<vmem>>, vector<16xi32>,
    tpu.vector_store %arg15[%swap3A_142], %add3A_141 {strides = array<i32>} : memref<64xi32, #tpu.memory_space<vmem>>, vector<16xi32>,
    %swap3A_144 = arith.constant 16 : index
    %swap3A_145 = tpu.vector_load %arg13[%swap3A_144] {strides = array<i32>} : memref<1024xi32, #tpu.memory_space<vmem>>, vector<16xi32>,
    tpu.vector_store %arg13[%swap3A_144], %broadcast_in_dim3A_2 {strides = array<i32>} : memref<1024xi32, #tpu.memory_space<vmem>>, vector<16xi32>,
    %get3A_146 = arith.constant 16 : index
    %get3A_147 = tpu.vector_load %arg12[%get3A_146] {strides = array<i32>} : memref<1024xi32, #tpu.memory_space<vmem>>, vector<16xi32>,
    %add3A_148 = arith.addi %broadcast_in_dim3A_2, %get3A_147 : vector<16xi32>
    %swap3A_149 = arith.constant 80 : index
    %swap3A_150 = tpu.vector_load %arg13[%swap3A_149] {strides = array<i32>} : memref<1024xi32, #tpu.memory_space<vmem>>, vector<16xi32>,
    tpu.vector_store %arg13[%swap3A_149], %add3A_148 {strides = array<i32>} : memref<1024xi32, #tpu.memory_space<vmem>>, vector<16xi32>,
    %get3A_151 = arith.constant 80 : index
    %get3A_152 = tpu.vector_load %arg12[%get3A_151] {strides = array<i32>} : memref<1024xi32, #tpu.memory_space<vmem>>, vector<16xi32>,
    %add3A_153 = arith.addi %add3A_148, %get3A_152 : vector<16xi32>
    %swap3A_154 = arith.constant 144 : index
    %swap3A_155 = tpu.vector_load %arg13[%swap3A_154] {strides = array<i32>} : memref<1024xi32, #tpu.memory_space<vmem>>, vector<16xi32>,
    tpu.vector_store %arg13[%swap3A_154], %add3A_153 {strides = array<i32>} : memref<1024xi32, #tpu.memory_space<vmem>>, vector<16xi32>,
    %get3A_156 = arith.constant 144 : index
    %get3A_157 = tpu.vector_load %arg12[%get3A_156] {strides = array<i32>} : memref<1024xi32, #tpu.memory_space<vmem>>, vector<16xi32>,
    %add3A_158 = arith.addi %add3A_153, %get3A_157 : vector<16xi32>
    %swap3A_159 = arith.constant 208 : index
    %swap3A_160 = tpu.vector_load %arg13[%swap3A_159] {strides = array<i32>} : memref<1024xi32, #tpu.memory_space<vmem>>, vector<16xi32>,
    tpu.vector_store %arg13[%swap3A_159], %add3A_158 {strides = array<i32>} : memref<1024xi32, #tpu.memory_space<vmem>>, vector<16xi32>,
    %get3A_161 = arith.constant 208 : index
    %get3A_162 = tpu.vector_load %arg12[%get3A_161] {strides = array<i32>} : memref<1024xi32, #tpu.memory_space<vmem>>, vector<16xi32>,
    %add3A_163 = arith.addi %add3A_158, %get3A_162 : vector<16xi32>
    %swap3A_164 = arith.constant 272 : index
    %swap3A_165 = tpu.vector_load %arg13[%swap3A_164] {strides = array<i32>} : memref<1024xi32, #tpu.memory_space<vmem>>, vector<16xi32>,
    tpu.vector_store %arg13[%swap3A_164], %add3A_163 {strides = array<i32>} : memref<1024xi32, #tpu.memory_space<vmem>>, vector<16xi32>,
    %get3A_166 = arith.constant 272 : index
    %get3A_167 = tpu.vector_load %arg12[%get3A_166] {strides = array<i32>} : memref<1024xi32, #tpu.memory_space<vmem>>, vector<16xi32>,
    %add3A_168 = arith.addi %add3A_163, %get3A_167 : vector<16xi32>
    %swap3A_169 = arith.constant 336 : index
    %swap3A_170 = tpu.vector_load %arg13[%swap3A_169] {strides = array<i32>} : memref<1024xi32, #tpu.memory_space<vmem>>, vector<16xi32>,
    tpu.vector_store %arg13[%swap3A_169], %add3A_168 {strides = array<i32>} : memref<1024xi32, #tpu.memory_space<vmem>>, vector<16xi32>,
    %get3A_171 = arith.constant 336 : index
    %get3A_172 = tpu.vector_load %arg12[%get3A_171] {strides = array<i32>} : memref<1024xi32, #tpu.memory_space<vmem>>, vector<16xi32>,
    %add3A_173 = arith.addi %add3A_168, %get3A_172 : vector<16xi32>
    %swap3A_174 = arith.constant 400 : index
    %swap3A_175 = tpu.vector_load %arg13[%swap3A_174] {strides = array<i32>} : memref<1024xi32, #tpu.memory_space<vmem>>, vector<16xi32>,
    tpu.vector_store %arg13[%swap3A_174], %add3A_173 {strides = array<i32>} : memref<1024xi32, #tpu.memory_space<vmem>>, vector<16xi32>,
    %get3A_176 = arith.constant 400 : index
    %get3A_177 = tpu.vector_load %arg12[%get3A_176] {strides = array<i32>} : memref<1024xi32, #tpu.memory_space<vmem>>, vector<16xi32>,
    %add3A_178 = arith.addi %add3A_173, %get3A_177 : vector<16xi32>
    %swap3A_179 = arith.constant 464 : index
    %swap3A_180 = tpu.vector_load %arg13[%swap3A_179] {strides = array<i32>} : memref<1024xi32, #tpu.memory_space<vmem>>, vector<16xi32>,
    tpu.vector_store %arg13[%swap3A_179], %add3A_178 {strides = array<i32>} : memref<1024xi32, #tpu.memory_space<vmem>>, vector<16xi32>,
    %get3A_181 = arith.constant 464 : index
    %get3A_182 = tpu.vector_load %arg12[%get3A_181] {strides = array<i32>} : memref<1024xi32, #tpu.memory_space<vmem>>, vector<16xi32>,
    %add3A_183 = arith.addi %add3A_178, %get3A_182 : vector<16xi32>
    %swap3A_184 = arith.constant 528 : index
    %swap3A_185 = tpu.vector_load %arg13[%swap3A_184] {strides = array<i32>} : memref<1024xi32, #tpu.memory_space<vmem>>, vector<16xi32>,
    tpu.vector_store %arg13[%swap3A_184], %add3A_183 {strides = array<i32>} : memref<1024xi32, #tpu.memory_space<vmem>>, vector<16xi32>,
    %get3A_186 = arith.constant 528 : index
    %get3A_187 = tpu.vector_load %arg12[%get3A_186] {strides = array<i32>} : memref<1024xi32, #tpu.memory_space<vmem>>, vector<16xi32>,
    %add3A_188 = arith.addi %add3A_183, %get3A_187 : vector<16xi32>
    %swap3A_189 = arith.constant 592 : index
    %swap3A_190 = tpu.vector_load %arg13[%swap3A_189] {strides = array<i32>} : memref<1024xi32, #tpu.memory_space<vmem>>, vector<16xi32>,
    tpu.vector_store %arg13[%swap3A_189], %add3A_188 {strides = array<i32>} : memref<1024xi32, #tpu.memory_space<vmem>>, vector<16xi32>,
    %get3A_191 = arith.constant 592 : index
    %get3A_192 = tpu.vector_load %arg12[%get3A_191] {strides = array<i32>} : memref<1024xi32, #tpu.memory_space<vmem>>, vector<16xi32>,
    %add3A_193 = arith.addi %add3A_188, %get3A_192 : vector<16xi32>
    %swap3A_194 = arith.constant 656 : index
    %swap3A_195 = tpu.vector_load %arg13[%swap3A_194] {strides = array<i32>} : memref<1024xi32, #tpu.memory_space<vmem>>, vector<16xi32>,
    tpu.vector_store %arg13[%swap3A_194], %add3A_193 {strides = array<i32>} : memref<1024xi32, #tpu.memory_space<vmem>>, vector<16xi32>,
    %get3A_196 = arith.constant 656 : index
    %get3A_197 = tpu.vector_load %arg12[%get3A_196] {strides = array<i32>} : memref<1024xi32, #tpu.memory_space<vmem>>, vector<16xi32>,
    %add3A_198 = arith.addi %add3A_193, %get3A_197 : vector<16xi32>
    %swap3A_199 = arith.constant 720 : index
    %swap3A_200 = tpu.vector_load %arg13[%swap3A_199] {strides = array<i32>} : memref<1024xi32, #tpu.memory_space<vmem>>, vector<16xi32>,
    tpu.vector_store %arg13[%swap3A_199], %add3A_198 {strides = array<i32>} : memref<1024xi32, #tpu.memory_space<vmem>>, vector<16xi32>,
    %get3A_201 = arith.constant 720 : index
    %get3A_202 = tpu.vector_load %arg12[%get3A_201] {strides = array<i32>} : memref<1024xi32, #tpu.memory_space<vmem>>, vector<16xi32>,
    %add3A_203 = arith.addi %add3A_198, %get3A_202 : vector<16xi32>
    %swap3A_204 = arith.constant 784 : index
    %swap3A_205 = tpu.vector_load %arg13[%swap3A_204] {strides = array<i32>} : memref<1024xi32, #tpu.memory_space<vmem>>, vector<16xi32>,
    tpu.vector_store %arg13[%swap3A_204], %add3A_203 {strides = array<i32>} : memref<1024xi32, #tpu.memory_space<vmem>>, vector<16xi32>,
    %get3A_206 = arith.constant 784 : index
    %get3A_207 = tpu.vector_load %arg12[%get3A_206] {strides = array<i32>} : memref<1024xi32, #tpu.memory_space<vmem>>, vector<16xi32>,
    %add3A_208 = arith.addi %add3A_203, %get3A_207 : vector<16xi32>
    %swap3A_209 = arith.constant 848 : index
    %swap3A_210 = tpu.vector_load %arg13[%swap3A_209] {strides = array<i32>} : memref<1024xi32, #tpu.memory_space<vmem>>, vector<16xi32>,
    tpu.vector_store %arg13[%swap3A_209], %add3A_208 {strides = array<i32>} : memref<1024xi32, #tpu.memory_space<vmem>>, vector<16xi32>,
    %get3A_211 = arith.constant 848 : index
    %get3A_212 = tpu.vector_load %arg12[%get3A_211] {strides = array<i32>} : memref<1024xi32, #tpu.memory_space<vmem>>, vector<16xi32>,
    %add3A_213 = arith.addi %add3A_208, %get3A_212 : vector<16xi32>
    %swap3A_214 = arith.constant 912 : index
    %swap3A_215 = tpu.vector_load %arg13[%swap3A_214] {strides = array<i32>} : memref<1024xi32, #tpu.memory_space<vmem>>, vector<16xi32>,
    tpu.vector_store %arg13[%swap3A_214], %add3A_213 {strides = array<i32>} : memref<1024xi32, #tpu.memory_space<vmem>>, vector<16xi32>,
    %get3A_216 = arith.constant 912 : index
    %get3A_217 = tpu.vector_load %arg12[%get3A_216] {strides = array<i32>} : memref<1024xi32, #tpu.memory_space<vmem>>, vector<16xi32>,
    %add3A_218 = arith.addi %add3A_213, %get3A_217 : vector<16xi32>
    %swap3A_219 = arith.constant 976 : index
    %swap3A_220 = tpu.vector_load %arg13[%swap3A_219] {strides = array<i32>} : memref<1024xi32, #tpu.memory_space<vmem>>, vector<16xi32>,
    tpu.vector_store %arg13[%swap3A_219], %add3A_218 {strides = array<i32>} : memref<1024xi32, #tpu.memory_space<vmem>>, vector<16xi32>,
    %get3A_221 = arith.constant 976 : index
    %get3A_222 = tpu.vector_load %arg12[%get3A_221] {strides = array<i32>} : memref<1024xi32, #tpu.memory_space<vmem>>, vector<16xi32>,
    %add3A_223 = arith.addi %add3A_218, %get3A_222 : vector<16xi32>
    %swap3A_224 = arith.constant 16 : index
    %swap3A_225 = tpu.vector_load %arg15[%swap3A_224] {strides = array<i32>} : memref<64xi32, #tpu.memory_space<vmem>>, vector<16xi32>,
    tpu.vector_store %arg15[%swap3A_224], %add3A_223 {strides = array<i32>} : memref<64xi32, #tpu.memory_space<vmem>>, vector<16xi32>,
    %swap3A_226 = arith.constant 32 : index
    %swap3A_227 = tpu.vector_load %arg13[%swap3A_226] {strides = array<i32>} : memref<1024xi32, #tpu.memory_space<vmem>>, vector<16xi32>,
    tpu.vector_store %arg13[%swap3A_226], %broadcast_in_dim3A_2 {strides = array<i32>} : memref<1024xi32, #tpu.memory_space<vmem>>, vector<16xi32>,
    %get3A_228 = arith.constant 32 : index
    %get3A_229 = tpu.vector_load %arg12[%get3A_228] {strides = array<i32>} : memref<1024xi32, #tpu.memory_space<vmem>>, vector<16xi32>,
    %add3A_230 = arith.addi %broadcast_in_dim3A_2, %get3A_229 : vector<16xi32>
    %swap3A_231 = arith.constant 96 : index
    %swap3A_232 = tpu.vector_load %arg13[%swap3A_231] {strides = array<i32>} : memref<1024xi32, #tpu.memory_space<vmem>>, vector<16xi32>,
    tpu.vector_store %arg13[%swap3A_231], %add3A_230 {strides = array<i32>} : memref<1024xi32, #tpu.memory_space<vmem>>, vector<16xi32>,
    %get3A_233 = arith.constant 96 : index
    %get3A_234 = tpu.vector_load %arg12[%get3A_233] {strides = array<i32>} : memref<1024xi32, #tpu.memory_space<vmem>>, vector<16xi32>,
    %add3A_235 = arith.addi %add3A_230, %get3A_234 : vector<16xi32>
    %swap3A_236 = arith.constant 160 : index
    %swap3A_237 = tpu.vector_load %arg13[%swap3A_236] {strides = array<i32>} : memref<1024xi32, #tpu.memory_space<vmem>>, vector<16xi32>,
    tpu.vector_store %arg13[%swap3A_236], %add3A_235 {strides = array<i32>} : memref<1024xi32, #tpu.memory_space<vmem>>, vector<16xi32>,
    %get3A_238 = arith.constant 160 : index
    %get3A_239 = tpu.vector_load %arg12[%get3A_238] {strides = array<i32>} : memref<1024xi32, #tpu.memory_space<vmem>>, vector<16xi32>,
    %add3A_240 = arith.addi %add3A_235, %get3A_239 : vector<16xi32>
    %swap3A_241 = arith.constant 224 : index
    %swap3A_242 = tpu.vector_load %arg13[%swap3A_241] {strides = array<i32>} : memref<1024xi32, #tpu.memory_space<vmem>>, vector<16xi32>,
    tpu.vector_store %arg13[%swap3A_241], %add3A_240 {strides = array<i32>} : memref<1024xi32, #tpu.memory_space<vmem>>, vector<16xi32>,
    %get3A_243 = arith.constant 224 : index
    %get3A_244 = tpu.vector_load %arg12[%get3A_243] {strides = array<i32>} : memref<1024xi32, #tpu.memory_space<vmem>>, vector<16xi32>,
    %add3A_245 = arith.addi %add3A_240, %get3A_244 : vector<16xi32>
    %swap3A_246 = arith.constant 288 : index
    %swap3A_247 = tpu.vector_load %arg13[%swap3A_246] {strides = array<i32>} : memref<1024xi32, #tpu.memory_space<vmem>>, vector<16xi32>,
    tpu.vector_store %arg13[%swap3A_246], %add3A_245 {strides = array<i32>} : memref<1024xi32, #tpu.memory_space<vmem>>, vector<16xi32>,
    %get3A_248 = arith.constant 288 : index
    %get3A_249 = tpu.vector_load %arg12[%get3A_248] {strides = array<i32>} : memref<1024xi32, #tpu.memory_space<vmem>>, vector<16xi32>,
    %add3A_250 = arith.addi %add3A_245, %get3A_249 : vector<16xi32>
    %swap3A_251 = arith.constant 352 : index
    %swap3A_252 = tpu.vector_load %arg13[%swap3A_251] {strides = array<i32>} : memref<1024xi32, #tpu.memory_space<vmem>>, vector<16xi32>,
    tpu.vector_store %arg13[%swap3A_251], %add3A_250 {strides = array<i32>} : memref<1024xi32, #tpu.memory_space<vmem>>, vector<16xi32>,
    %get3A_253 = arith.constant 352 : index
    %get3A_254 = tpu.vector_load %arg12[%get3A_253] {strides = array<i32>} : memref<1024xi32, #tpu.memory_space<vmem>>, vector<16xi32>,
    %add3A_255 = arith.addi %add3A_250, %get3A_254 : vector<16xi32>
    %swap3A_256 = arith.constant 416 : index
    %swap3A_257 = tpu.vector_load %arg13[%swap3A_256] {strides = array<i32>} : memref<1024xi32, #tpu.memory_space<vmem>>, vector<16xi32>,
    tpu.vector_store %arg13[%swap3A_256], %add3A_255 {strides = array<i32>} : memref<1024xi32, #tpu.memory_space<vmem>>, vector<16xi32>,
    %get3A_258 = arith.constant 416 : index
    %get3A_259 = tpu.vector_load %arg12[%get3A_258] {strides = array<i32>} : memref<1024xi32, #tpu.memory_space<vmem>>, vector<16xi32>,
    %add3A_260 = arith.addi %add3A_255, %get3A_259 : vector<16xi32>
    %swap3A_261 = arith.constant 480 : index
    %swap3A_262 = tpu.vector_load %arg13[%swap3A_261] {strides = array<i32>} : memref<1024xi32, #tpu.memory_space<vmem>>, vector<16xi32>,
    tpu.vector_store %arg13[%swap3A_261], %add3A_260 {strides = array<i32>} : memref<1024xi32, #tpu.memory_space<vmem>>, vector<16xi32>,
    %get3A_263 = arith.constant 480 : index
    %get3A_264 = tpu.vector_load %arg12[%get3A_263] {strides = array<i32>} : memref<1024xi32, #tpu.memory_space<vmem>>, vector<16xi32>,
    %add3A_265 = arith.addi %add3A_260, %get3A_264 : vector<16xi32>
    %swap3A_266 = arith.constant 544 : index
    %swap3A_267 = tpu.vector_load %arg13[%swap3A_266] {strides = array<i32>} : memref<1024xi32, #tpu.memory_space<vmem>>, vector<16xi32>,
    tpu.vector_store %arg13[%swap3A_266], %add3A_265 {strides = array<i32>} : memref<1024xi32, #tpu.memory_space<vmem>>, vector<16xi32>,
    %get3A_268 = arith.constant 544 : index
    %get3A_269 = tpu.vector_load %arg12[%get3A_268] {strides = array<i32>} : memref<1024xi32, #tpu.memory_space<vmem>>, vector<16xi32>,
    %add3A_270 = arith.addi %add3A_265, %get3A_269 : vector<16xi32>
    %swap3A_271 = arith.constant 608 : index
    %swap3A_272 = tpu.vector_load %arg13[%swap3A_271] {strides = array<i32>} : memref<1024xi32, #tpu.memory_space<vmem>>, vector<16xi32>,
    tpu.vector_store %arg13[%swap3A_271], %add3A_270 {strides = array<i32>} : memref<1024xi32, #tpu.memory_space<vmem>>, vector<16xi32>,
    %get3A_273 = arith.constant 608 : index
    %get3A_274 = tpu.vector_load %arg12[%get3A_273] {strides = array<i32>} : memref<1024xi32, #tpu.memory_space<vmem>>, vector<16xi32>,
    %add3A_275 = arith.addi %add3A_270, %get3A_274 : vector<16xi32>
    %swap3A_276 = arith.constant 672 : index
    %swap3A_277 = tpu.vector_load %arg13[%swap3A_276] {strides = array<i32>} : memref<1024xi32, #tpu.memory_space<vmem>>, vector<16xi32>,
    tpu.vector_store %arg13[%swap3A_276], %add3A_275 {strides = array<i32>} : memref<1024xi32, #tpu.memory_space<vmem>>, vector<16xi32>,
    %get3A_278 = arith.constant 672 : index
    %get3A_279 = tpu.vector_load %arg12[%get3A_278] {strides = array<i32>} : memref<1024xi32, #tpu.memory_space<vmem>>, vector<16xi32>,
    %add3A_280 = arith.addi %add3A_275, %get3A_279 : vector<16xi32>
    %swap3A_281 = arith.constant 736 : index
    %swap3A_282 = tpu.vector_load %arg13[%swap3A_281] {strides = array<i32>} : memref<1024xi32, #tpu.memory_space<vmem>>, vector<16xi32>,
    tpu.vector_store %arg13[%swap3A_281], %add3A_280 {strides = array<i32>} : memref<1024xi32, #tpu.memory_space<vmem>>, vector<16xi32>,
    %get3A_283 = arith.constant 736 : index
    %get3A_284 = tpu.vector_load %arg12[%get3A_283] {strides = array<i32>} : memref<1024xi32, #tpu.memory_space<vmem>>, vector<16xi32>,
    %add3A_285 = arith.addi %add3A_280, %get3A_284 : vector<16xi32>
    %swap3A_286 = arith.constant 800 : index
    %swap3A_287 = tpu.vector_load %arg13[%swap3A_286] {strides = array<i32>} : memref<1024xi32, #tpu.memory_space<vmem>>, vector<16xi32>,
    tpu.vector_store %arg13[%swap3A_286], %add3A_285 {strides = array<i32>} : memref<1024xi32, #tpu.memory_space<vmem>>, vector<16xi32>,
    %get3A_288 = arith.constant 800 : index
    %get3A_289 = tpu.vector_load %arg12[%get3A_288] {strides = array<i32>} : memref<1024xi32, #tpu.memory_space<vmem>>, vector<16xi32>,
    %add3A_290 = arith.addi %add3A_285, %get3A_289 : vector<16xi32>
    %swap3A_291 = arith.constant 864 : index
    %swap3A_292 = tpu.vector_load %arg13[%swap3A_291] {strides = array<i32>} : memref<1024xi32, #tpu.memory_space<vmem>>, vector<16xi32>,
    tpu.vector_store %arg13[%swap3A_291], %add3A_290 {strides = array<i32>} : memref<1024xi32, #tpu.memory_space<vmem>>, vector<16xi32>,
    %get3A_293 = arith.constant 864 : index
    %get3A_294 = tpu.vector_load %arg12[%get3A_293] {strides = array<i32>} : memref<1024xi32, #tpu.memory_space<vmem>>, vector<16xi32>,
    %add3A_295 = arith.addi %add3A_290, %get3A_294 : vector<16xi32>
    %swap3A_296 = arith.constant 928 : index
    %swap3A_297 = tpu.vector_load %arg13[%swap3A_296] {strides = array<i32>} : memref<1024xi32, #tpu.memory_space<vmem>>, vector<16xi32>,
    tpu.vector_store %arg13[%swap3A_296], %add3A_295 {strides = array<i32>} : memref<1024xi32, #tpu.memory_space<vmem>>, vector<16xi32>,
    %get3A_298 = arith.constant 928 : index
    %get3A_299 = tpu.vector_load %arg12[%get3A_298] {strides = array<i32>} : memref<1024xi32, #tpu.memory_space<vmem>>, vector<16xi32>,
    %add3A_300 = arith.addi %add3A_295, %get3A_299 : vector<16xi32>
    %swap3A_301 = arith.constant 992 : index
    %swap3A_302 = tpu.vector_load %arg13[%swap3A_301] {strides = array<i32>} : memref<1024xi32, #tpu.memory_space<vmem>>, vector<16xi32>,
    tpu.vector_store %arg13[%swap3A_301], %add3A_300 {strides = array<i32>} : memref<1024xi32, #tpu.memory_space<vmem>>, vector<16xi32>,
    %get3A_303 = arith.constant 992 : index
    %get3A_304 = tpu.vector_load %arg12[%get3A_303] {strides = array<i32>} : memref<1024xi32, #tpu.memory_space<vmem>>, vector<16xi32>,
    %add3A_305 = arith.addi %add3A_300, %get3A_304 : vector<16xi32>
    %swap3A_306 = arith.constant 32 : index
    %swap3A_307 = tpu.vector_load %arg15[%swap3A_306] {strides = array<i32>} : memref<64xi32, #tpu.memory_space<vmem>>, vector<16xi32>,
    tpu.vector_store %arg15[%swap3A_306], %add3A_305 {strides = array<i32>} : memref<64xi32, #tpu.memory_space<vmem>>, vector<16xi32>,
    %swap3A_308 = arith.constant 48 : index
    %swap3A_309 = tpu.vector_load %arg13[%swap3A_308] {strides = array<i32>} : memref<1024xi32, #tpu.memory_space<vmem>>, vector<16xi32>,
    tpu.vector_store %arg13[%swap3A_308], %broadcast_in_dim3A_2 {strides = array<i32>} : memref<1024xi32, #tpu.memory_space<vmem>>, vector<16xi32>,
    %get3A_310 = arith.constant 48 : index
    %get3A_311 = tpu.vector_load %arg12[%get3A_310] {strides = array<i32>} : memref<1024xi32, #tpu.memory_space<vmem>>, vector<16xi32>,
    %add3A_312 = arith.addi %broadcast_in_dim3A_2, %get3A_311 : vector<16xi32>
    %swap3A_313 = arith.constant 112 : index
    %swap3A_314 = tpu.vector_load %arg13[%swap3A_313] {strides = array<i32>} : memref<1024xi32, #tpu.memory_space<vmem>>, vector<16xi32>,
    tpu.vector_store %arg13[%swap3A_313], %add3A_312 {strides = array<i32>} : memref<1024xi32, #tpu.memory_space<vmem>>, vector<16xi32>,
    %get3A_315 = arith.constant 112 : index
    %get3A_316 = tpu.vector_load %arg12[%get3A_315] {strides = array<i32>} : memref<1024xi32, #tpu.memory_space<vmem>>, vector<16xi32>,
    %add3A_317 = arith.addi %add3A_312, %get3A_316 : vector<16xi32>
    %swap3A_318 = arith.constant 176 : index
    %swap3A_319 = tpu.vector_load %arg13[%swap3A_318] {strides = array<i32>} : memref<1024xi32, #tpu.memory_space<vmem>>, vector<16xi32>,
    tpu.vector_store %arg13[%swap3A_318], %add3A_317 {strides = array<i32>} : memref<1024xi32, #tpu.memory_space<vmem>>, vector<16xi32>,
    %get3A_320 = arith.constant 176 : index
    %get3A_321 = tpu.vector_load %arg12[%get3A_320] {strides = array<i32>} : memref<1024xi32, #tpu.memory_space<vmem>>, vector<16xi32>,
    %add3A_322 = arith.addi %add3A_317, %get3A_321 : vector<16xi32>
    %swap3A_323 = arith.constant 240 : index
    %swap3A_324 = tpu.vector_load %arg13[%swap3A_323] {strides = array<i32>} : memref<1024xi32, #tpu.memory_space<vmem>>, vector<16xi32>,
    tpu.vector_store %arg13[%swap3A_323], %add3A_322 {strides = array<i32>} : memref<1024xi32, #tpu.memory_space<vmem>>, vector<16xi32>,
    %get3A_325 = arith.constant 240 : index
    %get3A_326 = tpu.vector_load %arg12[%get3A_325] {strides = array<i32>} : memref<1024xi32, #tpu.memory_space<vmem>>, vector<16xi32>,
    %add3A_327 = arith.addi %add3A_322, %get3A_326 : vector<16xi32>
    %swap3A_328 = arith.constant 304 : index
    %swap3A_329 = tpu.vector_load %arg13[%swap3A_328] {strides = array<i32>} : memref<1024xi32, #tpu.memory_space<vmem>>, vector<16xi32>,
    tpu.vector_store %arg13[%swap3A_328], %add3A_327 {strides = array<i32>} : memref<1024xi32, #tpu.memory_space<vmem>>, vector<16xi32>,
    %get3A_330 = arith.constant 304 : index
    %get3A_331 = tpu.vector_load %arg12[%get3A_330] {strides = array<i32>} : memref<1024xi32, #tpu.memory_space<vmem>>, vector<16xi32>,
    %add3A_332 = arith.addi %add3A_327, %get3A_331 : vector<16xi32>
    %swap3A_333 = arith.constant 368 : index
    %swap3A_334 = tpu.vector_load %arg13[%swap3A_333] {strides = array<i32>} : memref<1024xi32, #tpu.memory_space<vmem>>, vector<16xi32>,
    tpu.vector_store %arg13[%swap3A_333], %add3A_332 {strides = array<i32>} : memref<1024xi32, #tpu.memory_space<vmem>>, vector<16xi32>,
    %get3A_335 = arith.constant 368 : index
    %get3A_336 = tpu.vector_load %arg12[%get3A_335] {strides = array<i32>} : memref<1024xi32, #tpu.memory_space<vmem>>, vector<16xi32>,
    %add3A_337 = arith.addi %add3A_332, %get3A_336 : vector<16xi32>
    %swap3A_338 = arith.constant 432 : index
    %swap3A_339 = tpu.vector_load %arg13[%swap3A_338] {strides = array<i32>} : memref<1024xi32, #tpu.memory_space<vmem>>, vector<16xi32>,
    tpu.vector_store %arg13[%swap3A_338], %add3A_337 {strides = array<i32>} : memref<1024xi32, #tpu.memory_space<vmem>>, vector<16xi32>,
    %get3A_340 = arith.constant 432 : index
    %get3A_341 = tpu.vector_load %arg12[%get3A_340] {strides = array<i32>} : memref<1024xi32, #tpu.memory_space<vmem>>, vector<16xi32>,
    %add3A_342 = arith.addi %add3A_337, %get3A_341 : vector<16xi32>
    %swap3A_343 = arith.constant 496 : index
    %swap3A_344 = tpu.vector_load %arg13[%swap3A_343] {strides = array<i32>} : memref<1024xi32, #tpu.memory_space<vmem>>, vector<16xi32>,
    tpu.vector_store %arg13[%swap3A_343], %add3A_342 {strides = array<i32>} : memref<1024xi32, #tpu.memory_space<vmem>>, vector<16xi32>,
    %get3A_345 = arith.constant 496 : index
    %get3A_346 = tpu.vector_load %arg12[%get3A_345] {strides = array<i32>} : memref<1024xi32, #tpu.memory_space<vmem>>, vector<16xi32>,
    %add3A_347 = arith.addi %add3A_342, %get3A_346 : vector<16xi32>
    %swap3A_348 = arith.constant 560 : index
    %swap3A_349 = tpu.vector_load %arg13[%swap3A_348] {strides = array<i32>} : memref<1024xi32, #tpu.memory_space<vmem>>, vector<16xi32>,
    tpu.vector_store %arg13[%swap3A_348], %add3A_347 {strides = array<i32>} : memref<1024xi32, #tpu.memory_space<vmem>>, vector<16xi32>,
    %get3A_350 = arith.constant 560 : index
    %get3A_351 = tpu.vector_load %arg12[%get3A_350] {strides = array<i32>} : memref<1024xi32, #tpu.memory_space<vmem>>, vector<16xi32>,
    %add3A_352 = arith.addi %add3A_347, %get3A_351 : vector<16xi32>
    %swap3A_353 = arith.constant 624 : index
    %swap3A_354 = tpu.vector_load %arg13[%swap3A_353] {strides = array<i32>} : memref<1024xi32, #tpu.memory_space<vmem>>, vector<16xi32>,
    tpu.vector_store %arg13[%swap3A_353], %add3A_352 {strides = array<i32>} : memref<1024xi32, #tpu.memory_space<vmem>>, vector<16xi32>,
    %get3A_355 = arith.constant 624 : index
    %get3A_356 = tpu.vector_load %arg12[%get3A_355] {strides = array<i32>} : memref<1024xi32, #tpu.memory_space<vmem>>, vector<16xi32>,
    %add3A_357 = arith.addi %add3A_352, %get3A_356 : vector<16xi32>
    %swap3A_358 = arith.constant 688 : index
    %swap3A_359 = tpu.vector_load %arg13[%swap3A_358] {strides = array<i32>} : memref<1024xi32, #tpu.memory_space<vmem>>, vector<16xi32>,
    tpu.vector_store %arg13[%swap3A_358], %add3A_357 {strides = array<i32>} : memref<1024xi32, #tpu.memory_space<vmem>>, vector<16xi32>,
    %get3A_360 = arith.constant 688 : index
    %get3A_361 = tpu.vector_load %arg12[%get3A_360] {strides = array<i32>} : memref<1024xi32, #tpu.memory_space<vmem>>, vector<16xi32>,
    %add3A_362 = arith.addi %add3A_357, %get3A_361 : vector<16xi32>
    %swap3A_363 = arith.constant 752 : index
    %swap3A_364 = tpu.vector_load %arg13[%swap3A_363] {strides = array<i32>} : memref<1024xi32, #tpu.memory_space<vmem>>, vector<16xi32>,
    tpu.vector_store %arg13[%swap3A_363], %add3A_362 {strides = array<i32>} : memref<1024xi32, #tpu.memory_space<vmem>>, vector<16xi32>,
    %get3A_365 = arith.constant 752 : index
    %get3A_366 = tpu.vector_load %arg12[%get3A_365] {strides = array<i32>} : memref<1024xi32, #tpu.memory_space<vmem>>, vector<16xi32>,
    %add3A_367 = arith.addi %add3A_362, %get3A_366 : vector<16xi32>
    %swap3A_368 = arith.constant 816 : index
    %swap3A_369 = tpu.vector_load %arg13[%swap3A_368] {strides = array<i32>} : memref<1024xi32, #tpu.memory_space<vmem>>, vector<16xi32>,
    tpu.vector_store %arg13[%swap3A_368], %add3A_367 {strides = array<i32>} : memref<1024xi32, #tpu.memory_space<vmem>>, vector<16xi32>,
    %get3A_370 = arith.constant 816 : index
    %get3A_371 = tpu.vector_load %arg12[%get3A_370] {strides = array<i32>} : memref<1024xi32, #tpu.memory_space<vmem>>, vector<16xi32>,
    %add3A_372 = arith.addi %add3A_367, %get3A_371 : vector<16xi32>
    %swap3A_373 = arith.constant 880 : index
    %swap3A_374 = tpu.vector_load %arg13[%swap3A_373] {strides = array<i32>} : memref<1024xi32, #tpu.memory_space<vmem>>, vector<16xi32>,
    tpu.vector_store %arg13[%swap3A_373], %add3A_372 {strides = array<i32>} : memref<1024xi32, #tpu.memory_space<vmem>>, vector<16xi32>,
    %get3A_375 = arith.constant 880 : index
    %get3A_376 = tpu.vector_load %arg12[%get3A_375] {strides = array<i32>} : memref<1024xi32, #tpu.memory_space<vmem>>, vector<16xi32>,
    %add3A_377 = arith.addi %add3A_372, %get3A_376 : vector<16xi32>
    %swap3A_378 = arith.constant 944 : index
    %swap3A_379 = tpu.vector_load %arg13[%swap3A_378] {strides = array<i32>} : memref<1024xi32, #tpu.memory_space<vmem>>, vector<16xi32>,
    tpu.vector_store %arg13[%swap3A_378], %add3A_377 {strides = array<i32>} : memref<1024xi32, #tpu.memory_space<vmem>>, vector<16xi32>,
    %get3A_380 = arith.constant 944 : index
    %get3A_381 = tpu.vector_load %arg12[%get3A_380] {strides = array<i32>} : memref<1024xi32, #tpu.memory_space<vmem>>, vector<16xi32>,
    %add3A_382 = arith.addi %add3A_377, %get3A_381 : vector<16xi32>
    %swap3A_383 = arith.constant 1008 : index
    %swap3A_384 = tpu.vector_load %arg13[%swap3A_383] {strides = array<i32>} : memref<1024xi32, #tpu.memory_space<vmem>>, vector<16xi32>,
    tpu.vector_store %arg13[%swap3A_383], %add3A_382 {strides = array<i32>} : memref<1024xi32, #tpu.memory_space<vmem>>, vector<16xi32>,
    %get3A_385 = arith.constant 1008 : index
    %get3A_386 = tpu.vector_load %arg12[%get3A_385] {strides = array<i32>} : memref<1024xi32, #tpu.memory_space<vmem>>, vector<16xi32>,
    %add3A_387 = arith.addi %add3A_382, %get3A_386 : vector<16xi32>
    %swap3A_388 = arith.constant 48 : index
    %swap3A_389 = tpu.vector_load %arg15[%swap3A_388] {strides = array<i32>} : memref<64xi32, #tpu.memory_space<vmem>>, vector<16xi32>,
    tpu.vector_store %arg15[%swap3A_388], %add3A_387 {strides = array<i32>} : memref<64xi32, #tpu.memory_space<vmem>>, vector<16xi32>,
    %mul3A_390 = arith.constant 64 : i32
    %mul3A_391 = arith.muli %arg1, %mul3A_390 : i32
    "tpu.region"() ({
      %run_scoped3A = tpu.sem_alloc : memref<!tpu.dma_semaphore, #tpu.memory_space<semaphore_mem>>
      %dma_start3A_1157 = tpu.memref_slice %arg25[%mul3A_391] : memref<1024xi32, #tpu.memory_space<vmem_shared>> -> memref<64xi32, #tpu.memory_space<vmem_shared>>
      %dma_start3A_1158 = tpu.memref_slice %arg25[%mul3A_391] : memref<1024xi32, #tpu.memory_space<vmem_shared>> -> memref<64xi32, #tpu.memory_space<vmem_shared>>
      tpu.enqueue_dma source(%arg15 : memref<64xi32, #tpu.memory_space<vmem>>) target(%dma_start3A_1158 : memref<64xi32, #tpu.memory_space<vmem_shared>>) target_semaphore(%run_scoped3A : memref<!tpu.dma_semaphore, #tpu.memory_space<semaphore_mem>>)
      %dma_wait3A_1159 = tpu.memref_slice %arg25[%mul3A_391] : memref<1024xi32, #tpu.memory_space<vmem_shared>> -> memref<64xi32, #tpu.memory_space<vmem_shared>>
      %dma_wait3A_1160 = tpu.memref_slice %arg25[%mul3A_391] : memref<1024xi32, #tpu.memory_space<vmem_shared>> -> memref<64xi32, #tpu.memory_space<vmem_shared>>
      tpu.wait_dma2 semaphore(%run_scoped3A : memref<!tpu.dma_semaphore, #tpu.memory_space<semaphore_mem>>) src(%arg15 : memref<64xi32, #tpu.memory_space<vmem>>) dst(%dma_wait3A_1160 : memref<64xi32, #tpu.memory_space<vmem_shared>>)
      tpu.yield
    }) : () -> ()
    %barrier3A = arith.constant 0 : index
    tpu.barrier barrier_id(%barrier3A)
    "tpu.region"() ({
      %run_scoped3A = tpu.sem_alloc : memref<!tpu.dma_semaphore, #tpu.memory_space<semaphore_mem>>
      tpu.enqueue_dma source(%arg25 : memref<1024xi32, #tpu.memory_space<vmem_shared>>) target(%arg16 : memref<1024xi32, #tpu.memory_space<vmem>>) target_semaphore(%run_scoped3A : memref<!tpu.dma_semaphore, #tpu.memory_space<semaphore_mem>>)
      tpu.wait_dma2 semaphore(%run_scoped3A : memref<!tpu.dma_semaphore, #tpu.memory_space<semaphore_mem>>) src(%arg25 : memref<1024xi32, #tpu.memory_space<vmem_shared>>) dst(%arg16 : memref<1024xi32, #tpu.memory_space<vmem>>)
      tpu.yield
    }) : () -> ()
    %get3A_392 = arith.constant 0 : index
    %get3A_393 = tpu.vector_load %arg16[%get3A_392] {strides = array<i32>} : memref<1024xi32, #tpu.memory_space<vmem>>, vector<16xi32>,
    %gt3A = arith.constant 0 : i32
    %gt3A_394 = arith.cmpi sgt, %arg1, %gt3A : i32
    %broadcast_in_dim3A_395 = vector.broadcast %gt3A_394 : i1 to vector<16xi1>
    %select_n3A = arith.select %broadcast_in_dim3A_395, %get3A_393, %broadcast_in_dim3A_2 : vector<16xi1>, vector<16xi32>
    %add3A_396 = arith.addi %broadcast_in_dim3A_2, %select_n3A : vector<16xi32>
    %add3A_397 = arith.addi %broadcast_in_dim3A_2, %get3A_393 : vector<16xi32>
    %get3A_398 = arith.constant 64 : index
    %get3A_399 = tpu.vector_load %arg16[%get3A_398] {strides = array<i32>} : memref<1024xi32, #tpu.memory_space<vmem>>, vector<16xi32>,
    %gt3A_400 = arith.constant 1 : i32
    %gt3A_401 = arith.cmpi sgt, %arg1, %gt3A_400 : i32
    %broadcast_in_dim3A_402 = vector.broadcast %gt3A_401 : i1 to vector<16xi1>
    %select_n3A_403 = arith.select %broadcast_in_dim3A_402, %get3A_399, %broadcast_in_dim3A_2 : vector<16xi1>, vector<16xi32>
    %add3A_404 = arith.addi %add3A_396, %select_n3A_403 : vector<16xi32>
    %add3A_405 = arith.addi %add3A_397, %get3A_399 : vector<16xi32>
    %get3A_406 = arith.constant 128 : index
    %get3A_407 = tpu.vector_load %arg16[%get3A_406] {strides = array<i32>} : memref<1024xi32, #tpu.memory_space<vmem>>, vector<16xi32>,
    %gt3A_408 = arith.constant 2 : i32
    %gt3A_409 = arith.cmpi sgt, %arg1, %gt3A_408 : i32
    %broadcast_in_dim3A_410 = vector.broadcast %gt3A_409 : i1 to vector<16xi1>
    %select_n3A_411 = arith.select %broadcast_in_dim3A_410, %get3A_407, %broadcast_in_dim3A_2 : vector<16xi1>, vector<16xi32>
    %add3A_412 = arith.addi %add3A_404, %select_n3A_411 : vector<16xi32>
    %add3A_413 = arith.addi %add3A_405, %get3A_407 : vector<16xi32>
    %get3A_414 = arith.constant 192 : index
    %get3A_415 = tpu.vector_load %arg16[%get3A_414] {strides = array<i32>} : memref<1024xi32, #tpu.memory_space<vmem>>, vector<16xi32>,
    %gt3A_416 = arith.constant 3 : i32
    %gt3A_417 = arith.cmpi sgt, %arg1, %gt3A_416 : i32
    %broadcast_in_dim3A_418 = vector.broadcast %gt3A_417 : i1 to vector<16xi1>
    %select_n3A_419 = arith.select %broadcast_in_dim3A_418, %get3A_415, %broadcast_in_dim3A_2 : vector<16xi1>, vector<16xi32>
    %add3A_420 = arith.addi %add3A_412, %select_n3A_419 : vector<16xi32>
    %add3A_421 = arith.addi %add3A_413, %get3A_415 : vector<16xi32>
    %get3A_422 = arith.constant 256 : index
    %get3A_423 = tpu.vector_load %arg16[%get3A_422] {strides = array<i32>} : memref<1024xi32, #tpu.memory_space<vmem>>, vector<16xi32>,
    %gt3A_424 = arith.constant 4 : i32
    %gt3A_425 = arith.cmpi sgt, %arg1, %gt3A_424 : i32
    %broadcast_in_dim3A_426 = vector.broadcast %gt3A_425 : i1 to vector<16xi1>
    %select_n3A_427 = arith.select %broadcast_in_dim3A_426, %get3A_423, %broadcast_in_dim3A_2 : vector<16xi1>, vector<16xi32>
    %add3A_428 = arith.addi %add3A_420, %select_n3A_427 : vector<16xi32>
    %add3A_429 = arith.addi %add3A_421, %get3A_423 : vector<16xi32>
    %get3A_430 = arith.constant 320 : index
    %get3A_431 = tpu.vector_load %arg16[%get3A_430] {strides = array<i32>} : memref<1024xi32, #tpu.memory_space<vmem>>, vector<16xi32>,
    %gt3A_432 = arith.constant 5 : i32
    %gt3A_433 = arith.cmpi sgt, %arg1, %gt3A_432 : i32
    %broadcast_in_dim3A_434 = vector.broadcast %gt3A_433 : i1 to vector<16xi1>
    %select_n3A_435 = arith.select %broadcast_in_dim3A_434, %get3A_431, %broadcast_in_dim3A_2 : vector<16xi1>, vector<16xi32>
    %add3A_436 = arith.addi %add3A_428, %select_n3A_435 : vector<16xi32>
    %add3A_437 = arith.addi %add3A_429, %get3A_431 : vector<16xi32>
    %get3A_438 = arith.constant 384 : index
    %get3A_439 = tpu.vector_load %arg16[%get3A_438] {strides = array<i32>} : memref<1024xi32, #tpu.memory_space<vmem>>, vector<16xi32>,
    %gt3A_440 = arith.constant 6 : i32
    %gt3A_441 = arith.cmpi sgt, %arg1, %gt3A_440 : i32
    %broadcast_in_dim3A_442 = vector.broadcast %gt3A_441 : i1 to vector<16xi1>
    %select_n3A_443 = arith.select %broadcast_in_dim3A_442, %get3A_439, %broadcast_in_dim3A_2 : vector<16xi1>, vector<16xi32>
    %add3A_444 = arith.addi %add3A_436, %select_n3A_443 : vector<16xi32>
    %add3A_445 = arith.addi %add3A_437, %get3A_439 : vector<16xi32>
    %get3A_446 = arith.constant 448 : index
    %get3A_447 = tpu.vector_load %arg16[%get3A_446] {strides = array<i32>} : memref<1024xi32, #tpu.memory_space<vmem>>, vector<16xi32>,
    %gt3A_448 = arith.constant 7 : i32
    %gt3A_449 = arith.cmpi sgt, %arg1, %gt3A_448 : i32
    %broadcast_in_dim3A_450 = vector.broadcast %gt3A_449 : i1 to vector<16xi1>
    %select_n3A_451 = arith.select %broadcast_in_dim3A_450, %get3A_447, %broadcast_in_dim3A_2 : vector<16xi1>, vector<16xi32>
    %add3A_452 = arith.addi %add3A_444, %select_n3A_451 : vector<16xi32>
    %add3A_453 = arith.addi %add3A_445, %get3A_447 : vector<16xi32>
    %get3A_454 = arith.constant 512 : index
    %get3A_455 = tpu.vector_load %arg16[%get3A_454] {strides = array<i32>} : memref<1024xi32, #tpu.memory_space<vmem>>, vector<16xi32>,
    %gt3A_456 = arith.constant 8 : i32
    %gt3A_457 = arith.cmpi sgt, %arg1, %gt3A_456 : i32
    %broadcast_in_dim3A_458 = vector.broadcast %gt3A_457 : i1 to vector<16xi1>
    %select_n3A_459 = arith.select %broadcast_in_dim3A_458, %get3A_455, %broadcast_in_dim3A_2 : vector<16xi1>, vector<16xi32>
    %add3A_460 = arith.addi %add3A_452, %select_n3A_459 : vector<16xi32>
    %add3A_461 = arith.addi %add3A_453, %get3A_455 : vector<16xi32>
    %get3A_462 = arith.constant 576 : index
    %get3A_463 = tpu.vector_load %arg16[%get3A_462] {strides = array<i32>} : memref<1024xi32, #tpu.memory_space<vmem>>, vector<16xi32>,
    %gt3A_464 = arith.constant 9 : i32
    %gt3A_465 = arith.cmpi sgt, %arg1, %gt3A_464 : i32
    %broadcast_in_dim3A_466 = vector.broadcast %gt3A_465 : i1 to vector<16xi1>
    %select_n3A_467 = arith.select %broadcast_in_dim3A_466, %get3A_463, %broadcast_in_dim3A_2 : vector<16xi1>, vector<16xi32>
    %add3A_468 = arith.addi %add3A_460, %select_n3A_467 : vector<16xi32>
    %add3A_469 = arith.addi %add3A_461, %get3A_463 : vector<16xi32>
    %get3A_470 = arith.constant 640 : index
    %get3A_471 = tpu.vector_load %arg16[%get3A_470] {strides = array<i32>} : memref<1024xi32, #tpu.memory_space<vmem>>, vector<16xi32>,
    %gt3A_472 = arith.constant 10 : i32
    %gt3A_473 = arith.cmpi sgt, %arg1, %gt3A_472 : i32
    %broadcast_in_dim3A_474 = vector.broadcast %gt3A_473 : i1 to vector<16xi1>
    %select_n3A_475 = arith.select %broadcast_in_dim3A_474, %get3A_471, %broadcast_in_dim3A_2 : vector<16xi1>, vector<16xi32>
    %add3A_476 = arith.addi %add3A_468, %select_n3A_475 : vector<16xi32>
    %add3A_477 = arith.addi %add3A_469, %get3A_471 : vector<16xi32>
    %get3A_478 = arith.constant 704 : index
    %get3A_479 = tpu.vector_load %arg16[%get3A_478] {strides = array<i32>} : memref<1024xi32, #tpu.memory_space<vmem>>, vector<16xi32>,
    %gt3A_480 = arith.constant 11 : i32
    %gt3A_481 = arith.cmpi sgt, %arg1, %gt3A_480 : i32
    %broadcast_in_dim3A_482 = vector.broadcast %gt3A_481 : i1 to vector<16xi1>
    %select_n3A_483 = arith.select %broadcast_in_dim3A_482, %get3A_479, %broadcast_in_dim3A_2 : vector<16xi1>, vector<16xi32>
    %add3A_484 = arith.addi %add3A_476, %select_n3A_483 : vector<16xi32>
    %add3A_485 = arith.addi %add3A_477, %get3A_479 : vector<16xi32>
    %get3A_486 = arith.constant 768 : index
    %get3A_487 = tpu.vector_load %arg16[%get3A_486] {strides = array<i32>} : memref<1024xi32, #tpu.memory_space<vmem>>, vector<16xi32>,
    %gt3A_488 = arith.constant 12 : i32
    %gt3A_489 = arith.cmpi sgt, %arg1, %gt3A_488 : i32
    %broadcast_in_dim3A_490 = vector.broadcast %gt3A_489 : i1 to vector<16xi1>
    %select_n3A_491 = arith.select %broadcast_in_dim3A_490, %get3A_487, %broadcast_in_dim3A_2 : vector<16xi1>, vector<16xi32>
    %add3A_492 = arith.addi %add3A_484, %select_n3A_491 : vector<16xi32>
    %add3A_493 = arith.addi %add3A_485, %get3A_487 : vector<16xi32>
    %get3A_494 = arith.constant 832 : index
    %get3A_495 = tpu.vector_load %arg16[%get3A_494] {strides = array<i32>} : memref<1024xi32, #tpu.memory_space<vmem>>, vector<16xi32>,
    %gt3A_496 = arith.constant 13 : i32
    %gt3A_497 = arith.cmpi sgt, %arg1, %gt3A_496 : i32
    %broadcast_in_dim3A_498 = vector.broadcast %gt3A_497 : i1 to vector<16xi1>
    %select_n3A_499 = arith.select %broadcast_in_dim3A_498, %get3A_495, %broadcast_in_dim3A_2 : vector<16xi1>, vector<16xi32>
    %add3A_500 = arith.addi %add3A_492, %select_n3A_499 : vector<16xi32>
    %add3A_501 = arith.addi %add3A_493, %get3A_495 : vector<16xi32>
    %get3A_502 = arith.constant 896 : index
    %get3A_503 = tpu.vector_load %arg16[%get3A_502] {strides = array<i32>} : memref<1024xi32, #tpu.memory_space<vmem>>, vector<16xi32>,
    %gt3A_504 = arith.constant 14 : i32
    %gt3A_505 = arith.cmpi sgt, %arg1, %gt3A_504 : i32
    %broadcast_in_dim3A_506 = vector.broadcast %gt3A_505 : i1 to vector<16xi1>
    %select_n3A_507 = arith.select %broadcast_in_dim3A_506, %get3A_503, %broadcast_in_dim3A_2 : vector<16xi1>, vector<16xi32>
    %add3A_508 = arith.addi %add3A_500, %select_n3A_507 : vector<16xi32>
    %add3A_509 = arith.addi %add3A_501, %get3A_503 : vector<16xi32>
    %get3A_510 = arith.constant 960 : index
    %get3A_511 = tpu.vector_load %arg16[%get3A_510] {strides = array<i32>} : memref<1024xi32, #tpu.memory_space<vmem>>, vector<16xi32>,
    %gt3A_512 = arith.constant 15 : i32
    %gt3A_513 = arith.cmpi sgt, %arg1, %gt3A_512 : i32
    %broadcast_in_dim3A_514 = vector.broadcast %gt3A_513 : i1 to vector<16xi1>
    %select_n3A_515 = arith.select %broadcast_in_dim3A_514, %get3A_511, %broadcast_in_dim3A_2 : vector<16xi1>, vector<16xi32>
    %add3A_516 = arith.addi %add3A_508, %select_n3A_515 : vector<16xi32>
    %add3A_517 = arith.addi %add3A_509, %get3A_511 : vector<16xi32>
    %swap3A_518 = arith.constant 0 : index
    %swap3A_519 = tpu.vector_load %arg17[%swap3A_518] {strides = array<i32>} : memref<64xi32, #tpu.memory_space<vmem>>, vector<16xi32>,
    tpu.vector_store %arg17[%swap3A_518], %add3A_516 {strides = array<i32>} : memref<64xi32, #tpu.memory_space<vmem>>, vector<16xi32>,
    %swap3A_520 = arith.constant 0 : index
    %swap3A_521 = tpu.vector_load %arg19[%swap3A_520] {strides = array<i32>} : memref<64xi32, #tpu.memory_space<vmem>>, vector<16xi32>,
    tpu.vector_store %arg19[%swap3A_520], %add3A_517 {strides = array<i32>} : memref<64xi32, #tpu.memory_space<vmem>>, vector<16xi32>,
    %add3A_522 = arith.constant 7 : i32
    %add3A_523 = vector.broadcast %add3A_522 : i32 to vector<16xi32>
    %add3A_524 = arith.addi %add3A_517, %add3A_523 : vector<16xi32>
    %shift_right_arithmetic3A = arith.constant 3 : i32
    %shift_right_arithmetic3A_525 = vector.broadcast %shift_right_arithmetic3A : i32 to vector<16xi32>
    %shift_right_arithmetic3A_526 = arith.shrsi %add3A_524, %shift_right_arithmetic3A_525 : vector<16xi32>
    %shift_left3A = arith.constant 3 : i32
    %shift_left3A_527 = vector.broadcast %shift_left3A : i32 to vector<16xi32>
    %shift_left3A_528 = arith.shli %shift_right_arithmetic3A_526, %shift_left3A_527 : vector<16xi32>
    %broadcast_in_dim3A_529 = arith.constant true
    %broadcast_in_dim3A_530 = vector.broadcast %broadcast_in_dim3A_529 : i1 to vector<16xi1>
    %masked_cumsum3A = tpu.scan <sum>, %shift_left3A_528 masked %broadcast_in_dim3A_530 : vector<16xi32>, vector<16xi1> -> vector<16xi32>
    %sub3A = arith.subi %masked_cumsum3A, %shift_left3A_528 : vector<16xi32>
    %add3A_531 = arith.addi %sub3A, %broadcast_in_dim3A_2 : vector<16xi32>
    %swap3A_532 = arith.constant 0 : index
    %swap3A_533 = tpu.vector_load %arg18[%swap3A_532] {strides = array<i32>} : memref<64xi32, #tpu.memory_space<vmem>>, vector<16xi32>,
    tpu.vector_store %arg18[%swap3A_532], %add3A_531 {strides = array<i32>} : memref<64xi32, #tpu.memory_space<vmem>>, vector<16xi32>,
    %reduce_sum3A = arith.constant true
    %reduce_sum3A_534 = vector.broadcast %reduce_sum3A : i1 to vector<16xi1>
    %reduce_sum3A_535 = tpu.scan <sum>, %shift_left3A_528 masked %reduce_sum3A_534 : vector<16xi32>, vector<16xi1> -> vector<16xi32>
    %reduce_sum3A_536 = vector.extract %reduce_sum3A_535[15] : i32 from vector<16xi32>
    %broadcast_in_dim3A_537 = vector.broadcast %reduce_sum3A_536 : i32 to vector<16xi32>
    %add3A_538 = arith.addi %broadcast_in_dim3A_2, %broadcast_in_dim3A_537 : vector<16xi32>
    %get3A_539 = arith.constant 16 : index
    %get3A_540 = tpu.vector_load %arg16[%get3A_539] {strides = array<i32>} : memref<1024xi32, #tpu.memory_space<vmem>>, vector<16xi32>,
    %gt3A_541 = arith.constant 0 : i32
    %gt3A_542 = arith.cmpi sgt, %arg1, %gt3A_541 : i32
    %broadcast_in_dim3A_543 = vector.broadcast %gt3A_542 : i1 to vector<16xi1>
    %select_n3A_544 = arith.select %broadcast_in_dim3A_543, %get3A_540, %broadcast_in_dim3A_2 : vector<16xi1>, vector<16xi32>
    %add3A_545 = arith.addi %broadcast_in_dim3A_2, %select_n3A_544 : vector<16xi32>
    %add3A_546 = arith.addi %broadcast_in_dim3A_2, %get3A_540 : vector<16xi32>
    %get3A_547 = arith.constant 80 : index
    %get3A_548 = tpu.vector_load %arg16[%get3A_547] {strides = array<i32>} : memref<1024xi32, #tpu.memory_space<vmem>>, vector<16xi32>,
    %gt3A_549 = arith.constant 1 : i32
    %gt3A_550 = arith.cmpi sgt, %arg1, %gt3A_549 : i32
    %broadcast_in_dim3A_551 = vector.broadcast %gt3A_550 : i1 to vector<16xi1>
    %select_n3A_552 = arith.select %broadcast_in_dim3A_551, %get3A_548, %broadcast_in_dim3A_2 : vector<16xi1>, vector<16xi32>
    %add3A_553 = arith.addi %add3A_545, %select_n3A_552 : vector<16xi32>
    %add3A_554 = arith.addi %add3A_546, %get3A_548 : vector<16xi32>
    %get3A_555 = arith.constant 144 : index
    %get3A_556 = tpu.vector_load %arg16[%get3A_555] {strides = array<i32>} : memref<1024xi32, #tpu.memory_space<vmem>>, vector<16xi32>,
    %gt3A_557 = arith.constant 2 : i32
    %gt3A_558 = arith.cmpi sgt, %arg1, %gt3A_557 : i32
    %broadcast_in_dim3A_559 = vector.broadcast %gt3A_558 : i1 to vector<16xi1>
    %select_n3A_560 = arith.select %broadcast_in_dim3A_559, %get3A_556, %broadcast_in_dim3A_2 : vector<16xi1>, vector<16xi32>
    %add3A_561 = arith.addi %add3A_553, %select_n3A_560 : vector<16xi32>
    %add3A_562 = arith.addi %add3A_554, %get3A_556 : vector<16xi32>
    %get3A_563 = arith.constant 208 : index
    %get3A_564 = tpu.vector_load %arg16[%get3A_563] {strides = array<i32>} : memref<1024xi32, #tpu.memory_space<vmem>>, vector<16xi32>,
    %gt3A_565 = arith.constant 3 : i32
    %gt3A_566 = arith.cmpi sgt, %arg1, %gt3A_565 : i32
    %broadcast_in_dim3A_567 = vector.broadcast %gt3A_566 : i1 to vector<16xi1>
    %select_n3A_568 = arith.select %broadcast_in_dim3A_567, %get3A_564, %broadcast_in_dim3A_2 : vector<16xi1>, vector<16xi32>
    %add3A_569 = arith.addi %add3A_561, %select_n3A_568 : vector<16xi32>
    %add3A_570 = arith.addi %add3A_562, %get3A_564 : vector<16xi32>
    %get3A_571 = arith.constant 272 : index
    %get3A_572 = tpu.vector_load %arg16[%get3A_571] {strides = array<i32>} : memref<1024xi32, #tpu.memory_space<vmem>>, vector<16xi32>,
    %gt3A_573 = arith.constant 4 : i32
    %gt3A_574 = arith.cmpi sgt, %arg1, %gt3A_573 : i32
    %broadcast_in_dim3A_575 = vector.broadcast %gt3A_574 : i1 to vector<16xi1>
    %select_n3A_576 = arith.select %broadcast_in_dim3A_575, %get3A_572, %broadcast_in_dim3A_2 : vector<16xi1>, vector<16xi32>
    %add3A_577 = arith.addi %add3A_569, %select_n3A_576 : vector<16xi32>
    %add3A_578 = arith.addi %add3A_570, %get3A_572 : vector<16xi32>
    %get3A_579 = arith.constant 336 : index
    %get3A_580 = tpu.vector_load %arg16[%get3A_579] {strides = array<i32>} : memref<1024xi32, #tpu.memory_space<vmem>>, vector<16xi32>,
    %gt3A_581 = arith.constant 5 : i32
    %gt3A_582 = arith.cmpi sgt, %arg1, %gt3A_581 : i32
    %broadcast_in_dim3A_583 = vector.broadcast %gt3A_582 : i1 to vector<16xi1>
    %select_n3A_584 = arith.select %broadcast_in_dim3A_583, %get3A_580, %broadcast_in_dim3A_2 : vector<16xi1>, vector<16xi32>
    %add3A_585 = arith.addi %add3A_577, %select_n3A_584 : vector<16xi32>
    %add3A_586 = arith.addi %add3A_578, %get3A_580 : vector<16xi32>
    %get3A_587 = arith.constant 400 : index
    %get3A_588 = tpu.vector_load %arg16[%get3A_587] {strides = array<i32>} : memref<1024xi32, #tpu.memory_space<vmem>>, vector<16xi32>,
    %gt3A_589 = arith.constant 6 : i32
    %gt3A_590 = arith.cmpi sgt, %arg1, %gt3A_589 : i32
    %broadcast_in_dim3A_591 = vector.broadcast %gt3A_590 : i1 to vector<16xi1>
    %select_n3A_592 = arith.select %broadcast_in_dim3A_591, %get3A_588, %broadcast_in_dim3A_2 : vector<16xi1>, vector<16xi32>
    %add3A_593 = arith.addi %add3A_585, %select_n3A_592 : vector<16xi32>
    %add3A_594 = arith.addi %add3A_586, %get3A_588 : vector<16xi32>
    %get3A_595 = arith.constant 464 : index
    %get3A_596 = tpu.vector_load %arg16[%get3A_595] {strides = array<i32>} : memref<1024xi32, #tpu.memory_space<vmem>>, vector<16xi32>,
    %gt3A_597 = arith.constant 7 : i32
    %gt3A_598 = arith.cmpi sgt, %arg1, %gt3A_597 : i32
    %broadcast_in_dim3A_599 = vector.broadcast %gt3A_598 : i1 to vector<16xi1>
    %select_n3A_600 = arith.select %broadcast_in_dim3A_599, %get3A_596, %broadcast_in_dim3A_2 : vector<16xi1>, vector<16xi32>
    %add3A_601 = arith.addi %add3A_593, %select_n3A_600 : vector<16xi32>
    %add3A_602 = arith.addi %add3A_594, %get3A_596 : vector<16xi32>
    %get3A_603 = arith.constant 528 : index
    %get3A_604 = tpu.vector_load %arg16[%get3A_603] {strides = array<i32>} : memref<1024xi32, #tpu.memory_space<vmem>>, vector<16xi32>,
    %gt3A_605 = arith.constant 8 : i32
    %gt3A_606 = arith.cmpi sgt, %arg1, %gt3A_605 : i32
    %broadcast_in_dim3A_607 = vector.broadcast %gt3A_606 : i1 to vector<16xi1>
    %select_n3A_608 = arith.select %broadcast_in_dim3A_607, %get3A_604, %broadcast_in_dim3A_2 : vector<16xi1>, vector<16xi32>
    %add3A_609 = arith.addi %add3A_601, %select_n3A_608 : vector<16xi32>
    %add3A_610 = arith.addi %add3A_602, %get3A_604 : vector<16xi32>
    %get3A_611 = arith.constant 592 : index
    %get3A_612 = tpu.vector_load %arg16[%get3A_611] {strides = array<i32>} : memref<1024xi32, #tpu.memory_space<vmem>>, vector<16xi32>,
    %gt3A_613 = arith.constant 9 : i32
    %gt3A_614 = arith.cmpi sgt, %arg1, %gt3A_613 : i32
    %broadcast_in_dim3A_615 = vector.broadcast %gt3A_614 : i1 to vector<16xi1>
    %select_n3A_616 = arith.select %broadcast_in_dim3A_615, %get3A_612, %broadcast_in_dim3A_2 : vector<16xi1>, vector<16xi32>
    %add3A_617 = arith.addi %add3A_609, %select_n3A_616 : vector<16xi32>
    %add3A_618 = arith.addi %add3A_610, %get3A_612 : vector<16xi32>
    %get3A_619 = arith.constant 656 : index
    %get3A_620 = tpu.vector_load %arg16[%get3A_619] {strides = array<i32>} : memref<1024xi32, #tpu.memory_space<vmem>>, vector<16xi32>,
    %gt3A_621 = arith.constant 10 : i32
    %gt3A_622 = arith.cmpi sgt, %arg1, %gt3A_621 : i32
    %broadcast_in_dim3A_623 = vector.broadcast %gt3A_622 : i1 to vector<16xi1>
    %select_n3A_624 = arith.select %broadcast_in_dim3A_623, %get3A_620, %broadcast_in_dim3A_2 : vector<16xi1>, vector<16xi32>
    %add3A_625 = arith.addi %add3A_617, %select_n3A_624 : vector<16xi32>
    %add3A_626 = arith.addi %add3A_618, %get3A_620 : vector<16xi32>
    %get3A_627 = arith.constant 720 : index
    %get3A_628 = tpu.vector_load %arg16[%get3A_627] {strides = array<i32>} : memref<1024xi32, #tpu.memory_space<vmem>>, vector<16xi32>,
    %gt3A_629 = arith.constant 11 : i32
    %gt3A_630 = arith.cmpi sgt, %arg1, %gt3A_629 : i32
    %broadcast_in_dim3A_631 = vector.broadcast %gt3A_630 : i1 to vector<16xi1>
    %select_n3A_632 = arith.select %broadcast_in_dim3A_631, %get3A_628, %broadcast_in_dim3A_2 : vector<16xi1>, vector<16xi32>
    %add3A_633 = arith.addi %add3A_625, %select_n3A_632 : vector<16xi32>
    %add3A_634 = arith.addi %add3A_626, %get3A_628 : vector<16xi32>
    %get3A_635 = arith.constant 784 : index
    %get3A_636 = tpu.vector_load %arg16[%get3A_635] {strides = array<i32>} : memref<1024xi32, #tpu.memory_space<vmem>>, vector<16xi32>,
    %gt3A_637 = arith.constant 12 : i32
    %gt3A_638 = arith.cmpi sgt, %arg1, %gt3A_637 : i32
    %broadcast_in_dim3A_639 = vector.broadcast %gt3A_638 : i1 to vector<16xi1>
    %select_n3A_640 = arith.select %broadcast_in_dim3A_639, %get3A_636, %broadcast_in_dim3A_2 : vector<16xi1>, vector<16xi32>
    %add3A_641 = arith.addi %add3A_633, %select_n3A_640 : vector<16xi32>
    %add3A_642 = arith.addi %add3A_634, %get3A_636 : vector<16xi32>
    %get3A_643 = arith.constant 848 : index
    %get3A_644 = tpu.vector_load %arg16[%get3A_643] {strides = array<i32>} : memref<1024xi32, #tpu.memory_space<vmem>>, vector<16xi32>,
    %gt3A_645 = arith.constant 13 : i32
    %gt3A_646 = arith.cmpi sgt, %arg1, %gt3A_645 : i32
    %broadcast_in_dim3A_647 = vector.broadcast %gt3A_646 : i1 to vector<16xi1>
    %select_n3A_648 = arith.select %broadcast_in_dim3A_647, %get3A_644, %broadcast_in_dim3A_2 : vector<16xi1>, vector<16xi32>
    %add3A_649 = arith.addi %add3A_641, %select_n3A_648 : vector<16xi32>
    %add3A_650 = arith.addi %add3A_642, %get3A_644 : vector<16xi32>
    %get3A_651 = arith.constant 912 : index
    %get3A_652 = tpu.vector_load %arg16[%get3A_651] {strides = array<i32>} : memref<1024xi32, #tpu.memory_space<vmem>>, vector<16xi32>,
    %gt3A_653 = arith.constant 14 : i32
    %gt3A_654 = arith.cmpi sgt, %arg1, %gt3A_653 : i32
    %broadcast_in_dim3A_655 = vector.broadcast %gt3A_654 : i1 to vector<16xi1>
    %select_n3A_656 = arith.select %broadcast_in_dim3A_655, %get3A_652, %broadcast_in_dim3A_2 : vector<16xi1>, vector<16xi32>
    %add3A_657 = arith.addi %add3A_649, %select_n3A_656 : vector<16xi32>
    %add3A_658 = arith.addi %add3A_650, %get3A_652 : vector<16xi32>
    %get3A_659 = arith.constant 976 : index
    %get3A_660 = tpu.vector_load %arg16[%get3A_659] {strides = array<i32>} : memref<1024xi32, #tpu.memory_space<vmem>>, vector<16xi32>,
    %gt3A_661 = arith.constant 15 : i32
    %gt3A_662 = arith.cmpi sgt, %arg1, %gt3A_661 : i32
    %broadcast_in_dim3A_663 = vector.broadcast %gt3A_662 : i1 to vector<16xi1>
    %select_n3A_664 = arith.select %broadcast_in_dim3A_663, %get3A_660, %broadcast_in_dim3A_2 : vector<16xi1>, vector<16xi32>
    %add3A_665 = arith.addi %add3A_657, %select_n3A_664 : vector<16xi32>
    %add3A_666 = arith.addi %add3A_658, %get3A_660 : vector<16xi32>
    %swap3A_667 = arith.constant 16 : index
    %swap3A_668 = tpu.vector_load %arg17[%swap3A_667] {strides = array<i32>} : memref<64xi32, #tpu.memory_space<vmem>>, vector<16xi32>,
    tpu.vector_store %arg17[%swap3A_667], %add3A_665 {strides = array<i32>} : memref<64xi32, #tpu.memory_space<vmem>>, vector<16xi32>,
    %swap3A_669 = arith.constant 16 : index
    %swap3A_670 = tpu.vector_load %arg19[%swap3A_669] {strides = array<i32>} : memref<64xi32, #tpu.memory_space<vmem>>, vector<16xi32>,
    tpu.vector_store %arg19[%swap3A_669], %add3A_666 {strides = array<i32>} : memref<64xi32, #tpu.memory_space<vmem>>, vector<16xi32>,
    %add3A_671 = arith.constant 7 : i32
    %add3A_672 = vector.broadcast %add3A_671 : i32 to vector<16xi32>
    %add3A_673 = arith.addi %add3A_666, %add3A_672 : vector<16xi32>
    %shift_right_arithmetic3A_674 = arith.constant 3 : i32
    %shift_right_arithmetic3A_675 = vector.broadcast %shift_right_arithmetic3A_674 : i32 to vector<16xi32>
    %shift_right_arithmetic3A_676 = arith.shrsi %add3A_673, %shift_right_arithmetic3A_675 : vector<16xi32>
    %shift_left3A_677 = arith.constant 3 : i32
    %shift_left3A_678 = vector.broadcast %shift_left3A_677 : i32 to vector<16xi32>
    %shift_left3A_679 = arith.shli %shift_right_arithmetic3A_676, %shift_left3A_678 : vector<16xi32>
    %broadcast_in_dim3A_680 = arith.constant true
    %broadcast_in_dim3A_681 = vector.broadcast %broadcast_in_dim3A_680 : i1 to vector<16xi1>
    %masked_cumsum3A_682 = tpu.scan <sum>, %shift_left3A_679 masked %broadcast_in_dim3A_681 : vector<16xi32>, vector<16xi1> -> vector<16xi32>
    %sub3A_683 = arith.subi %masked_cumsum3A_682, %shift_left3A_679 : vector<16xi32>
    %add3A_684 = arith.addi %sub3A_683, %add3A_538 : vector<16xi32>
    %swap3A_685 = arith.constant 16 : index
    %swap3A_686 = tpu.vector_load %arg18[%swap3A_685] {strides = array<i32>} : memref<64xi32, #tpu.memory_space<vmem>>, vector<16xi32>,
    tpu.vector_store %arg18[%swap3A_685], %add3A_684 {strides = array<i32>} : memref<64xi32, #tpu.memory_space<vmem>>, vector<16xi32>,
    %reduce_sum3A_687 = arith.constant true
    %reduce_sum3A_688 = vector.broadcast %reduce_sum3A_687 : i1 to vector<16xi1>
    %reduce_sum3A_689 = tpu.scan <sum>, %shift_left3A_679 masked %reduce_sum3A_688 : vector<16xi32>, vector<16xi1> -> vector<16xi32>
    %reduce_sum3A_690 = vector.extract %reduce_sum3A_689[15] : i32 from vector<16xi32>
    %broadcast_in_dim3A_691 = vector.broadcast %reduce_sum3A_690 : i32 to vector<16xi32>
    %add3A_692 = arith.addi %add3A_538, %broadcast_in_dim3A_691 : vector<16xi32>
    %get3A_693 = arith.constant 32 : index
    %get3A_694 = tpu.vector_load %arg16[%get3A_693] {strides = array<i32>} : memref<1024xi32, #tpu.memory_space<vmem>>, vector<16xi32>,
    %gt3A_695 = arith.constant 0 : i32
    %gt3A_696 = arith.cmpi sgt, %arg1, %gt3A_695 : i32
    %broadcast_in_dim3A_697 = vector.broadcast %gt3A_696 : i1 to vector<16xi1>
    %select_n3A_698 = arith.select %broadcast_in_dim3A_697, %get3A_694, %broadcast_in_dim3A_2 : vector<16xi1>, vector<16xi32>
    %add3A_699 = arith.addi %broadcast_in_dim3A_2, %select_n3A_698 : vector<16xi32>
    %add3A_700 = arith.addi %broadcast_in_dim3A_2, %get3A_694 : vector<16xi32>
    %get3A_701 = arith.constant 96 : index
    %get3A_702 = tpu.vector_load %arg16[%get3A_701] {strides = array<i32>} : memref<1024xi32, #tpu.memory_space<vmem>>, vector<16xi32>,
    %gt3A_703 = arith.constant 1 : i32
    %gt3A_704 = arith.cmpi sgt, %arg1, %gt3A_703 : i32
    %broadcast_in_dim3A_705 = vector.broadcast %gt3A_704 : i1 to vector<16xi1>
    %select_n3A_706 = arith.select %broadcast_in_dim3A_705, %get3A_702, %broadcast_in_dim3A_2 : vector<16xi1>, vector<16xi32>
    %add3A_707 = arith.addi %add3A_699, %select_n3A_706 : vector<16xi32>
    %add3A_708 = arith.addi %add3A_700, %get3A_702 : vector<16xi32>
    %get3A_709 = arith.constant 160 : index
    %get3A_710 = tpu.vector_load %arg16[%get3A_709] {strides = array<i32>} : memref<1024xi32, #tpu.memory_space<vmem>>, vector<16xi32>,
    %gt3A_711 = arith.constant 2 : i32
    %gt3A_712 = arith.cmpi sgt, %arg1, %gt3A_711 : i32
    %broadcast_in_dim3A_713 = vector.broadcast %gt3A_712 : i1 to vector<16xi1>
    %select_n3A_714 = arith.select %broadcast_in_dim3A_713, %get3A_710, %broadcast_in_dim3A_2 : vector<16xi1>, vector<16xi32>
    %add3A_715 = arith.addi %add3A_707, %select_n3A_714 : vector<16xi32>
    %add3A_716 = arith.addi %add3A_708, %get3A_710 : vector<16xi32>
    %get3A_717 = arith.constant 224 : index
    %get3A_718 = tpu.vector_load %arg16[%get3A_717] {strides = array<i32>} : memref<1024xi32, #tpu.memory_space<vmem>>, vector<16xi32>,
    %gt3A_719 = arith.constant 3 : i32
    %gt3A_720 = arith.cmpi sgt, %arg1, %gt3A_719 : i32
    %broadcast_in_dim3A_721 = vector.broadcast %gt3A_720 : i1 to vector<16xi1>
    %select_n3A_722 = arith.select %broadcast_in_dim3A_721, %get3A_718, %broadcast_in_dim3A_2 : vector<16xi1>, vector<16xi32>
    %add3A_723 = arith.addi %add3A_715, %select_n3A_722 : vector<16xi32>
    %add3A_724 = arith.addi %add3A_716, %get3A_718 : vector<16xi32>
    %get3A_725 = arith.constant 288 : index
    %get3A_726 = tpu.vector_load %arg16[%get3A_725] {strides = array<i32>} : memref<1024xi32, #tpu.memory_space<vmem>>, vector<16xi32>,
    %gt3A_727 = arith.constant 4 : i32
    %gt3A_728 = arith.cmpi sgt, %arg1, %gt3A_727 : i32
    %broadcast_in_dim3A_729 = vector.broadcast %gt3A_728 : i1 to vector<16xi1>
    %select_n3A_730 = arith.select %broadcast_in_dim3A_729, %get3A_726, %broadcast_in_dim3A_2 : vector<16xi1>, vector<16xi32>
    %add3A_731 = arith.addi %add3A_723, %select_n3A_730 : vector<16xi32>
    %add3A_732 = arith.addi %add3A_724, %get3A_726 : vector<16xi32>
    %get3A_733 = arith.constant 352 : index
    %get3A_734 = tpu.vector_load %arg16[%get3A_733] {strides = array<i32>} : memref<1024xi32, #tpu.memory_space<vmem>>, vector<16xi32>,
    %gt3A_735 = arith.constant 5 : i32
    %gt3A_736 = arith.cmpi sgt, %arg1, %gt3A_735 : i32
    %broadcast_in_dim3A_737 = vector.broadcast %gt3A_736 : i1 to vector<16xi1>
    %select_n3A_738 = arith.select %broadcast_in_dim3A_737, %get3A_734, %broadcast_in_dim3A_2 : vector<16xi1>, vector<16xi32>
    %add3A_739 = arith.addi %add3A_731, %select_n3A_738 : vector<16xi32>
    %add3A_740 = arith.addi %add3A_732, %get3A_734 : vector<16xi32>
    %get3A_741 = arith.constant 416 : index
    %get3A_742 = tpu.vector_load %arg16[%get3A_741] {strides = array<i32>} : memref<1024xi32, #tpu.memory_space<vmem>>, vector<16xi32>,
    %gt3A_743 = arith.constant 6 : i32
    %gt3A_744 = arith.cmpi sgt, %arg1, %gt3A_743 : i32
    %broadcast_in_dim3A_745 = vector.broadcast %gt3A_744 : i1 to vector<16xi1>
    %select_n3A_746 = arith.select %broadcast_in_dim3A_745, %get3A_742, %broadcast_in_dim3A_2 : vector<16xi1>, vector<16xi32>
    %add3A_747 = arith.addi %add3A_739, %select_n3A_746 : vector<16xi32>
    %add3A_748 = arith.addi %add3A_740, %get3A_742 : vector<16xi32>
    %get3A_749 = arith.constant 480 : index
    %get3A_750 = tpu.vector_load %arg16[%get3A_749] {strides = array<i32>} : memref<1024xi32, #tpu.memory_space<vmem>>, vector<16xi32>,
    %gt3A_751 = arith.constant 7 : i32
    %gt3A_752 = arith.cmpi sgt, %arg1, %gt3A_751 : i32
    %broadcast_in_dim3A_753 = vector.broadcast %gt3A_752 : i1 to vector<16xi1>
    %select_n3A_754 = arith.select %broadcast_in_dim3A_753, %get3A_750, %broadcast_in_dim3A_2 : vector<16xi1>, vector<16xi32>
    %add3A_755 = arith.addi %add3A_747, %select_n3A_754 : vector<16xi32>
    %add3A_756 = arith.addi %add3A_748, %get3A_750 : vector<16xi32>
    %get3A_757 = arith.constant 544 : index
    %get3A_758 = tpu.vector_load %arg16[%get3A_757] {strides = array<i32>} : memref<1024xi32, #tpu.memory_space<vmem>>, vector<16xi32>,
    %gt3A_759 = arith.constant 8 : i32
    %gt3A_760 = arith.cmpi sgt, %arg1, %gt3A_759 : i32
    %broadcast_in_dim3A_761 = vector.broadcast %gt3A_760 : i1 to vector<16xi1>
    %select_n3A_762 = arith.select %broadcast_in_dim3A_761, %get3A_758, %broadcast_in_dim3A_2 : vector<16xi1>, vector<16xi32>
    %add3A_763 = arith.addi %add3A_755, %select_n3A_762 : vector<16xi32>
    %add3A_764 = arith.addi %add3A_756, %get3A_758 : vector<16xi32>
    %get3A_765 = arith.constant 608 : index
    %get3A_766 = tpu.vector_load %arg16[%get3A_765] {strides = array<i32>} : memref<1024xi32, #tpu.memory_space<vmem>>, vector<16xi32>,
    %gt3A_767 = arith.constant 9 : i32
    %gt3A_768 = arith.cmpi sgt, %arg1, %gt3A_767 : i32
    %broadcast_in_dim3A_769 = vector.broadcast %gt3A_768 : i1 to vector<16xi1>
    %select_n3A_770 = arith.select %broadcast_in_dim3A_769, %get3A_766, %broadcast_in_dim3A_2 : vector<16xi1>, vector<16xi32>
    %add3A_771 = arith.addi %add3A_763, %select_n3A_770 : vector<16xi32>
    %add3A_772 = arith.addi %add3A_764, %get3A_766 : vector<16xi32>
    %get3A_773 = arith.constant 672 : index
    %get3A_774 = tpu.vector_load %arg16[%get3A_773] {strides = array<i32>} : memref<1024xi32, #tpu.memory_space<vmem>>, vector<16xi32>,
    %gt3A_775 = arith.constant 10 : i32
    %gt3A_776 = arith.cmpi sgt, %arg1, %gt3A_775 : i32
    %broadcast_in_dim3A_777 = vector.broadcast %gt3A_776 : i1 to vector<16xi1>
    %select_n3A_778 = arith.select %broadcast_in_dim3A_777, %get3A_774, %broadcast_in_dim3A_2 : vector<16xi1>, vector<16xi32>
    %add3A_779 = arith.addi %add3A_771, %select_n3A_778 : vector<16xi32>
    %add3A_780 = arith.addi %add3A_772, %get3A_774 : vector<16xi32>
    %get3A_781 = arith.constant 736 : index
    %get3A_782 = tpu.vector_load %arg16[%get3A_781] {strides = array<i32>} : memref<1024xi32, #tpu.memory_space<vmem>>, vector<16xi32>,
    %gt3A_783 = arith.constant 11 : i32
    %gt3A_784 = arith.cmpi sgt, %arg1, %gt3A_783 : i32
    %broadcast_in_dim3A_785 = vector.broadcast %gt3A_784 : i1 to vector<16xi1>
    %select_n3A_786 = arith.select %broadcast_in_dim3A_785, %get3A_782, %broadcast_in_dim3A_2 : vector<16xi1>, vector<16xi32>
    %add3A_787 = arith.addi %add3A_779, %select_n3A_786 : vector<16xi32>
    %add3A_788 = arith.addi %add3A_780, %get3A_782 : vector<16xi32>
    %get3A_789 = arith.constant 800 : index
    %get3A_790 = tpu.vector_load %arg16[%get3A_789] {strides = array<i32>} : memref<1024xi32, #tpu.memory_space<vmem>>, vector<16xi32>,
    %gt3A_791 = arith.constant 12 : i32
    %gt3A_792 = arith.cmpi sgt, %arg1, %gt3A_791 : i32
    %broadcast_in_dim3A_793 = vector.broadcast %gt3A_792 : i1 to vector<16xi1>
    %select_n3A_794 = arith.select %broadcast_in_dim3A_793, %get3A_790, %broadcast_in_dim3A_2 : vector<16xi1>, vector<16xi32>
    %add3A_795 = arith.addi %add3A_787, %select_n3A_794 : vector<16xi32>
    %add3A_796 = arith.addi %add3A_788, %get3A_790 : vector<16xi32>
    %get3A_797 = arith.constant 864 : index
    %get3A_798 = tpu.vector_load %arg16[%get3A_797] {strides = array<i32>} : memref<1024xi32, #tpu.memory_space<vmem>>, vector<16xi32>,
    %gt3A_799 = arith.constant 13 : i32
    %gt3A_800 = arith.cmpi sgt, %arg1, %gt3A_799 : i32
    %broadcast_in_dim3A_801 = vector.broadcast %gt3A_800 : i1 to vector<16xi1>
    %select_n3A_802 = arith.select %broadcast_in_dim3A_801, %get3A_798, %broadcast_in_dim3A_2 : vector<16xi1>, vector<16xi32>
    %add3A_803 = arith.addi %add3A_795, %select_n3A_802 : vector<16xi32>
    %add3A_804 = arith.addi %add3A_796, %get3A_798 : vector<16xi32>
    %get3A_805 = arith.constant 928 : index
    %get3A_806 = tpu.vector_load %arg16[%get3A_805] {strides = array<i32>} : memref<1024xi32, #tpu.memory_space<vmem>>, vector<16xi32>,
    %gt3A_807 = arith.constant 14 : i32
    %gt3A_808 = arith.cmpi sgt, %arg1, %gt3A_807 : i32
    %broadcast_in_dim3A_809 = vector.broadcast %gt3A_808 : i1 to vector<16xi1>
    %select_n3A_810 = arith.select %broadcast_in_dim3A_809, %get3A_806, %broadcast_in_dim3A_2 : vector<16xi1>, vector<16xi32>
    %add3A_811 = arith.addi %add3A_803, %select_n3A_810 : vector<16xi32>
    %add3A_812 = arith.addi %add3A_804, %get3A_806 : vector<16xi32>
    %get3A_813 = arith.constant 992 : index
    %get3A_814 = tpu.vector_load %arg16[%get3A_813] {strides = array<i32>} : memref<1024xi32, #tpu.memory_space<vmem>>, vector<16xi32>,
    %gt3A_815 = arith.constant 15 : i32
    %gt3A_816 = arith.cmpi sgt, %arg1, %gt3A_815 : i32
    %broadcast_in_dim3A_817 = vector.broadcast %gt3A_816 : i1 to vector<16xi1>
    %select_n3A_818 = arith.select %broadcast_in_dim3A_817, %get3A_814, %broadcast_in_dim3A_2 : vector<16xi1>, vector<16xi32>
    %add3A_819 = arith.addi %add3A_811, %select_n3A_818 : vector<16xi32>
    %add3A_820 = arith.addi %add3A_812, %get3A_814 : vector<16xi32>
    %swap3A_821 = arith.constant 32 : index
    %swap3A_822 = tpu.vector_load %arg17[%swap3A_821] {strides = array<i32>} : memref<64xi32, #tpu.memory_space<vmem>>, vector<16xi32>,
    tpu.vector_store %arg17[%swap3A_821], %add3A_819 {strides = array<i32>} : memref<64xi32, #tpu.memory_space<vmem>>, vector<16xi32>,
    %swap3A_823 = arith.constant 32 : index
    %swap3A_824 = tpu.vector_load %arg19[%swap3A_823] {strides = array<i32>} : memref<64xi32, #tpu.memory_space<vmem>>, vector<16xi32>,
    tpu.vector_store %arg19[%swap3A_823], %add3A_820 {strides = array<i32>} : memref<64xi32, #tpu.memory_space<vmem>>, vector<16xi32>,
    %add3A_825 = arith.constant 7 : i32
    %add3A_826 = vector.broadcast %add3A_825 : i32 to vector<16xi32>
    %add3A_827 = arith.addi %add3A_820, %add3A_826 : vector<16xi32>
    %shift_right_arithmetic3A_828 = arith.constant 3 : i32
    %shift_right_arithmetic3A_829 = vector.broadcast %shift_right_arithmetic3A_828 : i32 to vector<16xi32>
    %shift_right_arithmetic3A_830 = arith.shrsi %add3A_827, %shift_right_arithmetic3A_829 : vector<16xi32>
    %shift_left3A_831 = arith.constant 3 : i32
    %shift_left3A_832 = vector.broadcast %shift_left3A_831 : i32 to vector<16xi32>
    %shift_left3A_833 = arith.shli %shift_right_arithmetic3A_830, %shift_left3A_832 : vector<16xi32>
    %broadcast_in_dim3A_834 = arith.constant true
    %broadcast_in_dim3A_835 = vector.broadcast %broadcast_in_dim3A_834 : i1 to vector<16xi1>
    %masked_cumsum3A_836 = tpu.scan <sum>, %shift_left3A_833 masked %broadcast_in_dim3A_835 : vector<16xi32>, vector<16xi1> -> vector<16xi32>
    %sub3A_837 = arith.subi %masked_cumsum3A_836, %shift_left3A_833 : vector<16xi32>
    %add3A_838 = arith.addi %sub3A_837, %add3A_692 : vector<16xi32>
    %swap3A_839 = arith.constant 32 : index
    %swap3A_840 = tpu.vector_load %arg18[%swap3A_839] {strides = array<i32>} : memref<64xi32, #tpu.memory_space<vmem>>, vector<16xi32>,
    tpu.vector_store %arg18[%swap3A_839], %add3A_838 {strides = array<i32>} : memref<64xi32, #tpu.memory_space<vmem>>, vector<16xi32>,
    %reduce_sum3A_841 = arith.constant true
    %reduce_sum3A_842 = vector.broadcast %reduce_sum3A_841 : i1 to vector<16xi1>
    %reduce_sum3A_843 = tpu.scan <sum>, %shift_left3A_833 masked %reduce_sum3A_842 : vector<16xi32>, vector<16xi1> -> vector<16xi32>
    %reduce_sum3A_844 = vector.extract %reduce_sum3A_843[15] : i32 from vector<16xi32>
    %broadcast_in_dim3A_845 = vector.broadcast %reduce_sum3A_844 : i32 to vector<16xi32>
    %add3A_846 = arith.addi %add3A_692, %broadcast_in_dim3A_845 : vector<16xi32>
    %get3A_847 = arith.constant 48 : index
    %get3A_848 = tpu.vector_load %arg16[%get3A_847] {strides = array<i32>} : memref<1024xi32, #tpu.memory_space<vmem>>, vector<16xi32>,
    %gt3A_849 = arith.constant 0 : i32
    %gt3A_850 = arith.cmpi sgt, %arg1, %gt3A_849 : i32
    %broadcast_in_dim3A_851 = vector.broadcast %gt3A_850 : i1 to vector<16xi1>
    %select_n3A_852 = arith.select %broadcast_in_dim3A_851, %get3A_848, %broadcast_in_dim3A_2 : vector<16xi1>, vector<16xi32>
    %add3A_853 = arith.addi %broadcast_in_dim3A_2, %select_n3A_852 : vector<16xi32>
    %add3A_854 = arith.addi %broadcast_in_dim3A_2, %get3A_848 : vector<16xi32>
    %get3A_855 = arith.constant 112 : index
    %get3A_856 = tpu.vector_load %arg16[%get3A_855] {strides = array<i32>} : memref<1024xi32, #tpu.memory_space<vmem>>, vector<16xi32>,
    %gt3A_857 = arith.constant 1 : i32
    %gt3A_858 = arith.cmpi sgt, %arg1, %gt3A_857 : i32
    %broadcast_in_dim3A_859 = vector.broadcast %gt3A_858 : i1 to vector<16xi1>
    %select_n3A_860 = arith.select %broadcast_in_dim3A_859, %get3A_856, %broadcast_in_dim3A_2 : vector<16xi1>, vector<16xi32>
    %add3A_861 = arith.addi %add3A_853, %select_n3A_860 : vector<16xi32>
    %add3A_862 = arith.addi %add3A_854, %get3A_856 : vector<16xi32>
    %get3A_863 = arith.constant 176 : index
    %get3A_864 = tpu.vector_load %arg16[%get3A_863] {strides = array<i32>} : memref<1024xi32, #tpu.memory_space<vmem>>, vector<16xi32>,
    %gt3A_865 = arith.constant 2 : i32
    %gt3A_866 = arith.cmpi sgt, %arg1, %gt3A_865 : i32
    %broadcast_in_dim3A_867 = vector.broadcast %gt3A_866 : i1 to vector<16xi1>
    %select_n3A_868 = arith.select %broadcast_in_dim3A_867, %get3A_864, %broadcast_in_dim3A_2 : vector<16xi1>, vector<16xi32>
    %add3A_869 = arith.addi %add3A_861, %select_n3A_868 : vector<16xi32>
    %add3A_870 = arith.addi %add3A_862, %get3A_864 : vector<16xi32>
    %get3A_871 = arith.constant 240 : index
    %get3A_872 = tpu.vector_load %arg16[%get3A_871] {strides = array<i32>} : memref<1024xi32, #tpu.memory_space<vmem>>, vector<16xi32>,
    %gt3A_873 = arith.constant 3 : i32
    %gt3A_874 = arith.cmpi sgt, %arg1, %gt3A_873 : i32
    %broadcast_in_dim3A_875 = vector.broadcast %gt3A_874 : i1 to vector<16xi1>
    %select_n3A_876 = arith.select %broadcast_in_dim3A_875, %get3A_872, %broadcast_in_dim3A_2 : vector<16xi1>, vector<16xi32>
    %add3A_877 = arith.addi %add3A_869, %select_n3A_876 : vector<16xi32>
    %add3A_878 = arith.addi %add3A_870, %get3A_872 : vector<16xi32>
    %get3A_879 = arith.constant 304 : index
    %get3A_880 = tpu.vector_load %arg16[%get3A_879] {strides = array<i32>} : memref<1024xi32, #tpu.memory_space<vmem>>, vector<16xi32>,
    %gt3A_881 = arith.constant 4 : i32
    %gt3A_882 = arith.cmpi sgt, %arg1, %gt3A_881 : i32
    %broadcast_in_dim3A_883 = vector.broadcast %gt3A_882 : i1 to vector<16xi1>
    %select_n3A_884 = arith.select %broadcast_in_dim3A_883, %get3A_880, %broadcast_in_dim3A_2 : vector<16xi1>, vector<16xi32>
    %add3A_885 = arith.addi %add3A_877, %select_n3A_884 : vector<16xi32>
    %add3A_886 = arith.addi %add3A_878, %get3A_880 : vector<16xi32>
    %get3A_887 = arith.constant 368 : index
    %get3A_888 = tpu.vector_load %arg16[%get3A_887] {strides = array<i32>} : memref<1024xi32, #tpu.memory_space<vmem>>, vector<16xi32>,
    %gt3A_889 = arith.constant 5 : i32
    %gt3A_890 = arith.cmpi sgt, %arg1, %gt3A_889 : i32
    %broadcast_in_dim3A_891 = vector.broadcast %gt3A_890 : i1 to vector<16xi1>
    %select_n3A_892 = arith.select %broadcast_in_dim3A_891, %get3A_888, %broadcast_in_dim3A_2 : vector<16xi1>, vector<16xi32>
    %add3A_893 = arith.addi %add3A_885, %select_n3A_892 : vector<16xi32>
    %add3A_894 = arith.addi %add3A_886, %get3A_888 : vector<16xi32>
    %get3A_895 = arith.constant 432 : index
    %get3A_896 = tpu.vector_load %arg16[%get3A_895] {strides = array<i32>} : memref<1024xi32, #tpu.memory_space<vmem>>, vector<16xi32>,
    %gt3A_897 = arith.constant 6 : i32
    %gt3A_898 = arith.cmpi sgt, %arg1, %gt3A_897 : i32
    %broadcast_in_dim3A_899 = vector.broadcast %gt3A_898 : i1 to vector<16xi1>
    %select_n3A_900 = arith.select %broadcast_in_dim3A_899, %get3A_896, %broadcast_in_dim3A_2 : vector<16xi1>, vector<16xi32>
    %add3A_901 = arith.addi %add3A_893, %select_n3A_900 : vector<16xi32>
    %add3A_902 = arith.addi %add3A_894, %get3A_896 : vector<16xi32>
    %get3A_903 = arith.constant 496 : index
    %get3A_904 = tpu.vector_load %arg16[%get3A_903] {strides = array<i32>} : memref<1024xi32, #tpu.memory_space<vmem>>, vector<16xi32>,
    %gt3A_905 = arith.constant 7 : i32
    %gt3A_906 = arith.cmpi sgt, %arg1, %gt3A_905 : i32
    %broadcast_in_dim3A_907 = vector.broadcast %gt3A_906 : i1 to vector<16xi1>
    %select_n3A_908 = arith.select %broadcast_in_dim3A_907, %get3A_904, %broadcast_in_dim3A_2 : vector<16xi1>, vector<16xi32>
    %add3A_909 = arith.addi %add3A_901, %select_n3A_908 : vector<16xi32>
    %add3A_910 = arith.addi %add3A_902, %get3A_904 : vector<16xi32>
    %get3A_911 = arith.constant 560 : index
    %get3A_912 = tpu.vector_load %arg16[%get3A_911] {strides = array<i32>} : memref<1024xi32, #tpu.memory_space<vmem>>, vector<16xi32>,
    %gt3A_913 = arith.constant 8 : i32
    %gt3A_914 = arith.cmpi sgt, %arg1, %gt3A_913 : i32
    %broadcast_in_dim3A_915 = vector.broadcast %gt3A_914 : i1 to vector<16xi1>
    %select_n3A_916 = arith.select %broadcast_in_dim3A_915, %get3A_912, %broadcast_in_dim3A_2 : vector<16xi1>, vector<16xi32>
    %add3A_917 = arith.addi %add3A_909, %select_n3A_916 : vector<16xi32>
    %add3A_918 = arith.addi %add3A_910, %get3A_912 : vector<16xi32>
    %get3A_919 = arith.constant 624 : index
    %get3A_920 = tpu.vector_load %arg16[%get3A_919] {strides = array<i32>} : memref<1024xi32, #tpu.memory_space<vmem>>, vector<16xi32>,
    %gt3A_921 = arith.constant 9 : i32
    %gt3A_922 = arith.cmpi sgt, %arg1, %gt3A_921 : i32
    %broadcast_in_dim3A_923 = vector.broadcast %gt3A_922 : i1 to vector<16xi1>
    %select_n3A_924 = arith.select %broadcast_in_dim3A_923, %get3A_920, %broadcast_in_dim3A_2 : vector<16xi1>, vector<16xi32>
    %add3A_925 = arith.addi %add3A_917, %select_n3A_924 : vector<16xi32>
    %add3A_926 = arith.addi %add3A_918, %get3A_920 : vector<16xi32>
    %get3A_927 = arith.constant 688 : index
    %get3A_928 = tpu.vector_load %arg16[%get3A_927] {strides = array<i32>} : memref<1024xi32, #tpu.memory_space<vmem>>, vector<16xi32>,
    %gt3A_929 = arith.constant 10 : i32
    %gt3A_930 = arith.cmpi sgt, %arg1, %gt3A_929 : i32
    %broadcast_in_dim3A_931 = vector.broadcast %gt3A_930 : i1 to vector<16xi1>
    %select_n3A_932 = arith.select %broadcast_in_dim3A_931, %get3A_928, %broadcast_in_dim3A_2 : vector<16xi1>, vector<16xi32>
    %add3A_933 = arith.addi %add3A_925, %select_n3A_932 : vector<16xi32>
    %add3A_934 = arith.addi %add3A_926, %get3A_928 : vector<16xi32>
    %get3A_935 = arith.constant 752 : index
    %get3A_936 = tpu.vector_load %arg16[%get3A_935] {strides = array<i32>} : memref<1024xi32, #tpu.memory_space<vmem>>, vector<16xi32>,
    %gt3A_937 = arith.constant 11 : i32
    %gt3A_938 = arith.cmpi sgt, %arg1, %gt3A_937 : i32
    %broadcast_in_dim3A_939 = vector.broadcast %gt3A_938 : i1 to vector<16xi1>
    %select_n3A_940 = arith.select %broadcast_in_dim3A_939, %get3A_936, %broadcast_in_dim3A_2 : vector<16xi1>, vector<16xi32>
    %add3A_941 = arith.addi %add3A_933, %select_n3A_940 : vector<16xi32>
    %add3A_942 = arith.addi %add3A_934, %get3A_936 : vector<16xi32>
    %get3A_943 = arith.constant 816 : index
    %get3A_944 = tpu.vector_load %arg16[%get3A_943] {strides = array<i32>} : memref<1024xi32, #tpu.memory_space<vmem>>, vector<16xi32>,
    %gt3A_945 = arith.constant 12 : i32
    %gt3A_946 = arith.cmpi sgt, %arg1, %gt3A_945 : i32
    %broadcast_in_dim3A_947 = vector.broadcast %gt3A_946 : i1 to vector<16xi1>
    %select_n3A_948 = arith.select %broadcast_in_dim3A_947, %get3A_944, %broadcast_in_dim3A_2 : vector<16xi1>, vector<16xi32>
    %add3A_949 = arith.addi %add3A_941, %select_n3A_948 : vector<16xi32>
    %add3A_950 = arith.addi %add3A_942, %get3A_944 : vector<16xi32>
    %get3A_951 = arith.constant 880 : index
    %get3A_952 = tpu.vector_load %arg16[%get3A_951] {strides = array<i32>} : memref<1024xi32, #tpu.memory_space<vmem>>, vector<16xi32>,
    %gt3A_953 = arith.constant 13 : i32
    %gt3A_954 = arith.cmpi sgt, %arg1, %gt3A_953 : i32
    %broadcast_in_dim3A_955 = vector.broadcast %gt3A_954 : i1 to vector<16xi1>
    %select_n3A_956 = arith.select %broadcast_in_dim3A_955, %get3A_952, %broadcast_in_dim3A_2 : vector<16xi1>, vector<16xi32>
    %add3A_957 = arith.addi %add3A_949, %select_n3A_956 : vector<16xi32>
    %add3A_958 = arith.addi %add3A_950, %get3A_952 : vector<16xi32>
    %get3A_959 = arith.constant 944 : index
    %get3A_960 = tpu.vector_load %arg16[%get3A_959] {strides = array<i32>} : memref<1024xi32, #tpu.memory_space<vmem>>, vector<16xi32>,
    %gt3A_961 = arith.constant 14 : i32
    %gt3A_962 = arith.cmpi sgt, %arg1, %gt3A_961 : i32
    %broadcast_in_dim3A_963 = vector.broadcast %gt3A_962 : i1 to vector<16xi1>
    %select_n3A_964 = arith.select %broadcast_in_dim3A_963, %get3A_960, %broadcast_in_dim3A_2 : vector<16xi1>, vector<16xi32>
    %add3A_965 = arith.addi %add3A_957, %select_n3A_964 : vector<16xi32>
    %add3A_966 = arith.addi %add3A_958, %get3A_960 : vector<16xi32>
    %get3A_967 = arith.constant 1008 : index
    %get3A_968 = tpu.vector_load %arg16[%get3A_967] {strides = array<i32>} : memref<1024xi32, #tpu.memory_space<vmem>>, vector<16xi32>,
    %gt3A_969 = arith.constant 15 : i32
    %gt3A_970 = arith.cmpi sgt, %arg1, %gt3A_969 : i32
    %broadcast_in_dim3A_971 = vector.broadcast %gt3A_970 : i1 to vector<16xi1>
    %select_n3A_972 = arith.select %broadcast_in_dim3A_971, %get3A_968, %broadcast_in_dim3A_2 : vector<16xi1>, vector<16xi32>
    %add3A_973 = arith.addi %add3A_965, %select_n3A_972 : vector<16xi32>
    %add3A_974 = arith.addi %add3A_966, %get3A_968 : vector<16xi32>
    %swap3A_975 = arith.constant 48 : index
    %swap3A_976 = tpu.vector_load %arg17[%swap3A_975] {strides = array<i32>} : memref<64xi32, #tpu.memory_space<vmem>>, vector<16xi32>,
    tpu.vector_store %arg17[%swap3A_975], %add3A_973 {strides = array<i32>} : memref<64xi32, #tpu.memory_space<vmem>>, vector<16xi32>,
    %swap3A_977 = arith.constant 48 : index
    %swap3A_978 = tpu.vector_load %arg19[%swap3A_977] {strides = array<i32>} : memref<64xi32, #tpu.memory_space<vmem>>, vector<16xi32>,
    tpu.vector_store %arg19[%swap3A_977], %add3A_974 {strides = array<i32>} : memref<64xi32, #tpu.memory_space<vmem>>, vector<16xi32>,
    %add3A_979 = arith.constant 7 : i32
    %add3A_980 = vector.broadcast %add3A_979 : i32 to vector<16xi32>
    %add3A_981 = arith.addi %add3A_974, %add3A_980 : vector<16xi32>
    %shift_right_arithmetic3A_982 = arith.constant 3 : i32
    %shift_right_arithmetic3A_983 = vector.broadcast %shift_right_arithmetic3A_982 : i32 to vector<16xi32>
    %shift_right_arithmetic3A_984 = arith.shrsi %add3A_981, %shift_right_arithmetic3A_983 : vector<16xi32>
    %shift_left3A_985 = arith.constant 3 : i32
    %shift_left3A_986 = vector.broadcast %shift_left3A_985 : i32 to vector<16xi32>
    %shift_left3A_987 = arith.shli %shift_right_arithmetic3A_984, %shift_left3A_986 : vector<16xi32>
    %broadcast_in_dim3A_988 = arith.constant true
    %broadcast_in_dim3A_989 = vector.broadcast %broadcast_in_dim3A_988 : i1 to vector<16xi1>
    %masked_cumsum3A_990 = tpu.scan <sum>, %shift_left3A_987 masked %broadcast_in_dim3A_989 : vector<16xi32>, vector<16xi1> -> vector<16xi32>
    %sub3A_991 = arith.subi %masked_cumsum3A_990, %shift_left3A_987 : vector<16xi32>
    %add3A_992 = arith.addi %sub3A_991, %add3A_846 : vector<16xi32>
    %swap3A_993 = arith.constant 48 : index
    %swap3A_994 = tpu.vector_load %arg18[%swap3A_993] {strides = array<i32>} : memref<64xi32, #tpu.memory_space<vmem>>, vector<16xi32>,
    tpu.vector_store %arg18[%swap3A_993], %add3A_992 {strides = array<i32>} : memref<64xi32, #tpu.memory_space<vmem>>, vector<16xi32>,
    %reduce_sum3A_995 = arith.constant true
    %reduce_sum3A_996 = vector.broadcast %reduce_sum3A_995 : i1 to vector<16xi1>
    %reduce_sum3A_997 = tpu.scan <sum>, %shift_left3A_987 masked %reduce_sum3A_996 : vector<16xi32>, vector<16xi1> -> vector<16xi32>
    %reduce_sum3A_998 = vector.extract %reduce_sum3A_997[15] : i32 from vector<16xi32>
    %broadcast_in_dim3A_999 = vector.broadcast %reduce_sum3A_998 : i32 to vector<16xi32>
    %add3A_1000 = arith.addi %add3A_846, %broadcast_in_dim3A_999 : vector<16xi32>
    %get3A_1001 = arith.constant 0 : index
    %get3A_1002 = tpu.vector_load %arg10[%get3A_1001] {strides = array<i32>} : memref<128xi32, #tpu.memory_space<vmem>>, vector<16xi32>,
    %mul3A_1003 = arith.constant 64 : i32
    %mul3A_1004 = vector.broadcast %mul3A_1003 : i32 to vector<16xi32>
    %mul3A_1005 = arith.muli %iota3A, %mul3A_1004 : vector<16xi32>
    %add3A_1006 = arith.addi %mul3A_1005, %get3A_1002 : vector<16xi32>
    %gather3A = tpu.vector_load_idx %arg18[%get3A_1002] : memref<64xi32, #tpu.memory_space<vmem>>[vector<16xi32>], vector<16xi32>,
    %gather3A_1007 = tpu.vector_load_idx %arg17[%get3A_1002] : memref<64xi32, #tpu.memory_space<vmem>>[vector<16xi32>], vector<16xi32>,
    %gather3A_1008 = tpu.vector_load_idx %arg13[%add3A_1006] : memref<1024xi32, #tpu.memory_space<vmem>>[vector<16xi32>], vector<16xi32>,
    %gather3A_1009 = tpu.vector_load_idx %arg14[%add3A_1006] : memref<1024xi32, #tpu.memory_space<vmem>>[vector<16xi32>], vector<16xi32>,
    %add3A_1010 = arith.addi %gather3A, %gather3A_1007 : vector<16xi32>
    %add3A_1011 = arith.addi %add3A_1010, %gather3A_1008 : vector<16xi32>
    %add3A_1012 = arith.addi %add3A_1011, %gather3A_1009 : vector<16xi32>
    %add3A_1013 = arith.addi %gather3A_1009, %broadcast_in_dim3A_0 : vector<16xi32>
    tpu.vector_store_idx %arg14[%add3A_1006], %add3A_1013 : memref<1024xi32, #tpu.memory_space<vmem>>[vector<16xi32>], vector<16xi32>,
    %swap3A_1014 = arith.constant 0 : index
    %swap3A_1015 = tpu.vector_load %arg11[%swap3A_1014] {strides = array<i32>} : memref<128xi32, #tpu.memory_space<vmem>>, vector<16xi32>,
    tpu.vector_store %arg11[%swap3A_1014], %add3A_1012 {strides = array<i32>} : memref<128xi32, #tpu.memory_space<vmem>>, vector<16xi32>,
    %get3A_1016 = arith.constant 16 : index
    %get3A_1017 = tpu.vector_load %arg10[%get3A_1016] {strides = array<i32>} : memref<128xi32, #tpu.memory_space<vmem>>, vector<16xi32>,
    %mul3A_1018 = arith.constant 64 : i32
    %mul3A_1019 = vector.broadcast %mul3A_1018 : i32 to vector<16xi32>
    %mul3A_1020 = arith.muli %iota3A, %mul3A_1019 : vector<16xi32>
    %add3A_1021 = arith.addi %mul3A_1020, %get3A_1017 : vector<16xi32>
    %gather3A_1022 = tpu.vector_load_idx %arg18[%get3A_1017] : memref<64xi32, #tpu.memory_space<vmem>>[vector<16xi32>], vector<16xi32>,
    %gather3A_1023 = tpu.vector_load_idx %arg17[%get3A_1017] : memref<64xi32, #tpu.memory_space<vmem>>[vector<16xi32>], vector<16xi32>,
    %gather3A_1024 = tpu.vector_load_idx %arg13[%add3A_1021] : memref<1024xi32, #tpu.memory_space<vmem>>[vector<16xi32>], vector<16xi32>,
    %gather3A_1025 = tpu.vector_load_idx %arg14[%add3A_1021] : memref<1024xi32, #tpu.memory_space<vmem>>[vector<16xi32>], vector<16xi32>,
    %add3A_1026 = arith.addi %gather3A_1022, %gather3A_1023 : vector<16xi32>
    %add3A_1027 = arith.addi %add3A_1026, %gather3A_1024 : vector<16xi32>
    %add3A_1028 = arith.addi %add3A_1027, %gather3A_1025 : vector<16xi32>
    %add3A_1029 = arith.addi %gather3A_1025, %broadcast_in_dim3A_0 : vector<16xi32>
    tpu.vector_store_idx %arg14[%add3A_1021], %add3A_1029 : memref<1024xi32, #tpu.memory_space<vmem>>[vector<16xi32>], vector<16xi32>,
    %swap3A_1030 = arith.constant 16 : index
    %swap3A_1031 = tpu.vector_load %arg11[%swap3A_1030] {strides = array<i32>} : memref<128xi32, #tpu.memory_space<vmem>>, vector<16xi32>,
    tpu.vector_store %arg11[%swap3A_1030], %add3A_1028 {strides = array<i32>} : memref<128xi32, #tpu.memory_space<vmem>>, vector<16xi32>,
    %get3A_1032 = arith.constant 32 : index
    %get3A_1033 = tpu.vector_load %arg10[%get3A_1032] {strides = array<i32>} : memref<128xi32, #tpu.memory_space<vmem>>, vector<16xi32>,
    %mul3A_1034 = arith.constant 64 : i32
    %mul3A_1035 = vector.broadcast %mul3A_1034 : i32 to vector<16xi32>
    %mul3A_1036 = arith.muli %iota3A, %mul3A_1035 : vector<16xi32>
    %add3A_1037 = arith.addi %mul3A_1036, %get3A_1033 : vector<16xi32>
    %gather3A_1038 = tpu.vector_load_idx %arg18[%get3A_1033] : memref<64xi32, #tpu.memory_space<vmem>>[vector<16xi32>], vector<16xi32>,
    %gather3A_1039 = tpu.vector_load_idx %arg17[%get3A_1033] : memref<64xi32, #tpu.memory_space<vmem>>[vector<16xi32>], vector<16xi32>,
    %gather3A_1040 = tpu.vector_load_idx %arg13[%add3A_1037] : memref<1024xi32, #tpu.memory_space<vmem>>[vector<16xi32>], vector<16xi32>,
    %gather3A_1041 = tpu.vector_load_idx %arg14[%add3A_1037] : memref<1024xi32, #tpu.memory_space<vmem>>[vector<16xi32>], vector<16xi32>,
    %add3A_1042 = arith.addi %gather3A_1038, %gather3A_1039 : vector<16xi32>
    %add3A_1043 = arith.addi %add3A_1042, %gather3A_1040 : vector<16xi32>
    %add3A_1044 = arith.addi %add3A_1043, %gather3A_1041 : vector<16xi32>
    %add3A_1045 = arith.addi %gather3A_1041, %broadcast_in_dim3A_0 : vector<16xi32>
    tpu.vector_store_idx %arg14[%add3A_1037], %add3A_1045 : memref<1024xi32, #tpu.memory_space<vmem>>[vector<16xi32>], vector<16xi32>,
    %swap3A_1046 = arith.constant 32 : index
    %swap3A_1047 = tpu.vector_load %arg11[%swap3A_1046] {strides = array<i32>} : memref<128xi32, #tpu.memory_space<vmem>>, vector<16xi32>,
    tpu.vector_store %arg11[%swap3A_1046], %add3A_1044 {strides = array<i32>} : memref<128xi32, #tpu.memory_space<vmem>>, vector<16xi32>,
    %get3A_1048 = arith.constant 48 : index
    %get3A_1049 = tpu.vector_load %arg10[%get3A_1048] {strides = array<i32>} : memref<128xi32, #tpu.memory_space<vmem>>, vector<16xi32>,
    %mul3A_1050 = arith.constant 64 : i32
    %mul3A_1051 = vector.broadcast %mul3A_1050 : i32 to vector<16xi32>
    %mul3A_1052 = arith.muli %iota3A, %mul3A_1051 : vector<16xi32>
    %add3A_1053 = arith.addi %mul3A_1052, %get3A_1049 : vector<16xi32>
    %gather3A_1054 = tpu.vector_load_idx %arg18[%get3A_1049] : memref<64xi32, #tpu.memory_space<vmem>>[vector<16xi32>], vector<16xi32>,
    %gather3A_1055 = tpu.vector_load_idx %arg17[%get3A_1049] : memref<64xi32, #tpu.memory_space<vmem>>[vector<16xi32>], vector<16xi32>,
    %gather3A_1056 = tpu.vector_load_idx %arg13[%add3A_1053] : memref<1024xi32, #tpu.memory_space<vmem>>[vector<16xi32>], vector<16xi32>,
    %gather3A_1057 = tpu.vector_load_idx %arg14[%add3A_1053] : memref<1024xi32, #tpu.memory_space<vmem>>[vector<16xi32>], vector<16xi32>,
    %add3A_1058 = arith.addi %gather3A_1054, %gather3A_1055 : vector<16xi32>
    %add3A_1059 = arith.addi %add3A_1058, %gather3A_1056 : vector<16xi32>
    %add3A_1060 = arith.addi %add3A_1059, %gather3A_1057 : vector<16xi32>
    %add3A_1061 = arith.addi %gather3A_1057, %broadcast_in_dim3A_0 : vector<16xi32>
    tpu.vector_store_idx %arg14[%add3A_1053], %add3A_1061 : memref<1024xi32, #tpu.memory_space<vmem>>[vector<16xi32>], vector<16xi32>,
    %swap3A_1062 = arith.constant 48 : index
    %swap3A_1063 = tpu.vector_load %arg11[%swap3A_1062] {strides = array<i32>} : memref<128xi32, #tpu.memory_space<vmem>>, vector<16xi32>,
    tpu.vector_store %arg11[%swap3A_1062], %add3A_1060 {strides = array<i32>} : memref<128xi32, #tpu.memory_space<vmem>>, vector<16xi32>,
    %get3A_1064 = arith.constant 64 : index
    %get3A_1065 = tpu.vector_load %arg10[%get3A_1064] {strides = array<i32>} : memref<128xi32, #tpu.memory_space<vmem>>, vector<16xi32>,
    %mul3A_1066 = arith.constant 64 : i32
    %mul3A_1067 = vector.broadcast %mul3A_1066 : i32 to vector<16xi32>
    %mul3A_1068 = arith.muli %iota3A, %mul3A_1067 : vector<16xi32>
    %add3A_1069 = arith.addi %mul3A_1068, %get3A_1065 : vector<16xi32>
    %gather3A_1070 = tpu.vector_load_idx %arg18[%get3A_1065] : memref<64xi32, #tpu.memory_space<vmem>>[vector<16xi32>], vector<16xi32>,
    %gather3A_1071 = tpu.vector_load_idx %arg17[%get3A_1065] : memref<64xi32, #tpu.memory_space<vmem>>[vector<16xi32>], vector<16xi32>,
    %gather3A_1072 = tpu.vector_load_idx %arg13[%add3A_1069] : memref<1024xi32, #tpu.memory_space<vmem>>[vector<16xi32>], vector<16xi32>,
    %gather3A_1073 = tpu.vector_load_idx %arg14[%add3A_1069] : memref<1024xi32, #tpu.memory_space<vmem>>[vector<16xi32>], vector<16xi32>,
    %add3A_1074 = arith.addi %gather3A_1070, %gather3A_1071 : vector<16xi32>
    %add3A_1075 = arith.addi %add3A_1074, %gather3A_1072 : vector<16xi32>
    %add3A_1076 = arith.addi %add3A_1075, %gather3A_1073 : vector<16xi32>
    %add3A_1077 = arith.addi %gather3A_1073, %broadcast_in_dim3A_0 : vector<16xi32>
    tpu.vector_store_idx %arg14[%add3A_1069], %add3A_1077 : memref<1024xi32, #tpu.memory_space<vmem>>[vector<16xi32>], vector<16xi32>,
    %swap3A_1078 = arith.constant 64 : index
    %swap3A_1079 = tpu.vector_load %arg11[%swap3A_1078] {strides = array<i32>} : memref<128xi32, #tpu.memory_space<vmem>>, vector<16xi32>,
    tpu.vector_store %arg11[%swap3A_1078], %add3A_1076 {strides = array<i32>} : memref<128xi32, #tpu.memory_space<vmem>>, vector<16xi32>,
    %get3A_1080 = arith.constant 80 : index
    %get3A_1081 = tpu.vector_load %arg10[%get3A_1080] {strides = array<i32>} : memref<128xi32, #tpu.memory_space<vmem>>, vector<16xi32>,
    %mul3A_1082 = arith.constant 64 : i32
    %mul3A_1083 = vector.broadcast %mul3A_1082 : i32 to vector<16xi32>
    %mul3A_1084 = arith.muli %iota3A, %mul3A_1083 : vector<16xi32>
    %add3A_1085 = arith.addi %mul3A_1084, %get3A_1081 : vector<16xi32>
    %gather3A_1086 = tpu.vector_load_idx %arg18[%get3A_1081] : memref<64xi32, #tpu.memory_space<vmem>>[vector<16xi32>], vector<16xi32>,
    %gather3A_1087 = tpu.vector_load_idx %arg17[%get3A_1081] : memref<64xi32, #tpu.memory_space<vmem>>[vector<16xi32>], vector<16xi32>,
    %gather3A_1088 = tpu.vector_load_idx %arg13[%add3A_1085] : memref<1024xi32, #tpu.memory_space<vmem>>[vector<16xi32>], vector<16xi32>,
    %gather3A_1089 = tpu.vector_load_idx %arg14[%add3A_1085] : memref<1024xi32, #tpu.memory_space<vmem>>[vector<16xi32>], vector<16xi32>,
    %add3A_1090 = arith.addi %gather3A_1086, %gather3A_1087 : vector<16xi32>
    %add3A_1091 = arith.addi %add3A_1090, %gather3A_1088 : vector<16xi32>
    %add3A_1092 = arith.addi %add3A_1091, %gather3A_1089 : vector<16xi32>
    %add3A_1093 = arith.addi %gather3A_1089, %broadcast_in_dim3A_0 : vector<16xi32>
    tpu.vector_store_idx %arg14[%add3A_1085], %add3A_1093 : memref<1024xi32, #tpu.memory_space<vmem>>[vector<16xi32>], vector<16xi32>,
    %swap3A_1094 = arith.constant 80 : index
    %swap3A_1095 = tpu.vector_load %arg11[%swap3A_1094] {strides = array<i32>} : memref<128xi32, #tpu.memory_space<vmem>>, vector<16xi32>,
    tpu.vector_store %arg11[%swap3A_1094], %add3A_1092 {strides = array<i32>} : memref<128xi32, #tpu.memory_space<vmem>>, vector<16xi32>,
    %get3A_1096 = arith.constant 96 : index
    %get3A_1097 = tpu.vector_load %arg10[%get3A_1096] {strides = array<i32>} : memref<128xi32, #tpu.memory_space<vmem>>, vector<16xi32>,
    %mul3A_1098 = arith.constant 64 : i32
    %mul3A_1099 = vector.broadcast %mul3A_1098 : i32 to vector<16xi32>
    %mul3A_1100 = arith.muli %iota3A, %mul3A_1099 : vector<16xi32>
    %add3A_1101 = arith.addi %mul3A_1100, %get3A_1097 : vector<16xi32>
    %gather3A_1102 = tpu.vector_load_idx %arg18[%get3A_1097] : memref<64xi32, #tpu.memory_space<vmem>>[vector<16xi32>], vector<16xi32>,
    %gather3A_1103 = tpu.vector_load_idx %arg17[%get3A_1097] : memref<64xi32, #tpu.memory_space<vmem>>[vector<16xi32>], vector<16xi32>,
    %gather3A_1104 = tpu.vector_load_idx %arg13[%add3A_1101] : memref<1024xi32, #tpu.memory_space<vmem>>[vector<16xi32>], vector<16xi32>,
    %gather3A_1105 = tpu.vector_load_idx %arg14[%add3A_1101] : memref<1024xi32, #tpu.memory_space<vmem>>[vector<16xi32>], vector<16xi32>,
    %add3A_1106 = arith.addi %gather3A_1102, %gather3A_1103 : vector<16xi32>
    %add3A_1107 = arith.addi %add3A_1106, %gather3A_1104 : vector<16xi32>
    %add3A_1108 = arith.addi %add3A_1107, %gather3A_1105 : vector<16xi32>
    %add3A_1109 = arith.addi %gather3A_1105, %broadcast_in_dim3A_0 : vector<16xi32>
    tpu.vector_store_idx %arg14[%add3A_1101], %add3A_1109 : memref<1024xi32, #tpu.memory_space<vmem>>[vector<16xi32>], vector<16xi32>,
    %swap3A_1110 = arith.constant 96 : index
    %swap3A_1111 = tpu.vector_load %arg11[%swap3A_1110] {strides = array<i32>} : memref<128xi32, #tpu.memory_space<vmem>>, vector<16xi32>,
    tpu.vector_store %arg11[%swap3A_1110], %add3A_1108 {strides = array<i32>} : memref<128xi32, #tpu.memory_space<vmem>>, vector<16xi32>,
    %get3A_1112 = arith.constant 112 : index
    %get3A_1113 = tpu.vector_load %arg10[%get3A_1112] {strides = array<i32>} : memref<128xi32, #tpu.memory_space<vmem>>, vector<16xi32>,
    %mul3A_1114 = arith.constant 64 : i32
    %mul3A_1115 = vector.broadcast %mul3A_1114 : i32 to vector<16xi32>
    %mul3A_1116 = arith.muli %iota3A, %mul3A_1115 : vector<16xi32>
    %add3A_1117 = arith.addi %mul3A_1116, %get3A_1113 : vector<16xi32>
    %gather3A_1118 = tpu.vector_load_idx %arg18[%get3A_1113] : memref<64xi32, #tpu.memory_space<vmem>>[vector<16xi32>], vector<16xi32>,
    %gather3A_1119 = tpu.vector_load_idx %arg17[%get3A_1113] : memref<64xi32, #tpu.memory_space<vmem>>[vector<16xi32>], vector<16xi32>,
    %gather3A_1120 = tpu.vector_load_idx %arg13[%add3A_1117] : memref<1024xi32, #tpu.memory_space<vmem>>[vector<16xi32>], vector<16xi32>,
    %gather3A_1121 = tpu.vector_load_idx %arg14[%add3A_1117] : memref<1024xi32, #tpu.memory_space<vmem>>[vector<16xi32>], vector<16xi32>,
    %add3A_1122 = arith.addi %gather3A_1118, %gather3A_1119 : vector<16xi32>
    %add3A_1123 = arith.addi %add3A_1122, %gather3A_1120 : vector<16xi32>
    %add3A_1124 = arith.addi %add3A_1123, %gather3A_1121 : vector<16xi32>
    %add3A_1125 = arith.addi %gather3A_1121, %broadcast_in_dim3A_0 : vector<16xi32>
    tpu.vector_store_idx %arg14[%add3A_1117], %add3A_1125 : memref<1024xi32, #tpu.memory_space<vmem>>[vector<16xi32>], vector<16xi32>,
    %swap3A_1126 = arith.constant 112 : index
    %swap3A_1127 = tpu.vector_load %arg11[%swap3A_1126] {strides = array<i32>} : memref<128xi32, #tpu.memory_space<vmem>>, vector<16xi32>,
    tpu.vector_store %arg11[%swap3A_1126], %add3A_1124 {strides = array<i32>} : memref<128xi32, #tpu.memory_space<vmem>>, vector<16xi32>,
    %mul3A_1128 = arith.constant 128 : i32
    %mul3A_1129 = arith.muli %arg1, %mul3A_1128 : i32
    "tpu.region"() ({
      %run_scoped3A = tpu.sem_alloc : memref<!tpu.dma_semaphore, #tpu.memory_space<semaphore_mem>>
      %dma_start3A_1157 = tpu.memref_slice %arg26[%mul3A_1129] : memref<2048xi32, #tpu.memory_space<vmem_shared>> -> memref<128xi32, #tpu.memory_space<vmem_shared>>
      %dma_start3A_1158 = tpu.memref_slice %arg26[%mul3A_1129] : memref<2048xi32, #tpu.memory_space<vmem_shared>> -> memref<128xi32, #tpu.memory_space<vmem_shared>>
      tpu.enqueue_dma source(%arg11 : memref<128xi32, #tpu.memory_space<vmem>>) target(%dma_start3A_1158 : memref<128xi32, #tpu.memory_space<vmem_shared>>) target_semaphore(%run_scoped3A : memref<!tpu.dma_semaphore, #tpu.memory_space<semaphore_mem>>)
      %dma_wait3A_1159 = tpu.memref_slice %arg26[%mul3A_1129] : memref<2048xi32, #tpu.memory_space<vmem_shared>> -> memref<128xi32, #tpu.memory_space<vmem_shared>>
      %dma_wait3A_1160 = tpu.memref_slice %arg26[%mul3A_1129] : memref<2048xi32, #tpu.memory_space<vmem_shared>> -> memref<128xi32, #tpu.memory_space<vmem_shared>>
      tpu.wait_dma2 semaphore(%run_scoped3A : memref<!tpu.dma_semaphore, #tpu.memory_space<semaphore_mem>>) src(%arg11 : memref<128xi32, #tpu.memory_space<vmem>>) dst(%dma_wait3A_1160 : memref<128xi32, #tpu.memory_space<vmem_shared>>)
      tpu.yield
    }) : () -> ()
    %eq3A = arith.constant 0 : i32
    %eq3A_1130 = arith.cmpi eq, %arg0, %eq3A : i32
    %convert_element_type3A = arith.extui %eq3A_1130 : i1 to i32
    %cond3A = arith.constant 0 : i32
    %cond3A_1131 = arith.cmpi ne, %convert_element_type3A, %cond3A : i32
    scf.if %cond3A_1131 {
      %mul3A_1157 = arith.constant 128 : i32
      %mul3A_1158 = arith.muli %arg1, %mul3A_1157 : i32
      "tpu.region"() ({
        %run_scoped3A = tpu.sem_alloc : memref<!tpu.dma_semaphore, #tpu.memory_space<semaphore_mem>>
        %dma_start3A_1159 = tpu.memref_slice %arg7[%mul3A_1158] : memref<2048xi32, #tpu.memory_space<hbm>> -> memref<128xi32, #tpu.memory_space<hbm>>
        %dma_start3A_1160 = tpu.memref_slice %arg7[%mul3A_1158] : memref<2048xi32, #tpu.memory_space<hbm>> -> memref<128xi32, #tpu.memory_space<hbm>>
        tpu.enqueue_dma source(%arg11 : memref<128xi32, #tpu.memory_space<vmem>>) target(%dma_start3A_1160 : memref<128xi32, #tpu.memory_space<hbm>>) target_semaphore(%run_scoped3A : memref<!tpu.dma_semaphore, #tpu.memory_space<semaphore_mem>>)
        %dma_wait3A_1161 = tpu.memref_slice %arg7[%mul3A_1158] : memref<2048xi32, #tpu.memory_space<hbm>> -> memref<128xi32, #tpu.memory_space<hbm>>
        %dma_wait3A_1162 = tpu.memref_slice %arg7[%mul3A_1158] : memref<2048xi32, #tpu.memory_space<hbm>> -> memref<128xi32, #tpu.memory_space<hbm>>
        tpu.wait_dma2 semaphore(%run_scoped3A : memref<!tpu.dma_semaphore, #tpu.memory_space<semaphore_mem>>) src(%arg11 : memref<128xi32, #tpu.memory_space<vmem>>) dst(%dma_wait3A_1162 : memref<128xi32, #tpu.memory_space<hbm>>)
        tpu.yield
      }) : () -> ()
    } else {
    }
    %eq3A_1132 = arith.constant 0 : i32
    %eq3A_1133 = arith.cmpi eq, %arg0, %eq3A_1132 : i32
    %eq3A_1134 = arith.constant 0 : i32
    %eq3A_1135 = arith.cmpi eq, %arg1, %eq3A_1134 : i32
    %and3A = arith.andi %eq3A_1133, %eq3A_1135 : i1
    %convert_element_type3A_1136 = arith.extui %and3A : i1 to i32
    %cond3A_1137 = arith.constant 0 : i32
    %cond3A_1138 = arith.cmpi ne, %convert_element_type3A_1136, %cond3A_1137 : i32
    scf.if %cond3A_1138 {
      "tpu.region"() ({
        %run_scoped3A = tpu.sem_alloc : memref<!tpu.dma_semaphore, #tpu.memory_space<semaphore_mem>>
        tpu.enqueue_dma source(%arg18 : memref<64xi32, #tpu.memory_space<vmem>>) target(%arg5 : memref<64xi32, #tpu.memory_space<hbm>>) target_semaphore(%run_scoped3A : memref<!tpu.dma_semaphore, #tpu.memory_space<semaphore_mem>>)
        tpu.wait_dma2 semaphore(%run_scoped3A : memref<!tpu.dma_semaphore, #tpu.memory_space<semaphore_mem>>) src(%arg18 : memref<64xi32, #tpu.memory_space<vmem>>) dst(%arg5 : memref<64xi32, #tpu.memory_space<hbm>>)
        tpu.yield
      }) : () -> ()
      "tpu.region"() ({
        %run_scoped3A = tpu.sem_alloc : memref<!tpu.dma_semaphore, #tpu.memory_space<semaphore_mem>>
        tpu.enqueue_dma source(%arg19 : memref<64xi32, #tpu.memory_space<vmem>>) target(%arg6 : memref<64xi32, #tpu.memory_space<hbm>>) target_semaphore(%run_scoped3A : memref<!tpu.dma_semaphore, #tpu.memory_space<semaphore_mem>>)
        tpu.wait_dma2 semaphore(%run_scoped3A : memref<!tpu.dma_semaphore, #tpu.memory_space<semaphore_mem>>) src(%arg19 : memref<64xi32, #tpu.memory_space<vmem>>) dst(%arg6 : memref<64xi32, #tpu.memory_space<hbm>>)
        tpu.yield
      }) : () -> ()
    } else {
    }
    %barrier3A_1139 = arith.constant 0 : index
    tpu.barrier barrier_id(%barrier3A_1139)
    %eq3A_1140 = arith.constant 0 : i32
    %eq3A_1141 = arith.cmpi eq, %arg0, %eq3A_1140 : i32
    %eq3A_1142 = arith.constant 0 : i32
    %eq3A_1143 = arith.cmpi eq, %arg1, %eq3A_1142 : i32
    %and3A_1144 = arith.andi %eq3A_1141, %eq3A_1143 : i1
    %convert_element_type3A_1145 = arith.extui %and3A_1144 : i1 to i32
    %cond3A_1146 = arith.constant 0 : i32
    %cond3A_1147 = arith.cmpi ne, %convert_element_type3A_1145, %cond3A_1146 : i32
    scf.if %cond3A_1147 {
      "tpu.region"() ({
        %run_scoped3A = tpu.sem_alloc : memref<!tpu.dma_semaphore, #tpu.memory_space<semaphore_mem>>
        tpu.enqueue_dma source(%arg26 : memref<2048xi32, #tpu.memory_space<vmem_shared>>) target(%arg20 : memref<2048xi32, #tpu.memory_space<vmem>>) target_semaphore(%run_scoped3A : memref<!tpu.dma_semaphore, #tpu.memory_space<semaphore_mem>>)
        tpu.wait_dma2 semaphore(%run_scoped3A : memref<!tpu.dma_semaphore, #tpu.memory_space<semaphore_mem>>) src(%arg26 : memref<2048xi32, #tpu.memory_space<vmem_shared>>) dst(%arg20 : memref<2048xi32, #tpu.memory_space<vmem>>)
        tpu.yield
      }) : () -> ()
      "tpu.region"() ({
        %run_scoped3A = tpu.sem_alloc : memref<!tpu.dma_semaphore, #tpu.memory_space<semaphore_mem>>
        tpu.enqueue_dma source(%arg3 : memref<2048xf32, #tpu.memory_space<hbm>>) target(%arg21 : memref<2048xf32, #tpu.memory_space<vmem>>) target_semaphore(%run_scoped3A : memref<!tpu.dma_semaphore, #tpu.memory_space<semaphore_mem>>)
        tpu.wait_dma2 semaphore(%run_scoped3A : memref<!tpu.dma_semaphore, #tpu.memory_space<semaphore_mem>>) src(%arg3 : memref<2048xf32, #tpu.memory_space<hbm>>) dst(%arg21 : memref<2048xf32, #tpu.memory_space<vmem>>)
        tpu.yield
      }) : () -> ()
      %scan3A_1157 = arith.constant 0 : i32
      %scan3A_1158 = arith.constant 0 : i32
      %scan3A_1159 = arith.constant 128 : i32
      %scan3A_1160 = arith.addi %scan3A_1158, %scan3A_1159 : i32
      %scan3A_1161 = arith.constant 1 : i32
      scf.for %scan3A_1163 = %scan3A_1158 to %scan3A_1160 step %scan3A_1161  : i32 {
        %mul3A_1164 = arith.constant 16 : i32
        %mul3A_1165 = arith.muli %scan3A_1163, %mul3A_1164 : i32
        %get3A_1166 = arith.index_cast %mul3A_1165 : i32 to index
        %get3A_1167 = tpu.vector_load %arg21[%get3A_1166] {strides = array<i32>} : memref<2048xf32, #tpu.memory_space<vmem>>, vector<16xf32>,
        %mul3A_1168 = arith.constant 16 : i32
        %mul3A_1169 = arith.muli %scan3A_1163, %mul3A_1168 : i32
        %get3A_1170 = arith.index_cast %mul3A_1169 : i32 to index
        %get3A_1171 = tpu.vector_load %arg20[%get3A_1170] {strides = array<i32>} : memref<2048xi32, #tpu.memory_space<vmem>>, vector<16xi32>,
        tpu.vector_store_idx %arg22[%get3A_1171], %get3A_1167 : memref<2560xf32, #tpu.memory_space<vmem>>[vector<16xi32>], vector<16xf32>,
      }
      %scan3A_1162 = arith.constant 128 : i32
      "tpu.region"() ({
        %run_scoped3A = tpu.sem_alloc : memref<!tpu.dma_semaphore, #tpu.memory_space<semaphore_mem>>
        tpu.enqueue_dma source(%arg22 : memref<2560xf32, #tpu.memory_space<vmem>>) target(%arg8 : memref<2560xf32, #tpu.memory_space<hbm>>) target_semaphore(%run_scoped3A : memref<!tpu.dma_semaphore, #tpu.memory_space<semaphore_mem>>)
        tpu.wait_dma2 semaphore(%run_scoped3A : memref<!tpu.dma_semaphore, #tpu.memory_space<semaphore_mem>>) src(%arg22 : memref<2560xf32, #tpu.memory_space<vmem>>) dst(%arg8 : memref<2560xf32, #tpu.memory_space<hbm>>)
        tpu.yield
      }) : () -> ()
    } else {
    }
    "tpu.region"() ({
      %run_scoped3A = tpu.sem_alloc : memref<!tpu.dma_semaphore, #tpu.memory_space<semaphore_mem>>
      %dma_start3A_1157 = tpu.memref_slice %arg26[%mul3A_7] : memref<2048xi32, #tpu.memory_space<vmem_shared>> -> memref<64xi32, #tpu.memory_space<vmem_shared>>
      %dma_start3A_1158 = tpu.memref_slice %arg26[%mul3A_7] : memref<2048xi32, #tpu.memory_space<vmem_shared>> -> memref<64xi32, #tpu.memory_space<vmem_shared>>
      tpu.enqueue_dma source(%dma_start3A_1158 : memref<64xi32, #tpu.memory_space<vmem_shared>>) target(%arg23 : memref<64xi32, #tpu.memory_space<vmem>>) target_semaphore(%run_scoped3A : memref<!tpu.dma_semaphore, #tpu.memory_space<semaphore_mem>>)
      %dma_wait3A_1159 = tpu.memref_slice %arg26[%mul3A_7] : memref<2048xi32, #tpu.memory_space<vmem_shared>> -> memref<64xi32, #tpu.memory_space<vmem_shared>>
      %dma_wait3A_1160 = tpu.memref_slice %arg26[%mul3A_7] : memref<2048xi32, #tpu.memory_space<vmem_shared>> -> memref<64xi32, #tpu.memory_space<vmem_shared>>
      tpu.wait_dma2 semaphore(%run_scoped3A : memref<!tpu.dma_semaphore, #tpu.memory_space<semaphore_mem>>) src(%dma_wait3A_1160 : memref<64xi32, #tpu.memory_space<vmem_shared>>) dst(%arg23 : memref<64xi32, #tpu.memory_space<vmem>>)
      tpu.yield
    }) : () -> ()
    %dma_wait3A = arith.constant 0 : i32
    %dma_wait3A_1148 = tpu.memref_slice %arg4[%mul3A_7, %dma_wait3A] : memref<2048x768xf32, #tpu.memory_space<hbm>> -> memref<64x768xf32, #tpu.memory_space<hbm>>
    %dma_wait3A_1149 = arith.constant 0 : i32
    %dma_wait3A_1150 = tpu.memref_slice %arg4[%mul3A_7, %dma_wait3A_1149] : memref<2048x768xf32, #tpu.memory_space<hbm>> -> memref<64x768xf32, #tpu.memory_space<hbm>>
    tpu.wait_dma2 semaphore(%arg27 : memref<!tpu.dma_semaphore, #tpu.memory_space<semaphore_mem>>) src(%dma_wait3A_1150 : memref<64x768xf32, #tpu.memory_space<hbm>>) dst(%arg24 : memref<64x768xf32, #tpu.memory_space<vmem>>)
    %dma_start3A_1151 = arith.constant 0 : i32
    %dma_start3A_1152 = arith.constant 0 : i32
    %dma_start3A_1153 = tpu.memref_slice %arg9[%dma_start3A_1151, %dma_start3A_1152] : memref<2560x768xf32, #tpu.memory_space<hbm>> -> memref<2560x768xf32, #tpu.memory_space<hbm>>
    tpu.enqueue_indirect_dma source(%arg24 : memref<64x768xf32, #tpu.memory_space<vmem>>) target(%dma_start3A_1153 : memref<2560x768xf32, #tpu.memory_space<hbm>>) offsets(%arg23 : memref<64xi32, #tpu.memory_space<vmem>>) semaphore(%arg27 : memref<!tpu.dma_semaphore, #tpu.memory_space<semaphore_mem>>)
    %dma_wait3A_1154 = arith.constant 0 : i32
    %dma_wait3A_1155 = arith.constant 0 : i32
    %dma_wait3A_1156 = tpu.memref_slice %arg9[%dma_wait3A_1154, %dma_wait3A_1155] : memref<2560x768xf32, #tpu.memory_space<hbm>> -> memref<2560x768xf32, #tpu.memory_space<hbm>>
    tpu.wait_indirect_dma semaphore(%arg27 : memref<!tpu.dma_semaphore, #tpu.memory_space<semaphore_mem>>) src(%arg24 : memref<64x768xf32, #tpu.memory_space<vmem>>) dst(%dma_wait3A_1156 : memref<2560x768xf32, #tpu.memory_space<hbm>>)
    return
  }
}

#map = affine_map<(d0, d1) -> (0, 0)>
#map1 = affine_map<(d0, d1) -> (0)>
module attributes {stable_mosaic.version = 14 : i64} {
  func.func @_combine_body(%arg0: i32, %arg1: i32, %arg2: memref<2560x768xf32, #tpu.memory_space<hbm>>, %arg3: memref<2048xi32, #tpu.memory_space<hbm>>, %arg4: memref<2048x768xf32, #tpu.memory_space<hbm>>, %arg5: memref<64xi32, #tpu.memory_space<vmem>>, %arg6: memref<32x768xf32, #tpu.memory_space<vmem>>, %arg7: memref<32x768xf32, #tpu.memory_space<vmem>>, %arg8: memref<!tpu.dma_semaphore, #tpu.memory_space<semaphore_mem>>, %arg9: memref<!tpu.dma_semaphore, #tpu.memory_space<semaphore_mem>>) attributes {dimension_semantics = [#tpu.dimension_semantics<core_parallel>, #tpu.dimension_semantics<subcore_parallel>], iteration_bounds = array<i64: 2, 16>, scalar_prefetch = 0 : i64, scratch_operands = 5 : i64, tpu.core_type = #tpu.core_type<sc_vector_subcore>, window_params = [{transform_indices = #map}, {transform_indices = #map1}, {transform_indices = #map}]} {
    %mul3A = arith.constant 2 : i32
    %mul3A_0 = arith.muli %arg1, %mul3A : i32
    %add3A = arith.addi %mul3A_0, %arg0 : i32
    %mul3A_1 = arith.constant 64 : i32
    %mul3A_2 = arith.muli %add3A, %mul3A_1 : i32
    "tpu.region"() ({
      %run_scoped3A = tpu.sem_alloc : memref<!tpu.dma_semaphore, #tpu.memory_space<semaphore_mem>>
      %dma_start3A_23 = tpu.memref_slice %arg3[%mul3A_2] : memref<2048xi32, #tpu.memory_space<hbm>> -> memref<64xi32, #tpu.memory_space<hbm>>
      %dma_start3A_24 = tpu.memref_slice %arg3[%mul3A_2] : memref<2048xi32, #tpu.memory_space<hbm>> -> memref<64xi32, #tpu.memory_space<hbm>>
      tpu.enqueue_dma source(%dma_start3A_24 : memref<64xi32, #tpu.memory_space<hbm>>) target(%arg5 : memref<64xi32, #tpu.memory_space<vmem>>) target_semaphore(%run_scoped3A : memref<!tpu.dma_semaphore, #tpu.memory_space<semaphore_mem>>)
      %dma_wait3A_25 = tpu.memref_slice %arg3[%mul3A_2] : memref<2048xi32, #tpu.memory_space<hbm>> -> memref<64xi32, #tpu.memory_space<hbm>>
      %dma_wait3A_26 = tpu.memref_slice %arg3[%mul3A_2] : memref<2048xi32, #tpu.memory_space<hbm>> -> memref<64xi32, #tpu.memory_space<hbm>>
      tpu.wait_dma2 semaphore(%run_scoped3A : memref<!tpu.dma_semaphore, #tpu.memory_space<semaphore_mem>>) src(%dma_wait3A_26 : memref<64xi32, #tpu.memory_space<hbm>>) dst(%arg5 : memref<64xi32, #tpu.memory_space<vmem>>)
      tpu.yield
    }) : () -> ()
    %dma_start3A = arith.constant 0 : i32
    %dma_start3A_3 = tpu.memref_slice %arg5[%dma_start3A] : memref<64xi32, #tpu.memory_space<vmem>> -> memref<32xi32, #tpu.memory_space<vmem>>
    %dma_start3A_4 = arith.constant 0 : i32
    %dma_start3A_5 = arith.constant 0 : i32
    %dma_start3A_6 = tpu.memref_slice %arg2[%dma_start3A_4, %dma_start3A_5] : memref<2560x768xf32, #tpu.memory_space<hbm>> -> memref<2560x768xf32, #tpu.memory_space<hbm>>
    tpu.enqueue_indirect_dma source(%dma_start3A_6 : memref<2560x768xf32, #tpu.memory_space<hbm>>) target(%arg6 : memref<32x768xf32, #tpu.memory_space<vmem>>) offsets(%dma_start3A_3 : memref<32xi32, #tpu.memory_space<vmem>>) semaphore(%arg8 : memref<!tpu.dma_semaphore, #tpu.memory_space<semaphore_mem>>)
    %dma_start3A_7 = arith.constant 32 : i32
    %dma_start3A_8 = tpu.memref_slice %arg5[%dma_start3A_7] : memref<64xi32, #tpu.memory_space<vmem>> -> memref<32xi32, #tpu.memory_space<vmem>>
    %dma_start3A_9 = arith.constant 0 : i32
    %dma_start3A_10 = arith.constant 0 : i32
    %dma_start3A_11 = tpu.memref_slice %arg2[%dma_start3A_9, %dma_start3A_10] : memref<2560x768xf32, #tpu.memory_space<hbm>> -> memref<2560x768xf32, #tpu.memory_space<hbm>>
    tpu.enqueue_indirect_dma source(%dma_start3A_11 : memref<2560x768xf32, #tpu.memory_space<hbm>>) target(%arg7 : memref<32x768xf32, #tpu.memory_space<vmem>>) offsets(%dma_start3A_8 : memref<32xi32, #tpu.memory_space<vmem>>) semaphore(%arg9 : memref<!tpu.dma_semaphore, #tpu.memory_space<semaphore_mem>>)
    %dma_wait3A = arith.constant 0 : i32
    %dma_wait3A_12 = tpu.memref_slice %arg5[%dma_wait3A] : memref<64xi32, #tpu.memory_space<vmem>> -> memref<32xi32, #tpu.memory_space<vmem>>
    %dma_wait3A_13 = arith.constant 0 : i32
    %dma_wait3A_14 = arith.constant 0 : i32
    %dma_wait3A_15 = tpu.memref_slice %arg2[%dma_wait3A_13, %dma_wait3A_14] : memref<2560x768xf32, #tpu.memory_space<hbm>> -> memref<2560x768xf32, #tpu.memory_space<hbm>>
    tpu.wait_indirect_dma semaphore(%arg8 : memref<!tpu.dma_semaphore, #tpu.memory_space<semaphore_mem>>) src(%dma_wait3A_15 : memref<2560x768xf32, #tpu.memory_space<hbm>>) dst(%arg6 : memref<32x768xf32, #tpu.memory_space<vmem>>)
    "tpu.region"() ({
      %run_scoped3A = tpu.sem_alloc : memref<!tpu.dma_semaphore, #tpu.memory_space<semaphore_mem>>
      %dma_start3A_23 = arith.constant 0 : i32
      %dma_start3A_24 = tpu.memref_slice %arg4[%mul3A_2, %dma_start3A_23] : memref<2048x768xf32, #tpu.memory_space<hbm>> -> memref<32x768xf32, #tpu.memory_space<hbm>>
      %dma_start3A_25 = arith.constant 0 : i32
      %dma_start3A_26 = tpu.memref_slice %arg4[%mul3A_2, %dma_start3A_25] : memref<2048x768xf32, #tpu.memory_space<hbm>> -> memref<32x768xf32, #tpu.memory_space<hbm>>
      tpu.enqueue_dma source(%arg6 : memref<32x768xf32, #tpu.memory_space<vmem>>) target(%dma_start3A_26 : memref<32x768xf32, #tpu.memory_space<hbm>>) target_semaphore(%run_scoped3A : memref<!tpu.dma_semaphore, #tpu.memory_space<semaphore_mem>>)
      %dma_wait3A_27 = arith.constant 0 : i32
      %dma_wait3A_28 = tpu.memref_slice %arg4[%mul3A_2, %dma_wait3A_27] : memref<2048x768xf32, #tpu.memory_space<hbm>> -> memref<32x768xf32, #tpu.memory_space<hbm>>
      %dma_wait3A_29 = arith.constant 0 : i32
      %dma_wait3A_30 = tpu.memref_slice %arg4[%mul3A_2, %dma_wait3A_29] : memref<2048x768xf32, #tpu.memory_space<hbm>> -> memref<32x768xf32, #tpu.memory_space<hbm>>
      tpu.wait_dma2 semaphore(%run_scoped3A : memref<!tpu.dma_semaphore, #tpu.memory_space<semaphore_mem>>) src(%arg6 : memref<32x768xf32, #tpu.memory_space<vmem>>) dst(%dma_wait3A_30 : memref<32x768xf32, #tpu.memory_space<hbm>>)
      tpu.yield
    }) : () -> ()
    %dma_wait3A_16 = arith.constant 32 : i32
    %dma_wait3A_17 = tpu.memref_slice %arg5[%dma_wait3A_16] : memref<64xi32, #tpu.memory_space<vmem>> -> memref<32xi32, #tpu.memory_space<vmem>>
    %dma_wait3A_18 = arith.constant 0 : i32
    %dma_wait3A_19 = arith.constant 0 : i32
    %dma_wait3A_20 = tpu.memref_slice %arg2[%dma_wait3A_18, %dma_wait3A_19] : memref<2560x768xf32, #tpu.memory_space<hbm>> -> memref<2560x768xf32, #tpu.memory_space<hbm>>
    tpu.wait_indirect_dma semaphore(%arg9 : memref<!tpu.dma_semaphore, #tpu.memory_space<semaphore_mem>>) src(%dma_wait3A_20 : memref<2560x768xf32, #tpu.memory_space<hbm>>) dst(%arg7 : memref<32x768xf32, #tpu.memory_space<vmem>>)
    %add3A_21 = arith.constant 32 : i32
    %add3A_22 = arith.addi %mul3A_2, %add3A_21 : i32
    "tpu.region"() ({
      %run_scoped3A = tpu.sem_alloc : memref<!tpu.dma_semaphore, #tpu.memory_space<semaphore_mem>>
      %dma_start3A_23 = arith.constant 0 : i32
      %dma_start3A_24 = tpu.memref_slice %arg4[%add3A_22, %dma_start3A_23] : memref<2048x768xf32, #tpu.memory_space<hbm>> -> memref<32x768xf32, #tpu.memory_space<hbm>>
      %dma_start3A_25 = arith.constant 0 : i32
      %dma_start3A_26 = tpu.memref_slice %arg4[%add3A_22, %dma_start3A_25] : memref<2048x768xf32, #tpu.memory_space<hbm>> -> memref<32x768xf32, #tpu.memory_space<hbm>>
      tpu.enqueue_dma source(%arg7 : memref<32x768xf32, #tpu.memory_space<vmem>>) target(%dma_start3A_26 : memref<32x768xf32, #tpu.memory_space<hbm>>) target_semaphore(%run_scoped3A : memref<!tpu.dma_semaphore, #tpu.memory_space<semaphore_mem>>)
      %dma_wait3A_27 = arith.constant 0 : i32
      %dma_wait3A_28 = tpu.memref_slice %arg4[%add3A_22, %dma_wait3A_27] : memref<2048x768xf32, #tpu.memory_space<hbm>> -> memref<32x768xf32, #tpu.memory_space<hbm>>
      %dma_wait3A_29 = arith.constant 0 : i32
      %dma_wait3A_30 = tpu.memref_slice %arg4[%add3A_22, %dma_wait3A_29] : memref<2048x768xf32, #tpu.memory_space<hbm>> -> memref<32x768xf32, #tpu.memory_space<hbm>>
      tpu.wait_dma2 semaphore(%run_scoped3A : memref<!tpu.dma_semaphore, #tpu.memory_space<semaphore_mem>>) src(%arg7 : memref<32x768xf32, #tpu.memory_space<vmem>>) dst(%dma_wait3A_30 : memref<32x768xf32, #tpu.memory_space<hbm>>)
      tpu.yield
    }) : () -> ()
    return
  }
}

module attributes {stable_mosaic.version = 14 : i64} {
  func.func @_gmm_body(%arg0: i32, %arg1: memref<64xi32, #tpu.memory_space<smem>>, %arg2: memref<64xi32, #tpu.memory_space<smem>>, %arg3: memref<2560x768xf32, #tpu.memory_space<vmem>>, %arg4: memref<2560x1xf32, #tpu.memory_space<vmem>>, %arg5: memref<4x512x768xf32, #tpu.memory_space<vmem>>, %arg6: memref<4x768x256xf32, #tpu.memory_space<vmem>>, %arg7: memref<2560x768xf32, #tpu.memory_space<vmem>>) attributes {dimension_semantics = [#tpu.dimension_semantics<arbitrary>], iteration_bounds = array<i64: 16>, scalar_prefetch = 2 : i64, scratch_operands = 0 : i64, tpu.core_type = #tpu.core_type<tc>, window_params = [{pipeline_mode = #tpu.pipeline_mode<synchronous>, transform_indices = @transform_0, window_bounds = array<i64: 2560, 768>}, {pipeline_mode = #tpu.pipeline_mode<synchronous>, transform_indices = @transform_1, window_bounds = array<i64: 2560, 1>}, {transform_indices = @transform_2, window_bounds = array<i64: 4, 512, 768>}, {transform_indices = @transform_3, window_bounds = array<i64: 4, 768, 256>}, {pipeline_mode = #tpu.pipeline_mode<synchronous>, transform_indices = @transform_4, window_bounds = array<i64: 2560, 768>}]} {
    %mul3A = arith.constant 4 : i32
    %mul3A_0 = arith.muli %arg0, %mul3A : i32
    %add3A = arith.constant 0 : i32
    %add3A_1 = arith.addi %mul3A_0, %add3A : i32
    %get3A = arith.index_cast %add3A_1 : i32 to index
    %get3A_2 = memref.load %arg1[%get3A] : memref<64xi32, #tpu.memory_space<smem>>
    %get3A_3 = arith.index_cast %add3A_1 : i32 to index
    %get3A_4 = memref.load %arg2[%get3A_3] : memref<64xi32, #tpu.memory_space<smem>>
    %add3A_5 = arith.constant 64 : i32
    %add3A_6 = arith.addi %get3A_4, %add3A_5 : i32
    %sub3A = arith.constant 1 : i32
    %sub3A_7 = arith.subi %add3A_6, %sub3A : i32
    %jit3A = arith.constant 64 : i32
    %div3A = arith.divsi %sub3A_7, %jit3A : i32
    %sign3A = arith.constant 0 : i32
    %sign3A_8 = arith.cmpi sgt, %sub3A_7, %sign3A : i32
    %sign3A_9 = arith.extui %sign3A_8 : i1 to i32
    %sign3A_10 = arith.constant 0 : i32
    %sign3A_11 = arith.cmpi slt, %sub3A_7, %sign3A_10 : i32
    %sign3A_12 = arith.extui %sign3A_11 : i1 to i32
    %sign3A_13 = arith.subi %sign3A_9, %sign3A_12 : i32
    %sign3A_14 = arith.constant 0 : i32
    %sign3A_15 = arith.cmpi sgt, %jit3A, %sign3A_14 : i32
    %sign3A_16 = arith.extui %sign3A_15 : i1 to i32
    %sign3A_17 = arith.constant 0 : i32
    %sign3A_18 = arith.cmpi slt, %jit3A, %sign3A_17 : i32
    %sign3A_19 = arith.extui %sign3A_18 : i1 to i32
    %sign3A_20 = arith.subi %sign3A_16, %sign3A_19 : i32
    %ne3A = arith.cmpi ne, %sign3A_13, %sign3A_20 : i32
    %rem3A = arith.remsi %sub3A_7, %jit3A : i32
    %ne3A_21 = arith.constant 0 : i32
    %ne3A_22 = arith.cmpi ne, %rem3A, %ne3A_21 : i32
    %and3A = arith.andi %ne3A, %ne3A_22 : i1
    %sub3A_23 = arith.constant 1 : i32
    %sub3A_24 = arith.subi %div3A, %sub3A_23 : i32
    %select_n3A = arith.select %and3A, %sub3A_24, %div3A : i32
    %while3A = arith.constant 0 : i32
    %while3A_25 = arith.constant 0 : i32
    %while3A_26 = arith.subi %select_n3A, %while3A_25 : i32
    %while3A_27 = arith.addi %while3A_25, %while3A_26 : i32
    %while3A_28 = arith.constant 1 : i32
    %while3A_29 = arith.divsi %while3A_26, %while3A_28 : i32
    %while3A_30 = arith.muli %while3A_29, %while3A_28 : i32
    %while3A_31 = arith.addi %while3A_25, %while3A_30 : i32
    %while3A_32 = arith.constant 1 : i32
    scf.for %while3A_172 = %while3A_25 to %while3A_31 step %while3A_32  : i32 {
      %mul3A_173 = arith.constant 64 : i32
      %mul3A_174 = arith.muli %while3A_172, %mul3A_173 : i32
      %add3A_175 = arith.addi %get3A_2, %mul3A_174 : i32
      %multiple_of3A = tpu.assume_multiple %add3A_175, 8 : i32
      %get3A_176 = arith.index_cast %multiple_of3A : i32 to index
      %get3A_177 = arith.constant 0 : index
      %get3A_178 = vector.load %arg3[%get3A_176, %get3A_177] : memref<2560x768xf32, #tpu.memory_space<vmem>>, vector<64x768xf32>
      %get3A_179 = arith.constant 0 : index
      %get3A_180 = arith.constant 0 : index
      %get3A_181 = arith.constant 0 : index
      %get3A_182 = vector.load %arg5[%get3A_179, %get3A_180, %get3A_181] : memref<4x512x768xf32, #tpu.memory_space<vmem>>, vector<1x512x768xf32>
      %get3A_183 = vector.shape_cast %get3A_182 : vector<1x512x768xf32> to vector<512x768xf32>
      %dot_general3A = arith.constant dense<0.000000e+00> : vector<64x512xf32>
      %dot_general3A_184 = tpu.matmul %get3A_178, %get3A_183, %dot_general3A {dimension_numbers = #tpu.dot_dimension_numbers<[1], [1], [0], [0], [0, 0, 1, 0], [], []>, transpose_lhs_hint = false} : vector<64x768xf32>, vector<512x768xf32>, vector<64x512xf32> -> vector<64x512xf32>
      %slice3A = vector.extract_strided_slice %dot_general3A_184 {offsets = [0, 0], sizes = [64, 256], strides = [1, 1]} : vector<64x512xf32> to vector<64x256xf32>
      %slice3A_185 = vector.extract_strided_slice %dot_general3A_184 {offsets = [0, 256], sizes = [64, 256], strides = [1, 1]} : vector<64x512xf32> to vector<64x256xf32>
      %logistic3A = arith.negf %slice3A_185 : vector<64x256xf32>
      %logistic3A_186 = math.exp %logistic3A : vector<64x256xf32>
      %logistic3A_187 = arith.constant 1.000000e+00 : f32
      %logistic3A_188 = vector.broadcast %logistic3A_187 : f32 to vector<64x256xf32>
      %logistic3A_189 = arith.addf %logistic3A_188, %logistic3A_186 : vector<64x256xf32>
      %logistic3A_190 = arith.divf %logistic3A_188, %logistic3A_189 : vector<64x256xf32>
      %mul3A_191 = arith.mulf %slice3A_185, %logistic3A_190 : vector<64x256xf32>
      %mul3A_192 = arith.mulf %slice3A, %mul3A_191 : vector<64x256xf32>
      %get3A_193 = arith.constant 0 : index
      %get3A_194 = arith.constant 0 : index
      %get3A_195 = arith.constant 0 : index
      %get3A_196 = vector.load %arg6[%get3A_193, %get3A_194, %get3A_195] : memref<4x768x256xf32, #tpu.memory_space<vmem>>, vector<1x768x256xf32>
      %get3A_197 = vector.shape_cast %get3A_196 : vector<1x768x256xf32> to vector<768x256xf32>
      %dot_general3A_198 = arith.constant dense<0.000000e+00> : vector<64x768xf32>
      %dot_general3A_199 = tpu.matmul %mul3A_192, %get3A_197, %dot_general3A_198 {dimension_numbers = #tpu.dot_dimension_numbers<[1], [1], [0], [0], [0, 0, 1, 0], [], []>, transpose_lhs_hint = false} : vector<64x256xf32>, vector<768x256xf32>, vector<64x768xf32> -> vector<64x768xf32>
      %get3A_200 = arith.index_cast %multiple_of3A : i32 to index
      %get3A_201 = arith.constant 0 : index
      %get3A_202 = vector.load %arg4[%get3A_200, %get3A_201] : memref<2560x1xf32, #tpu.memory_space<vmem>>, vector<64x1xf32>
      %mul3A_203 = vector.broadcast %get3A_202 : vector<64x1xf32> to vector<64x768xf32>
      %mul3A_204 = arith.mulf %dot_general3A_199, %mul3A_203 : vector<64x768xf32>
      %swap3A = arith.index_cast %multiple_of3A : i32 to index
      %swap3A_205 = arith.constant 0 : index
      %swap3A_206 = vector.load %arg7[%swap3A, %swap3A_205] : memref<2560x768xf32, #tpu.memory_space<vmem>>, vector<64x768xf32>
      tpu.vector_store %arg7[%swap3A, %swap3A_205], %mul3A_204 {strides = array<i32>} : memref<2560x768xf32, #tpu.memory_space<vmem>>, vector<64x768xf32>,
    }
    %while3A_33 = arith.constant 1 : i32
    scf.for %while3A_172 = %while3A_31 to %while3A_27 step %while3A_33  : i32 {
      %mul3A_173 = arith.constant 64 : i32
      %mul3A_174 = arith.muli %while3A_172, %mul3A_173 : i32
      %add3A_175 = arith.addi %get3A_2, %mul3A_174 : i32
      %multiple_of3A = tpu.assume_multiple %add3A_175, 8 : i32
      %get3A_176 = arith.index_cast %multiple_of3A : i32 to index
      %get3A_177 = arith.constant 0 : index
      %get3A_178 = vector.load %arg3[%get3A_176, %get3A_177] : memref<2560x768xf32, #tpu.memory_space<vmem>>, vector<64x768xf32>
      %get3A_179 = arith.constant 0 : index
      %get3A_180 = arith.constant 0 : index
      %get3A_181 = arith.constant 0 : index
      %get3A_182 = vector.load %arg5[%get3A_179, %get3A_180, %get3A_181] : memref<4x512x768xf32, #tpu.memory_space<vmem>>, vector<1x512x768xf32>
      %get3A_183 = vector.shape_cast %get3A_182 : vector<1x512x768xf32> to vector<512x768xf32>
      %dot_general3A = arith.constant dense<0.000000e+00> : vector<64x512xf32>
      %dot_general3A_184 = tpu.matmul %get3A_178, %get3A_183, %dot_general3A {dimension_numbers = #tpu.dot_dimension_numbers<[1], [1], [0], [0], [0, 0, 1, 0], [], []>, transpose_lhs_hint = false} : vector<64x768xf32>, vector<512x768xf32>, vector<64x512xf32> -> vector<64x512xf32>
      %slice3A = vector.extract_strided_slice %dot_general3A_184 {offsets = [0, 0], sizes = [64, 256], strides = [1, 1]} : vector<64x512xf32> to vector<64x256xf32>
      %slice3A_185 = vector.extract_strided_slice %dot_general3A_184 {offsets = [0, 256], sizes = [64, 256], strides = [1, 1]} : vector<64x512xf32> to vector<64x256xf32>
      %logistic3A = arith.negf %slice3A_185 : vector<64x256xf32>
      %logistic3A_186 = math.exp %logistic3A : vector<64x256xf32>
      %logistic3A_187 = arith.constant 1.000000e+00 : f32
      %logistic3A_188 = vector.broadcast %logistic3A_187 : f32 to vector<64x256xf32>
      %logistic3A_189 = arith.addf %logistic3A_188, %logistic3A_186 : vector<64x256xf32>
      %logistic3A_190 = arith.divf %logistic3A_188, %logistic3A_189 : vector<64x256xf32>
      %mul3A_191 = arith.mulf %slice3A_185, %logistic3A_190 : vector<64x256xf32>
      %mul3A_192 = arith.mulf %slice3A, %mul3A_191 : vector<64x256xf32>
      %get3A_193 = arith.constant 0 : index
      %get3A_194 = arith.constant 0 : index
      %get3A_195 = arith.constant 0 : index
      %get3A_196 = vector.load %arg6[%get3A_193, %get3A_194, %get3A_195] : memref<4x768x256xf32, #tpu.memory_space<vmem>>, vector<1x768x256xf32>
      %get3A_197 = vector.shape_cast %get3A_196 : vector<1x768x256xf32> to vector<768x256xf32>
      %dot_general3A_198 = arith.constant dense<0.000000e+00> : vector<64x768xf32>
      %dot_general3A_199 = tpu.matmul %mul3A_192, %get3A_197, %dot_general3A_198 {dimension_numbers = #tpu.dot_dimension_numbers<[1], [1], [0], [0], [0, 0, 1, 0], [], []>, transpose_lhs_hint = false} : vector<64x256xf32>, vector<768x256xf32>, vector<64x768xf32> -> vector<64x768xf32>
      %get3A_200 = arith.index_cast %multiple_of3A : i32 to index
      %get3A_201 = arith.constant 0 : index
      %get3A_202 = vector.load %arg4[%get3A_200, %get3A_201] : memref<2560x1xf32, #tpu.memory_space<vmem>>, vector<64x1xf32>
      %mul3A_203 = vector.broadcast %get3A_202 : vector<64x1xf32> to vector<64x768xf32>
      %mul3A_204 = arith.mulf %dot_general3A_199, %mul3A_203 : vector<64x768xf32>
      %swap3A = arith.index_cast %multiple_of3A : i32 to index
      %swap3A_205 = arith.constant 0 : index
      %swap3A_206 = vector.load %arg7[%swap3A, %swap3A_205] : memref<2560x768xf32, #tpu.memory_space<vmem>>, vector<64x768xf32>
      tpu.vector_store %arg7[%swap3A, %swap3A_205], %mul3A_204 {strides = array<i32>} : memref<2560x768xf32, #tpu.memory_space<vmem>>, vector<64x768xf32>,
    }
    %mul3A_34 = arith.constant 4 : i32
    %mul3A_35 = arith.muli %arg0, %mul3A_34 : i32
    %add3A_36 = arith.constant 1 : i32
    %add3A_37 = arith.addi %mul3A_35, %add3A_36 : i32
    %get3A_38 = arith.index_cast %add3A_37 : i32 to index
    %get3A_39 = memref.load %arg1[%get3A_38] : memref<64xi32, #tpu.memory_space<smem>>
    %get3A_40 = arith.index_cast %add3A_37 : i32 to index
    %get3A_41 = memref.load %arg2[%get3A_40] : memref<64xi32, #tpu.memory_space<smem>>
    %add3A_42 = arith.constant 64 : i32
    %add3A_43 = arith.addi %get3A_41, %add3A_42 : i32
    %sub3A_44 = arith.constant 1 : i32
    %sub3A_45 = arith.subi %add3A_43, %sub3A_44 : i32
    %jit3A_46 = arith.constant 64 : i32
    %div3A_47 = arith.divsi %sub3A_45, %jit3A_46 : i32
    %sign3A_48 = arith.constant 0 : i32
    %sign3A_49 = arith.cmpi sgt, %sub3A_45, %sign3A_48 : i32
    %sign3A_50 = arith.extui %sign3A_49 : i1 to i32
    %sign3A_51 = arith.constant 0 : i32
    %sign3A_52 = arith.cmpi slt, %sub3A_45, %sign3A_51 : i32
    %sign3A_53 = arith.extui %sign3A_52 : i1 to i32
    %sign3A_54 = arith.subi %sign3A_50, %sign3A_53 : i32
    %sign3A_55 = arith.constant 0 : i32
    %sign3A_56 = arith.cmpi sgt, %jit3A_46, %sign3A_55 : i32
    %sign3A_57 = arith.extui %sign3A_56 : i1 to i32
    %sign3A_58 = arith.constant 0 : i32
    %sign3A_59 = arith.cmpi slt, %jit3A_46, %sign3A_58 : i32
    %sign3A_60 = arith.extui %sign3A_59 : i1 to i32
    %sign3A_61 = arith.subi %sign3A_57, %sign3A_60 : i32
    %ne3A_62 = arith.cmpi ne, %sign3A_54, %sign3A_61 : i32
    %rem3A_63 = arith.remsi %sub3A_45, %jit3A_46 : i32
    %ne3A_64 = arith.constant 0 : i32
    %ne3A_65 = arith.cmpi ne, %rem3A_63, %ne3A_64 : i32
    %and3A_66 = arith.andi %ne3A_62, %ne3A_65 : i1
    %sub3A_67 = arith.constant 1 : i32
    %sub3A_68 = arith.subi %div3A_47, %sub3A_67 : i32
    %select_n3A_69 = arith.select %and3A_66, %sub3A_68, %div3A_47 : i32
    %while3A_70 = arith.constant 0 : i32
    %while3A_71 = arith.constant 0 : i32
    %while3A_72 = arith.subi %select_n3A_69, %while3A_71 : i32
    %while3A_73 = arith.addi %while3A_71, %while3A_72 : i32
    %while3A_74 = arith.constant 1 : i32
    %while3A_75 = arith.divsi %while3A_72, %while3A_74 : i32
    %while3A_76 = arith.muli %while3A_75, %while3A_74 : i32
    %while3A_77 = arith.addi %while3A_71, %while3A_76 : i32
    %while3A_78 = arith.constant 1 : i32
    scf.for %while3A_172 = %while3A_71 to %while3A_77 step %while3A_78  : i32 {
      %mul3A_173 = arith.constant 64 : i32
      %mul3A_174 = arith.muli %while3A_172, %mul3A_173 : i32
      %add3A_175 = arith.addi %get3A_39, %mul3A_174 : i32
      %multiple_of3A = tpu.assume_multiple %add3A_175, 8 : i32
      %get3A_176 = arith.index_cast %multiple_of3A : i32 to index
      %get3A_177 = arith.constant 0 : index
      %get3A_178 = vector.load %arg3[%get3A_176, %get3A_177] : memref<2560x768xf32, #tpu.memory_space<vmem>>, vector<64x768xf32>
      %get3A_179 = arith.constant 1 : index
      %get3A_180 = arith.constant 0 : index
      %get3A_181 = arith.constant 0 : index
      %get3A_182 = vector.load %arg5[%get3A_179, %get3A_180, %get3A_181] : memref<4x512x768xf32, #tpu.memory_space<vmem>>, vector<1x512x768xf32>
      %get3A_183 = vector.shape_cast %get3A_182 : vector<1x512x768xf32> to vector<512x768xf32>
      %dot_general3A = arith.constant dense<0.000000e+00> : vector<64x512xf32>
      %dot_general3A_184 = tpu.matmul %get3A_178, %get3A_183, %dot_general3A {dimension_numbers = #tpu.dot_dimension_numbers<[1], [1], [0], [0], [0, 0, 1, 0], [], []>, transpose_lhs_hint = false} : vector<64x768xf32>, vector<512x768xf32>, vector<64x512xf32> -> vector<64x512xf32>
      %slice3A = vector.extract_strided_slice %dot_general3A_184 {offsets = [0, 0], sizes = [64, 256], strides = [1, 1]} : vector<64x512xf32> to vector<64x256xf32>
      %slice3A_185 = vector.extract_strided_slice %dot_general3A_184 {offsets = [0, 256], sizes = [64, 256], strides = [1, 1]} : vector<64x512xf32> to vector<64x256xf32>
      %logistic3A = arith.negf %slice3A_185 : vector<64x256xf32>
      %logistic3A_186 = math.exp %logistic3A : vector<64x256xf32>
      %logistic3A_187 = arith.constant 1.000000e+00 : f32
      %logistic3A_188 = vector.broadcast %logistic3A_187 : f32 to vector<64x256xf32>
      %logistic3A_189 = arith.addf %logistic3A_188, %logistic3A_186 : vector<64x256xf32>
      %logistic3A_190 = arith.divf %logistic3A_188, %logistic3A_189 : vector<64x256xf32>
      %mul3A_191 = arith.mulf %slice3A_185, %logistic3A_190 : vector<64x256xf32>
      %mul3A_192 = arith.mulf %slice3A, %mul3A_191 : vector<64x256xf32>
      %get3A_193 = arith.constant 1 : index
      %get3A_194 = arith.constant 0 : index
      %get3A_195 = arith.constant 0 : index
      %get3A_196 = vector.load %arg6[%get3A_193, %get3A_194, %get3A_195] : memref<4x768x256xf32, #tpu.memory_space<vmem>>, vector<1x768x256xf32>
      %get3A_197 = vector.shape_cast %get3A_196 : vector<1x768x256xf32> to vector<768x256xf32>
      %dot_general3A_198 = arith.constant dense<0.000000e+00> : vector<64x768xf32>
      %dot_general3A_199 = tpu.matmul %mul3A_192, %get3A_197, %dot_general3A_198 {dimension_numbers = #tpu.dot_dimension_numbers<[1], [1], [0], [0], [0, 0, 1, 0], [], []>, transpose_lhs_hint = false} : vector<64x256xf32>, vector<768x256xf32>, vector<64x768xf32> -> vector<64x768xf32>
      %get3A_200 = arith.index_cast %multiple_of3A : i32 to index
      %get3A_201 = arith.constant 0 : index
      %get3A_202 = vector.load %arg4[%get3A_200, %get3A_201] : memref<2560x1xf32, #tpu.memory_space<vmem>>, vector<64x1xf32>
      %mul3A_203 = vector.broadcast %get3A_202 : vector<64x1xf32> to vector<64x768xf32>
      %mul3A_204 = arith.mulf %dot_general3A_199, %mul3A_203 : vector<64x768xf32>
      %swap3A = arith.index_cast %multiple_of3A : i32 to index
      %swap3A_205 = arith.constant 0 : index
      %swap3A_206 = vector.load %arg7[%swap3A, %swap3A_205] : memref<2560x768xf32, #tpu.memory_space<vmem>>, vector<64x768xf32>
      tpu.vector_store %arg7[%swap3A, %swap3A_205], %mul3A_204 {strides = array<i32>} : memref<2560x768xf32, #tpu.memory_space<vmem>>, vector<64x768xf32>,
    }
    %while3A_79 = arith.constant 1 : i32
    scf.for %while3A_172 = %while3A_77 to %while3A_73 step %while3A_79  : i32 {
      %mul3A_173 = arith.constant 64 : i32
      %mul3A_174 = arith.muli %while3A_172, %mul3A_173 : i32
      %add3A_175 = arith.addi %get3A_39, %mul3A_174 : i32
      %multiple_of3A = tpu.assume_multiple %add3A_175, 8 : i32
      %get3A_176 = arith.index_cast %multiple_of3A : i32 to index
      %get3A_177 = arith.constant 0 : index
      %get3A_178 = vector.load %arg3[%get3A_176, %get3A_177] : memref<2560x768xf32, #tpu.memory_space<vmem>>, vector<64x768xf32>
      %get3A_179 = arith.constant 1 : index
      %get3A_180 = arith.constant 0 : index
      %get3A_181 = arith.constant 0 : index
      %get3A_182 = vector.load %arg5[%get3A_179, %get3A_180, %get3A_181] : memref<4x512x768xf32, #tpu.memory_space<vmem>>, vector<1x512x768xf32>
      %get3A_183 = vector.shape_cast %get3A_182 : vector<1x512x768xf32> to vector<512x768xf32>
      %dot_general3A = arith.constant dense<0.000000e+00> : vector<64x512xf32>
      %dot_general3A_184 = tpu.matmul %get3A_178, %get3A_183, %dot_general3A {dimension_numbers = #tpu.dot_dimension_numbers<[1], [1], [0], [0], [0, 0, 1, 0], [], []>, transpose_lhs_hint = false} : vector<64x768xf32>, vector<512x768xf32>, vector<64x512xf32> -> vector<64x512xf32>
      %slice3A = vector.extract_strided_slice %dot_general3A_184 {offsets = [0, 0], sizes = [64, 256], strides = [1, 1]} : vector<64x512xf32> to vector<64x256xf32>
      %slice3A_185 = vector.extract_strided_slice %dot_general3A_184 {offsets = [0, 256], sizes = [64, 256], strides = [1, 1]} : vector<64x512xf32> to vector<64x256xf32>
      %logistic3A = arith.negf %slice3A_185 : vector<64x256xf32>
      %logistic3A_186 = math.exp %logistic3A : vector<64x256xf32>
      %logistic3A_187 = arith.constant 1.000000e+00 : f32
      %logistic3A_188 = vector.broadcast %logistic3A_187 : f32 to vector<64x256xf32>
      %logistic3A_189 = arith.addf %logistic3A_188, %logistic3A_186 : vector<64x256xf32>
      %logistic3A_190 = arith.divf %logistic3A_188, %logistic3A_189 : vector<64x256xf32>
      %mul3A_191 = arith.mulf %slice3A_185, %logistic3A_190 : vector<64x256xf32>
      %mul3A_192 = arith.mulf %slice3A, %mul3A_191 : vector<64x256xf32>
      %get3A_193 = arith.constant 1 : index
      %get3A_194 = arith.constant 0 : index
      %get3A_195 = arith.constant 0 : index
      %get3A_196 = vector.load %arg6[%get3A_193, %get3A_194, %get3A_195] : memref<4x768x256xf32, #tpu.memory_space<vmem>>, vector<1x768x256xf32>
      %get3A_197 = vector.shape_cast %get3A_196 : vector<1x768x256xf32> to vector<768x256xf32>
      %dot_general3A_198 = arith.constant dense<0.000000e+00> : vector<64x768xf32>
      %dot_general3A_199 = tpu.matmul %mul3A_192, %get3A_197, %dot_general3A_198 {dimension_numbers = #tpu.dot_dimension_numbers<[1], [1], [0], [0], [0, 0, 1, 0], [], []>, transpose_lhs_hint = false} : vector<64x256xf32>, vector<768x256xf32>, vector<64x768xf32> -> vector<64x768xf32>
      %get3A_200 = arith.index_cast %multiple_of3A : i32 to index
      %get3A_201 = arith.constant 0 : index
      %get3A_202 = vector.load %arg4[%get3A_200, %get3A_201] : memref<2560x1xf32, #tpu.memory_space<vmem>>, vector<64x1xf32>
      %mul3A_203 = vector.broadcast %get3A_202 : vector<64x1xf32> to vector<64x768xf32>
      %mul3A_204 = arith.mulf %dot_general3A_199, %mul3A_203 : vector<64x768xf32>
      %swap3A = arith.index_cast %multiple_of3A : i32 to index
      %swap3A_205 = arith.constant 0 : index
      %swap3A_206 = vector.load %arg7[%swap3A, %swap3A_205] : memref<2560x768xf32, #tpu.memory_space<vmem>>, vector<64x768xf32>
      tpu.vector_store %arg7[%swap3A, %swap3A_205], %mul3A_204 {strides = array<i32>} : memref<2560x768xf32, #tpu.memory_space<vmem>>, vector<64x768xf32>,
    }
    %mul3A_80 = arith.constant 4 : i32
    %mul3A_81 = arith.muli %arg0, %mul3A_80 : i32
    %add3A_82 = arith.constant 2 : i32
    %add3A_83 = arith.addi %mul3A_81, %add3A_82 : i32
    %get3A_84 = arith.index_cast %add3A_83 : i32 to index
    %get3A_85 = memref.load %arg1[%get3A_84] : memref<64xi32, #tpu.memory_space<smem>>
    %get3A_86 = arith.index_cast %add3A_83 : i32 to index
    %get3A_87 = memref.load %arg2[%get3A_86] : memref<64xi32, #tpu.memory_space<smem>>
    %add3A_88 = arith.constant 64 : i32
    %add3A_89 = arith.addi %get3A_87, %add3A_88 : i32
    %sub3A_90 = arith.constant 1 : i32
    %sub3A_91 = arith.subi %add3A_89, %sub3A_90 : i32
    %jit3A_92 = arith.constant 64 : i32
    %div3A_93 = arith.divsi %sub3A_91, %jit3A_92 : i32
    %sign3A_94 = arith.constant 0 : i32
    %sign3A_95 = arith.cmpi sgt, %sub3A_91, %sign3A_94 : i32
    %sign3A_96 = arith.extui %sign3A_95 : i1 to i32
    %sign3A_97 = arith.constant 0 : i32
    %sign3A_98 = arith.cmpi slt, %sub3A_91, %sign3A_97 : i32
    %sign3A_99 = arith.extui %sign3A_98 : i1 to i32
    %sign3A_100 = arith.subi %sign3A_96, %sign3A_99 : i32
    %sign3A_101 = arith.constant 0 : i32
    %sign3A_102 = arith.cmpi sgt, %jit3A_92, %sign3A_101 : i32
    %sign3A_103 = arith.extui %sign3A_102 : i1 to i32
    %sign3A_104 = arith.constant 0 : i32
    %sign3A_105 = arith.cmpi slt, %jit3A_92, %sign3A_104 : i32
    %sign3A_106 = arith.extui %sign3A_105 : i1 to i32
    %sign3A_107 = arith.subi %sign3A_103, %sign3A_106 : i32
    %ne3A_108 = arith.cmpi ne, %sign3A_100, %sign3A_107 : i32
    %rem3A_109 = arith.remsi %sub3A_91, %jit3A_92 : i32
    %ne3A_110 = arith.constant 0 : i32
    %ne3A_111 = arith.cmpi ne, %rem3A_109, %ne3A_110 : i32
    %and3A_112 = arith.andi %ne3A_108, %ne3A_111 : i1
    %sub3A_113 = arith.constant 1 : i32
    %sub3A_114 = arith.subi %div3A_93, %sub3A_113 : i32
    %select_n3A_115 = arith.select %and3A_112, %sub3A_114, %div3A_93 : i32
    %while3A_116 = arith.constant 0 : i32
    %while3A_117 = arith.constant 0 : i32
    %while3A_118 = arith.subi %select_n3A_115, %while3A_117 : i32
    %while3A_119 = arith.addi %while3A_117, %while3A_118 : i32
    %while3A_120 = arith.constant 1 : i32
    %while3A_121 = arith.divsi %while3A_118, %while3A_120 : i32
    %while3A_122 = arith.muli %while3A_121, %while3A_120 : i32
    %while3A_123 = arith.addi %while3A_117, %while3A_122 : i32
    %while3A_124 = arith.constant 1 : i32
    scf.for %while3A_172 = %while3A_117 to %while3A_123 step %while3A_124  : i32 {
      %mul3A_173 = arith.constant 64 : i32
      %mul3A_174 = arith.muli %while3A_172, %mul3A_173 : i32
      %add3A_175 = arith.addi %get3A_85, %mul3A_174 : i32
      %multiple_of3A = tpu.assume_multiple %add3A_175, 8 : i32
      %get3A_176 = arith.index_cast %multiple_of3A : i32 to index
      %get3A_177 = arith.constant 0 : index
      %get3A_178 = vector.load %arg3[%get3A_176, %get3A_177] : memref<2560x768xf32, #tpu.memory_space<vmem>>, vector<64x768xf32>
      %get3A_179 = arith.constant 2 : index
      %get3A_180 = arith.constant 0 : index
      %get3A_181 = arith.constant 0 : index
      %get3A_182 = vector.load %arg5[%get3A_179, %get3A_180, %get3A_181] : memref<4x512x768xf32, #tpu.memory_space<vmem>>, vector<1x512x768xf32>
      %get3A_183 = vector.shape_cast %get3A_182 : vector<1x512x768xf32> to vector<512x768xf32>
      %dot_general3A = arith.constant dense<0.000000e+00> : vector<64x512xf32>
      %dot_general3A_184 = tpu.matmul %get3A_178, %get3A_183, %dot_general3A {dimension_numbers = #tpu.dot_dimension_numbers<[1], [1], [0], [0], [0, 0, 1, 0], [], []>, transpose_lhs_hint = false} : vector<64x768xf32>, vector<512x768xf32>, vector<64x512xf32> -> vector<64x512xf32>
      %slice3A = vector.extract_strided_slice %dot_general3A_184 {offsets = [0, 0], sizes = [64, 256], strides = [1, 1]} : vector<64x512xf32> to vector<64x256xf32>
      %slice3A_185 = vector.extract_strided_slice %dot_general3A_184 {offsets = [0, 256], sizes = [64, 256], strides = [1, 1]} : vector<64x512xf32> to vector<64x256xf32>
      %logistic3A = arith.negf %slice3A_185 : vector<64x256xf32>
      %logistic3A_186 = math.exp %logistic3A : vector<64x256xf32>
      %logistic3A_187 = arith.constant 1.000000e+00 : f32
      %logistic3A_188 = vector.broadcast %logistic3A_187 : f32 to vector<64x256xf32>
      %logistic3A_189 = arith.addf %logistic3A_188, %logistic3A_186 : vector<64x256xf32>
      %logistic3A_190 = arith.divf %logistic3A_188, %logistic3A_189 : vector<64x256xf32>
      %mul3A_191 = arith.mulf %slice3A_185, %logistic3A_190 : vector<64x256xf32>
      %mul3A_192 = arith.mulf %slice3A, %mul3A_191 : vector<64x256xf32>
      %get3A_193 = arith.constant 2 : index
      %get3A_194 = arith.constant 0 : index
      %get3A_195 = arith.constant 0 : index
      %get3A_196 = vector.load %arg6[%get3A_193, %get3A_194, %get3A_195] : memref<4x768x256xf32, #tpu.memory_space<vmem>>, vector<1x768x256xf32>
      %get3A_197 = vector.shape_cast %get3A_196 : vector<1x768x256xf32> to vector<768x256xf32>
      %dot_general3A_198 = arith.constant dense<0.000000e+00> : vector<64x768xf32>
      %dot_general3A_199 = tpu.matmul %mul3A_192, %get3A_197, %dot_general3A_198 {dimension_numbers = #tpu.dot_dimension_numbers<[1], [1], [0], [0], [0, 0, 1, 0], [], []>, transpose_lhs_hint = false} : vector<64x256xf32>, vector<768x256xf32>, vector<64x768xf32> -> vector<64x768xf32>
      %get3A_200 = arith.index_cast %multiple_of3A : i32 to index
      %get3A_201 = arith.constant 0 : index
      %get3A_202 = vector.load %arg4[%get3A_200, %get3A_201] : memref<2560x1xf32, #tpu.memory_space<vmem>>, vector<64x1xf32>
      %mul3A_203 = vector.broadcast %get3A_202 : vector<64x1xf32> to vector<64x768xf32>
      %mul3A_204 = arith.mulf %dot_general3A_199, %mul3A_203 : vector<64x768xf32>
      %swap3A = arith.index_cast %multiple_of3A : i32 to index
      %swap3A_205 = arith.constant 0 : index
      %swap3A_206 = vector.load %arg7[%swap3A, %swap3A_205] : memref<2560x768xf32, #tpu.memory_space<vmem>>, vector<64x768xf32>
      tpu.vector_store %arg7[%swap3A, %swap3A_205], %mul3A_204 {strides = array<i32>} : memref<2560x768xf32, #tpu.memory_space<vmem>>, vector<64x768xf32>,
    }
    %while3A_125 = arith.constant 1 : i32
    scf.for %while3A_172 = %while3A_123 to %while3A_119 step %while3A_125  : i32 {
      %mul3A_173 = arith.constant 64 : i32
      %mul3A_174 = arith.muli %while3A_172, %mul3A_173 : i32
      %add3A_175 = arith.addi %get3A_85, %mul3A_174 : i32
      %multiple_of3A = tpu.assume_multiple %add3A_175, 8 : i32
      %get3A_176 = arith.index_cast %multiple_of3A : i32 to index
      %get3A_177 = arith.constant 0 : index
      %get3A_178 = vector.load %arg3[%get3A_176, %get3A_177] : memref<2560x768xf32, #tpu.memory_space<vmem>>, vector<64x768xf32>
      %get3A_179 = arith.constant 2 : index
      %get3A_180 = arith.constant 0 : index
      %get3A_181 = arith.constant 0 : index
      %get3A_182 = vector.load %arg5[%get3A_179, %get3A_180, %get3A_181] : memref<4x512x768xf32, #tpu.memory_space<vmem>>, vector<1x512x768xf32>
      %get3A_183 = vector.shape_cast %get3A_182 : vector<1x512x768xf32> to vector<512x768xf32>
      %dot_general3A = arith.constant dense<0.000000e+00> : vector<64x512xf32>
      %dot_general3A_184 = tpu.matmul %get3A_178, %get3A_183, %dot_general3A {dimension_numbers = #tpu.dot_dimension_numbers<[1], [1], [0], [0], [0, 0, 1, 0], [], []>, transpose_lhs_hint = false} : vector<64x768xf32>, vector<512x768xf32>, vector<64x512xf32> -> vector<64x512xf32>
      %slice3A = vector.extract_strided_slice %dot_general3A_184 {offsets = [0, 0], sizes = [64, 256], strides = [1, 1]} : vector<64x512xf32> to vector<64x256xf32>
      %slice3A_185 = vector.extract_strided_slice %dot_general3A_184 {offsets = [0, 256], sizes = [64, 256], strides = [1, 1]} : vector<64x512xf32> to vector<64x256xf32>
      %logistic3A = arith.negf %slice3A_185 : vector<64x256xf32>
      %logistic3A_186 = math.exp %logistic3A : vector<64x256xf32>
      %logistic3A_187 = arith.constant 1.000000e+00 : f32
      %logistic3A_188 = vector.broadcast %logistic3A_187 : f32 to vector<64x256xf32>
      %logistic3A_189 = arith.addf %logistic3A_188, %logistic3A_186 : vector<64x256xf32>
      %logistic3A_190 = arith.divf %logistic3A_188, %logistic3A_189 : vector<64x256xf32>
      %mul3A_191 = arith.mulf %slice3A_185, %logistic3A_190 : vector<64x256xf32>
      %mul3A_192 = arith.mulf %slice3A, %mul3A_191 : vector<64x256xf32>
      %get3A_193 = arith.constant 2 : index
      %get3A_194 = arith.constant 0 : index
      %get3A_195 = arith.constant 0 : index
      %get3A_196 = vector.load %arg6[%get3A_193, %get3A_194, %get3A_195] : memref<4x768x256xf32, #tpu.memory_space<vmem>>, vector<1x768x256xf32>
      %get3A_197 = vector.shape_cast %get3A_196 : vector<1x768x256xf32> to vector<768x256xf32>
      %dot_general3A_198 = arith.constant dense<0.000000e+00> : vector<64x768xf32>
      %dot_general3A_199 = tpu.matmul %mul3A_192, %get3A_197, %dot_general3A_198 {dimension_numbers = #tpu.dot_dimension_numbers<[1], [1], [0], [0], [0, 0, 1, 0], [], []>, transpose_lhs_hint = false} : vector<64x256xf32>, vector<768x256xf32>, vector<64x768xf32> -> vector<64x768xf32>
      %get3A_200 = arith.index_cast %multiple_of3A : i32 to index
      %get3A_201 = arith.constant 0 : index
      %get3A_202 = vector.load %arg4[%get3A_200, %get3A_201] : memref<2560x1xf32, #tpu.memory_space<vmem>>, vector<64x1xf32>
      %mul3A_203 = vector.broadcast %get3A_202 : vector<64x1xf32> to vector<64x768xf32>
      %mul3A_204 = arith.mulf %dot_general3A_199, %mul3A_203 : vector<64x768xf32>
      %swap3A = arith.index_cast %multiple_of3A : i32 to index
      %swap3A_205 = arith.constant 0 : index
      %swap3A_206 = vector.load %arg7[%swap3A, %swap3A_205] : memref<2560x768xf32, #tpu.memory_space<vmem>>, vector<64x768xf32>
      tpu.vector_store %arg7[%swap3A, %swap3A_205], %mul3A_204 {strides = array<i32>} : memref<2560x768xf32, #tpu.memory_space<vmem>>, vector<64x768xf32>,
    }
    %mul3A_126 = arith.constant 4 : i32
    %mul3A_127 = arith.muli %arg0, %mul3A_126 : i32
    %add3A_128 = arith.constant 3 : i32
    %add3A_129 = arith.addi %mul3A_127, %add3A_128 : i32
    %get3A_130 = arith.index_cast %add3A_129 : i32 to index
    %get3A_131 = memref.load %arg1[%get3A_130] : memref<64xi32, #tpu.memory_space<smem>>
    %get3A_132 = arith.index_cast %add3A_129 : i32 to index
    %get3A_133 = memref.load %arg2[%get3A_132] : memref<64xi32, #tpu.memory_space<smem>>
    %add3A_134 = arith.constant 64 : i32
    %add3A_135 = arith.addi %get3A_133, %add3A_134 : i32
    %sub3A_136 = arith.constant 1 : i32
    %sub3A_137 = arith.subi %add3A_135, %sub3A_136 : i32
    %jit3A_138 = arith.constant 64 : i32
    %div3A_139 = arith.divsi %sub3A_137, %jit3A_138 : i32
    %sign3A_140 = arith.constant 0 : i32
    %sign3A_141 = arith.cmpi sgt, %sub3A_137, %sign3A_140 : i32
    %sign3A_142 = arith.extui %sign3A_141 : i1 to i32
    %sign3A_143 = arith.constant 0 : i32
    %sign3A_144 = arith.cmpi slt, %sub3A_137, %sign3A_143 : i32
    %sign3A_145 = arith.extui %sign3A_144 : i1 to i32
    %sign3A_146 = arith.subi %sign3A_142, %sign3A_145 : i32
    %sign3A_147 = arith.constant 0 : i32
    %sign3A_148 = arith.cmpi sgt, %jit3A_138, %sign3A_147 : i32
    %sign3A_149 = arith.extui %sign3A_148 : i1 to i32
    %sign3A_150 = arith.constant 0 : i32
    %sign3A_151 = arith.cmpi slt, %jit3A_138, %sign3A_150 : i32
    %sign3A_152 = arith.extui %sign3A_151 : i1 to i32
    %sign3A_153 = arith.subi %sign3A_149, %sign3A_152 : i32
    %ne3A_154 = arith.cmpi ne, %sign3A_146, %sign3A_153 : i32
    %rem3A_155 = arith.remsi %sub3A_137, %jit3A_138 : i32
    %ne3A_156 = arith.constant 0 : i32
    %ne3A_157 = arith.cmpi ne, %rem3A_155, %ne3A_156 : i32
    %and3A_158 = arith.andi %ne3A_154, %ne3A_157 : i1
    %sub3A_159 = arith.constant 1 : i32
    %sub3A_160 = arith.subi %div3A_139, %sub3A_159 : i32
    %select_n3A_161 = arith.select %and3A_158, %sub3A_160, %div3A_139 : i32
    %while3A_162 = arith.constant 0 : i32
    %while3A_163 = arith.constant 0 : i32
    %while3A_164 = arith.subi %select_n3A_161, %while3A_163 : i32
    %while3A_165 = arith.addi %while3A_163, %while3A_164 : i32
    %while3A_166 = arith.constant 1 : i32
    %while3A_167 = arith.divsi %while3A_164, %while3A_166 : i32
    %while3A_168 = arith.muli %while3A_167, %while3A_166 : i32
    %while3A_169 = arith.addi %while3A_163, %while3A_168 : i32
    %while3A_170 = arith.constant 1 : i32
    scf.for %while3A_172 = %while3A_163 to %while3A_169 step %while3A_170  : i32 {
      %mul3A_173 = arith.constant 64 : i32
      %mul3A_174 = arith.muli %while3A_172, %mul3A_173 : i32
      %add3A_175 = arith.addi %get3A_131, %mul3A_174 : i32
      %multiple_of3A = tpu.assume_multiple %add3A_175, 8 : i32
      %get3A_176 = arith.index_cast %multiple_of3A : i32 to index
      %get3A_177 = arith.constant 0 : index
      %get3A_178 = vector.load %arg3[%get3A_176, %get3A_177] : memref<2560x768xf32, #tpu.memory_space<vmem>>, vector<64x768xf32>
      %get3A_179 = arith.constant 3 : index
      %get3A_180 = arith.constant 0 : index
      %get3A_181 = arith.constant 0 : index
      %get3A_182 = vector.load %arg5[%get3A_179, %get3A_180, %get3A_181] : memref<4x512x768xf32, #tpu.memory_space<vmem>>, vector<1x512x768xf32>
      %get3A_183 = vector.shape_cast %get3A_182 : vector<1x512x768xf32> to vector<512x768xf32>
      %dot_general3A = arith.constant dense<0.000000e+00> : vector<64x512xf32>
      %dot_general3A_184 = tpu.matmul %get3A_178, %get3A_183, %dot_general3A {dimension_numbers = #tpu.dot_dimension_numbers<[1], [1], [0], [0], [0, 0, 1, 0], [], []>, transpose_lhs_hint = false} : vector<64x768xf32>, vector<512x768xf32>, vector<64x512xf32> -> vector<64x512xf32>
      %slice3A = vector.extract_strided_slice %dot_general3A_184 {offsets = [0, 0], sizes = [64, 256], strides = [1, 1]} : vector<64x512xf32> to vector<64x256xf32>
      %slice3A_185 = vector.extract_strided_slice %dot_general3A_184 {offsets = [0, 256], sizes = [64, 256], strides = [1, 1]} : vector<64x512xf32> to vector<64x256xf32>
      %logistic3A = arith.negf %slice3A_185 : vector<64x256xf32>
      %logistic3A_186 = math.exp %logistic3A : vector<64x256xf32>
      %logistic3A_187 = arith.constant 1.000000e+00 : f32
      %logistic3A_188 = vector.broadcast %logistic3A_187 : f32 to vector<64x256xf32>
      %logistic3A_189 = arith.addf %logistic3A_188, %logistic3A_186 : vector<64x256xf32>
      %logistic3A_190 = arith.divf %logistic3A_188, %logistic3A_189 : vector<64x256xf32>
      %mul3A_191 = arith.mulf %slice3A_185, %logistic3A_190 : vector<64x256xf32>
      %mul3A_192 = arith.mulf %slice3A, %mul3A_191 : vector<64x256xf32>
      %get3A_193 = arith.constant 3 : index
      %get3A_194 = arith.constant 0 : index
      %get3A_195 = arith.constant 0 : index
      %get3A_196 = vector.load %arg6[%get3A_193, %get3A_194, %get3A_195] : memref<4x768x256xf32, #tpu.memory_space<vmem>>, vector<1x768x256xf32>
      %get3A_197 = vector.shape_cast %get3A_196 : vector<1x768x256xf32> to vector<768x256xf32>
      %dot_general3A_198 = arith.constant dense<0.000000e+00> : vector<64x768xf32>
      %dot_general3A_199 = tpu.matmul %mul3A_192, %get3A_197, %dot_general3A_198 {dimension_numbers = #tpu.dot_dimension_numbers<[1], [1], [0], [0], [0, 0, 1, 0], [], []>, transpose_lhs_hint = false} : vector<64x256xf32>, vector<768x256xf32>, vector<64x768xf32> -> vector<64x768xf32>
      %get3A_200 = arith.index_cast %multiple_of3A : i32 to index
      %get3A_201 = arith.constant 0 : index
      %get3A_202 = vector.load %arg4[%get3A_200, %get3A_201] : memref<2560x1xf32, #tpu.memory_space<vmem>>, vector<64x1xf32>
      %mul3A_203 = vector.broadcast %get3A_202 : vector<64x1xf32> to vector<64x768xf32>
      %mul3A_204 = arith.mulf %dot_general3A_199, %mul3A_203 : vector<64x768xf32>
      %swap3A = arith.index_cast %multiple_of3A : i32 to index
      %swap3A_205 = arith.constant 0 : index
      %swap3A_206 = vector.load %arg7[%swap3A, %swap3A_205] : memref<2560x768xf32, #tpu.memory_space<vmem>>, vector<64x768xf32>
      tpu.vector_store %arg7[%swap3A, %swap3A_205], %mul3A_204 {strides = array<i32>} : memref<2560x768xf32, #tpu.memory_space<vmem>>, vector<64x768xf32>,
    }
    %while3A_171 = arith.constant 1 : i32
    scf.for %while3A_172 = %while3A_169 to %while3A_165 step %while3A_171  : i32 {
      %mul3A_173 = arith.constant 64 : i32
      %mul3A_174 = arith.muli %while3A_172, %mul3A_173 : i32
      %add3A_175 = arith.addi %get3A_131, %mul3A_174 : i32
      %multiple_of3A = tpu.assume_multiple %add3A_175, 8 : i32
      %get3A_176 = arith.index_cast %multiple_of3A : i32 to index
      %get3A_177 = arith.constant 0 : index
      %get3A_178 = vector.load %arg3[%get3A_176, %get3A_177] : memref<2560x768xf32, #tpu.memory_space<vmem>>, vector<64x768xf32>
      %get3A_179 = arith.constant 3 : index
      %get3A_180 = arith.constant 0 : index
      %get3A_181 = arith.constant 0 : index
      %get3A_182 = vector.load %arg5[%get3A_179, %get3A_180, %get3A_181] : memref<4x512x768xf32, #tpu.memory_space<vmem>>, vector<1x512x768xf32>
      %get3A_183 = vector.shape_cast %get3A_182 : vector<1x512x768xf32> to vector<512x768xf32>
      %dot_general3A = arith.constant dense<0.000000e+00> : vector<64x512xf32>
      %dot_general3A_184 = tpu.matmul %get3A_178, %get3A_183, %dot_general3A {dimension_numbers = #tpu.dot_dimension_numbers<[1], [1], [0], [0], [0, 0, 1, 0], [], []>, transpose_lhs_hint = false} : vector<64x768xf32>, vector<512x768xf32>, vector<64x512xf32> -> vector<64x512xf32>
      %slice3A = vector.extract_strided_slice %dot_general3A_184 {offsets = [0, 0], sizes = [64, 256], strides = [1, 1]} : vector<64x512xf32> to vector<64x256xf32>
      %slice3A_185 = vector.extract_strided_slice %dot_general3A_184 {offsets = [0, 256], sizes = [64, 256], strides = [1, 1]} : vector<64x512xf32> to vector<64x256xf32>
      %logistic3A = arith.negf %slice3A_185 : vector<64x256xf32>
      %logistic3A_186 = math.exp %logistic3A : vector<64x256xf32>
      %logistic3A_187 = arith.constant 1.000000e+00 : f32
      %logistic3A_188 = vector.broadcast %logistic3A_187 : f32 to vector<64x256xf32>
      %logistic3A_189 = arith.addf %logistic3A_188, %logistic3A_186 : vector<64x256xf32>
      %logistic3A_190 = arith.divf %logistic3A_188, %logistic3A_189 : vector<64x256xf32>
      %mul3A_191 = arith.mulf %slice3A_185, %logistic3A_190 : vector<64x256xf32>
      %mul3A_192 = arith.mulf %slice3A, %mul3A_191 : vector<64x256xf32>
      %get3A_193 = arith.constant 3 : index
      %get3A_194 = arith.constant 0 : index
      %get3A_195 = arith.constant 0 : index
      %get3A_196 = vector.load %arg6[%get3A_193, %get3A_194, %get3A_195] : memref<4x768x256xf32, #tpu.memory_space<vmem>>, vector<1x768x256xf32>
      %get3A_197 = vector.shape_cast %get3A_196 : vector<1x768x256xf32> to vector<768x256xf32>
      %dot_general3A_198 = arith.constant dense<0.000000e+00> : vector<64x768xf32>
      %dot_general3A_199 = tpu.matmul %mul3A_192, %get3A_197, %dot_general3A_198 {dimension_numbers = #tpu.dot_dimension_numbers<[1], [1], [0], [0], [0, 0, 1, 0], [], []>, transpose_lhs_hint = false} : vector<64x256xf32>, vector<768x256xf32>, vector<64x768xf32> -> vector<64x768xf32>
      %get3A_200 = arith.index_cast %multiple_of3A : i32 to index
      %get3A_201 = arith.constant 0 : index
      %get3A_202 = vector.load %arg4[%get3A_200, %get3A_201] : memref<2560x1xf32, #tpu.memory_space<vmem>>, vector<64x1xf32>
      %mul3A_203 = vector.broadcast %get3A_202 : vector<64x1xf32> to vector<64x768xf32>
      %mul3A_204 = arith.mulf %dot_general3A_199, %mul3A_203 : vector<64x768xf32>
      %swap3A = arith.index_cast %multiple_of3A : i32 to index
      %swap3A_205 = arith.constant 0 : index
      %swap3A_206 = vector.load %arg7[%swap3A, %swap3A_205] : memref<2560x768xf32, #tpu.memory_space<vmem>>, vector<64x768xf32>
      tpu.vector_store %arg7[%swap3A, %swap3A_205], %mul3A_204 {strides = array<i32>} : memref<2560x768xf32, #tpu.memory_space<vmem>>, vector<64x768xf32>,
    }
    return
  }
  func.func @transform_0(%arg0: i32, %arg1: memref<64xi32, #tpu.memory_space<smem>>, %arg2: memref<64xi32, #tpu.memory_space<smem>>) -> (i32, i32) {
    %c0_i32 = arith.constant 0 : i32
    %c0_i32_0 = arith.constant 0 : i32
    %c0_i32_1 = arith.constant 0 : i32
    return %c0_i32, %c0_i32_0 : i32, i32
  }
  func.func @transform_1(%arg0: i32, %arg1: memref<64xi32, #tpu.memory_space<smem>>, %arg2: memref<64xi32, #tpu.memory_space<smem>>) -> (i32, i32) {
    %c0_i32 = arith.constant 0 : i32
    %c0_i32_0 = arith.constant 0 : i32
    %c0_i32_1 = arith.constant 0 : i32
    return %c0_i32, %c0_i32_0 : i32, i32
  }
  func.func @transform_2(%arg0: i32, %arg1: memref<64xi32, #tpu.memory_space<smem>>, %arg2: memref<64xi32, #tpu.memory_space<smem>>) -> (i32, i32, i32) {
    %c0_i32 = arith.constant 0 : i32
    %c0_i32_0 = arith.constant 0 : i32
    %c0_i32_1 = arith.constant 0 : i32
    return %arg0, %c0_i32, %c0_i32_0 : i32, i32, i32
  }
  func.func @transform_3(%arg0: i32, %arg1: memref<64xi32, #tpu.memory_space<smem>>, %arg2: memref<64xi32, #tpu.memory_space<smem>>) -> (i32, i32, i32) {
    %c0_i32 = arith.constant 0 : i32
    %c0_i32_0 = arith.constant 0 : i32
    %c0_i32_1 = arith.constant 0 : i32
    return %arg0, %c0_i32, %c0_i32_0 : i32, i32, i32
  }
  func.func @transform_4(%arg0: i32, %arg1: memref<64xi32, #tpu.memory_space<smem>>, %arg2: memref<64xi32, #tpu.memory_space<smem>>) -> (i32, i32) {
    %c0_i32 = arith.constant 0 : i32
    %c0_i32_0 = arith.constant 0 : i32
    %c0_i32_1 = arith.constant 0 : i32
    return %c0_i32, %c0_i32_0 : i32, i32
  }
}

</mosaic_0001>

<sc_bundles>
// kernel: kernel.5.cloned.1.call-start
scs
__scs_entry_jumppad:
0x0: {  	(pc) =	sbr.rel $0x88, $3  }
0x1: {  	(tag) =	ssettag $0x0;
	lr =	simm.s32 $0x1  }
0x2: {  	[smem:$0x3F9C] =	sst lr;
	_ =	strace $0xD0000000  }
0x3: {  	_ = 	snop  }
0x4: {  	_ = 	snop  }
0x5: {  	_ = 	snop  }
0x6: {  	_ = 	snop  }
0x7: {  	_ = 	snop  }
__scs_overlays_trampoline_lowered:
0x8: {  	[smem:$0x3FAB] =	sst s0  }
0x9: {  	[smem:$0x3FAC] =	sst s1  }
0xa: {  	[smem:$0x3FAD] =	sst s2  }
0xb: {  	[smem:$0x3FAE] =	sst s3  }
0xc: {  	[smem:$0x3FAF] =	sst s4  }
0xd: {  	[smem:$0x3FB0] =	sst s5  }
0xe: {  	[smem:$0x3FB1] =	sst s6  }
0xf: {  	[smem:$0x3FB2] =	sst s7  }
0x10: {  	[smem:$0x3FB3] =	sst s8  }
0x11: {  	[smem:$0x3FB4] =	sst s9;
	s0 =	simm.s32 @!p0 $0x0  }
0x12: {  	s1 =	sld [smem:$0x3F9A];
	s0 =	simm.s32 @p0 $0x1  }
0x13: {  	[smem:$0x3FB5] =	sst s0;
	s0 =	simm.s32 @!p1 $0x0  }
0x14: {  	s2 =	sld [smem:$0x3F99];
	s0 =	simm.s32 @p1 $0x1  }
0x15: {  	[smem:$0x3FB6] =	sst s0;
	s0 =	simm.s32 @!p2 $0x0  }
0x16: {  	s3 =	sld [smem:$0x3FDB];
	s0 =	simm.s32 @p2 $0x1  }
0x17: {  	s4 =	simm.s32 $0x1BF5;
	[smem:$0x3FB8] =	sst s0  }
0x18: {  	s0 =	sld [smem:$0x3F9B];
	_ =	swait.ge [sflag:s4], $0x0  }
0x19: {  	s7 =	sld [smem:$0x3F9C]  }
0x1a: {  	s8 =	sadd.s32 $0xFFFFE003, lr  }
0x1b: {  	s9 =	sadd.s32 $0xFFFFFEF7, lr;
	s5 =	simm.s32 $0xFFFFFFFF;
	p2 =	slt.u32 s8, $0xFFFFF086  }
0x1c: {  	p1 =	slt.u32 s9, $0xF7A;
	s5 =	simm.s32 @!p2 $0x0  }
0x1d: {  	s5 =	simm.s32 @p1 $0x1;
	p0 =	seq.s32 s7, s2  }
0x1e: {  	s7 =	smul.u32 @!p0 $0xF7A, s2;
	p2 =	seq.s32 @!p0 s5, $0x0  }
0x1f: {  	s9 =	smul.u32 $0xF7A, s1;
	s8 =	simm.s32 @!p0 $0x1BF5;
	p2 =	por !p2, p0  }
0x20: {  	[sflag:s8] =	ssyncset.s32 @!p0 $0xFFFFF086;
	s6 =	sadd.s32 @!p0 s3, s7;
	s7 =	simm.s32 @!p0 $0x108  }
0x21: {  	s3 =	sadd.s32 s3, s9;
	s6 =	sadd.s32 @!p0 $0x88, s6;
	s7 =	simm.s32 @p2 $0x1082  }
0x22: {  	[simem:s7], [sflag:s8] =	dma.local @!p0 [hbm:s6], $0xF7A  }
0x23: {  	s9 =	sor.u32 $0xD0000000, s2;
	s6 =	simm.s32 $0x108;
	_ =	swait.ge @!p0 [sflag:s8], $0x0  }
0x24: {  	s3 =	sadd.s32 $0x88, s3;
	s6 =	simm.s32 @!p1 $0x1082;
	[sflag:s4] =	ssyncset.s32 $0xFFFFF086  }
0x25: {  	[simem:s6], [sflag:s4] =	dma.local [hbm:s3], $0xF7A  }
0x26: {  	[smem:$0x3F9C] =	sst s1;
	(tag) =	ssettag s2;
	_ =	strace s9  }
0x27: {  	s1 =	sld [smem:$0x3FAC]  }
0x28: {  	s2 =	sld [smem:$0x3FAD]  }
0x29: {  	s4 =	sld [smem:$0x3FAF]  }
0x2a: {  	p0 =	seq.s32 s5, $0x0;
	s5 =	sld [smem:$0x3FB0]  }
0x2b: {  	s6 =	sld [smem:$0x3FB1]  }
0x2c: {  	s7 =	sld [smem:$0x3FB2]  }
0x2d: {  	s3 =	simm.s32 $0x108;
	s8 =	sld [smem:$0x3FB3]  }
0x2e: {  	s3 =	simm.s32 @!p0 $0x1082;
	s9 =	sld [smem:$0x3FB4]  }
0x2f: {  	lr =	sadd.s32 s0, s3;
	s0 =	sld [smem:$0x3FAB]  }
0x30: {  	s3 =	sld [smem:$0x3FAE]  }
0x31: {  	[smem:$0x3FB7] =	sst s10  }
0x32: {  	s10 =	sld [smem:$0x3FB5];
	_ =	sdelay $0x3  }
0x33: {  	p0 =	seq.s32 s10, $0x1;
	s10 =	sld [smem:$0x3FB7];
	_ =	sdelay $0x3  }
0x34: {  	[smem:$0x3FB7] =	sst s10  }
0x35: {  	s10 =	sld [smem:$0x3FB6];
	_ =	sdelay $0x3  }
0x36: {  	p1 =	seq.s32 s10, $0x1;
	s10 =	sld [smem:$0x3FB7];
	_ =	sdelay $0x3  }
0x37: {  	[smem:$0x3FB7] =	sst s10  }
0x38: {  	s10 =	sld [smem:$0x3FB8]  }
0x39: {  	_ = 	snop;
	(pc) =	sbr.ind lr, $3  }
0x3a: {  	_ = 	snop  }
0x3b: {  	_ = 	snop  }
0x3c: {  	p2 =	seq.s32 s10, $0x1;
	s10 =	sld [smem:$0x3FB7]  }
0x3d: {  	_ =	shalt  }
0x3e: {  	_ =	shalt  }
0x3f: {  	_ =	shalt  }
0x40: {  	_ =	shalt  }
0x41: {  	_ =	shalt  }
0x42: {  	_ =	shalt  }
0x43: {  	_ =	shalt  }
0x44: {  	_ =	shalt  }
0x45: {  	_ =	shalt  }
0x46: {  	_ =	shalt  }
0x47: {  	_ =	shalt  }
0x48: {  	_ =	shalt  }
0x49: {  	_ =	shalt  }
0x4a: {  	_ =	shalt  }
0x4b: {  	_ =	shalt  }
0x4c: {  	_ =	shalt  }
0x4d: {  	_ =	shalt  }
0x4e: {  	_ =	shalt  }
0x4f: {  	_ =	shalt  }
0x50: {  	_ =	shalt  }
0x51: {  	_ =	shalt  }
0x52: {  	_ =	shalt  }
0x53: {  	_ =	shalt  }
0x54: {  	_ =	shalt  }
0x55: {  	_ =	shalt  }
0x56: {  	_ =	shalt  }
0x57: {  	_ =	shalt  }
0x58: {  	_ =	shalt  }
0x59: {  	_ =	shalt  }
0x5a: {  	_ =	shalt  }
0x5b: {  	_ =	shalt  }
0x5c: {  	_ =	shalt  }
0x5d: {  	_ =	shalt  }
0x5e: {  	_ =	shalt  }
0x5f: {  	_ =	shalt  }
0x60: {  	_ =	shalt  }
0x61: {  	_ =	shalt  }
0x62: {  	_ =	shalt  }
0x63: {  	_ =	shalt  }
0x64: {  	_ =	shalt  }
0x65: {  	_ =	shalt  }
0x66: {  	_ =	shalt  }
0x67: {  	_ =	shalt  }
0x68: {  	_ =	shalt  }
0x69: {  	_ =	shalt  }
0x6a: {  	_ =	shalt  }
0x6b: {  	_ =	shalt  }
0x6c: {  	_ =	shalt  }
0x6d: {  	_ =	shalt  }
0x6e: {  	_ =	shalt  }
0x6f: {  	_ =	shalt  }
0x70: {  	_ =	shalt  }
0x71: {  	_ =	shalt  }
0x72: {  	_ =	shalt  }
0x73: {  	_ =	shalt  }
0x74: {  	_ =	shalt  }
0x75: {  	_ =	shalt  }
0x76: {  	_ =	shalt  }
0x77: {  	_ =	shalt  }
0x78: {  	_ =	shalt  }
0x79: {  	_ =	shalt  }
0x7a: {  	_ =	shalt  }
0x7b: {  	_ =	shalt  }
0x7c: {  	_ =	shalt  }
0x7d: {  	_ =	shalt  }
0x7e: {  	_ =	shalt  }
0x7f: {  	_ =	shalt  }
0x80: {  	_ =	shalt  }
0x81: {  	_ =	shalt  }
0x82: {  	_ =	shalt  }
0x83: {  	_ =	shalt  }
0x84: {  	_ =	shalt  }
0x85: {  	_ =	shalt  }
0x86: {  	_ =	shalt  }
0x87: {  	_ =	shalt  }
.Lfunc_end0:
.L_simem_size_0:
called_computation_lowered:
.L_overlay_start_0:
0x88: {  	s2 =	sld [smem:$0x3FD9]  }
0x89: {  	s3 =	sld [smem:$0x3FFE];
	_ =	sdelay $0x1  }
0x8a: {  	s1 =	srdreg.scid  }
0x8b: {  	s0 =	sand.u32 $0x1, s1  }
0x8c: {  	s17 =	sshll.u32 s0, $0xA;
	s2 =	sadd.s32 s3, s2  }
0x8d: {  	s2 =	sadd.s32 s2, s17  }
0x8e: {  	[smem:$0x3FC3] =	sst s2  }
0x8f: {  	_ = 	snop  }
0x90: {  	s2 =	sld [smem:$0x3FC9]  }
0x91: {  	s18 =	sld [smem:$0x3FC8]  }
0x92: {  	s4 =	sld [smem:$0x3FC7]  }
0x93: {  	s5 =	sld [smem:$0x3FD0];
	(tm) =	ssettm $0x1  }
0x94: {  	s6 =	sld [smem:$0x3FFB];
	_ =	sdelay $0x3  }
0x95: {  	_ =	strace s6  }
0x96: {  	s6 =	sld [smem:$0x3FFC];
	_ =	sdelay $0x3  }
0x97: {  	_ =	strace s6  }
0x98: {  	s6 =	sld [smem:$0x3FFD];
	_ =	sdelay $0x3  }
0x99: {  	_ =	strace s6  }
0x9a: {  	_ =	strace $0x8FFFFFFF  }
0x9b: {  	s19 =	sld [smem:$0x3FDB];
	_ =	sdelay $0x1  }
0x9c: {  	s7 =	simm.s32 $_scs_section_size  }
0x9d: {  	s8 =	simm.s32 $_size__tile_overlayer_lowered;
	s9 =	simm.s32 $_tile_overlayer_lowered  }
0x9e: {  	s22 =	simm.s32 $0x1BFF;
	s21 =	sshll.u32 s9, $0x1;
	s6 =	sadd.s32 s7, s19  }
0x9f: {  	s10 =	simm.s32 $0x0;
	s20 =	sshll.u32 s8, $0x1;
	s8 =	sadd.s32 s21, s6  }
0xa0: {  	[timem:s10], [sflag:s22] =	dma.local [hbm:s8], s20  }
0xa1: {  	_ =	swait.ge [sflag:s22], s20  }
0xa2: {  	s7 =	ssub.s32 $0x0, s20;
	[sflag:s22] =	ssyncset.done $0x0  }
0xa3: {  	[sflag:s22] =	ssyncadd.s32 s7;
	_ =	sdelay $0x1  }
0xa4: {  	s23 =	simm.s32 $0x1B8B  }
0xa5: {  	_ =	swait.ge [sflag:s23], $0x1  }
0xa6: {  	[sflag:s23] =	ssyncset.done $0x0  }
0xa7: {  	s25 =	simm.s32 $0x1B8E;
	s24 =	sld [smem:$0x3FFE];
	[sflag:s23] =	ssyncadd.s32 $0xFFFFFFFF  }
0xa8: {  	s26 =	simm.s32 $execute0_lowered;
	[smem:$0x3FD2] =	sst s25  }
0xa9: {  	s8 =	sshll.u32 s26, $0x1;
	_ =	strace $0x80000046;
	[dreg:$0x1] =	wrdreg $0xFFFFFFFF  }
0xaa: {  	s28 =	simm.s32 $_size_execute0_lowered;
	s6 =	sadd.s32 s6, s8;
	[dreg:$0x0] =	wrdreg $0x0  }
0xab: {  	s8 =	sshll.u32 s28, $0x1;
	[dreg:$0x2] =	wrdreg s6  }
0xac: {  	[dreg:$0x3] =	wrdreg s8  }
0xad: {  	[dreg:$0x4] =	wrdreg $0xC0  }
0xae: {  	_ =	task [dreg:s10], $0x5FFFF  }
0xaf: {  	[dreg:$0x1] =	wrdreg $0xFFFFFFFF  }
0xb0: {  	[dreg:$0x0] =	wrdreg $0x60  }
0xb1: {  	[dreg:$0x2] =	wrdreg s4  }
0xb2: {  	[dreg:$0x3] =	wrdreg s18  }
0xb3: {  	[dreg:$0x4] =	wrdreg s2  }
0xb4: {  	[dreg:$0x5] =	wrdreg s24  }
0xb5: {  	[dreg:$0x6] =	wrdreg s5  }
0xb6: {  	[dreg:$0x7] =	wrdreg $0xED800  }
0xb7: {  	[dreg:$0x8] =	wrdreg $0xEDC00  }
0xb8: {  	[dreg:$0x9] =	wrdreg $0x9  }
0xb9: {  	_ =	task.clear_ibuf [dreg:s10], $0xAFFFF;
	_ =	strace $0x90000046  }
0xba: {  	s29 =	simm.s32 $0x9;
	_ =	strace $0x80000048  }
0xbb: {  	_ =	swait.ge [sflag:s29], $0x1  }
0xbc: {  	[sflag:s29] =	ssyncadd.s32 $0xFFFFFFFF  }
0xbd: {  	_ =	strace $0x90000048  }
0xbe: {  	_ =	sfence  }
0xbf: {  	s30 =	sld [smem:$0x0];
	_ =	sdelay $0x2  }
0xc0: {  	s31 =	sshll.u32 s1, $0xD;
	s1 =	sshrl.u32 s1, $0x2  }
0xc1: {  	s3 =	sand.u32 $0x4000, s31;
	s1 =	sadd.s32 s1, s30  }
0xc2: {  	s0 =	sor.u32 s3, s0;
	s1 =	sshll.u32 s1, $0x11  }
0xc3: {  	s0 =	sor.u32 s1, s0  }
0xc4: {  	s0 =	sadd.s32 $0x8F2B, s0  }
0xc5: {  	[sflag:s0] =	ssyncadd.remote.s32 $0x1  }
0xc6: {  	_ =	sfence.sel $0xFFFF  }
0xc7: {  	[dreg:$0x0] =	wrdreg $0xFFFFFFFF;
	(pc) =	sbr.abs _section_cstart, $3  }
0xc8: {  	[dreg:$0x1] =	wrdreg $0xFFFFFFFF  }
0xc9: {  	_ =	task.clear_ibuf [dreg:s10], $0x2FFFF;
	_ =	strace $0x9FFFFFFF  }
0xca: {  	(tm) =	ssettm $0x7FFFFFFF  }
0xcb: {  	_ =	shalt  }
tec
execute0_lowered:
.L_overlay_start_1:
0x0: {  	(tag) =	ssettag $0x1  }
0x1: {  	s0 =	rddreg [dreg:$0x0]  }
0x2: {  	s1 =	rddreg [dreg:$0x2]  }
0x3: {  	s2 =	rddreg [dreg:$0x3]  }
0x4: {  	s14 =	rddreg [dreg:$0x5]  }
0x5: {  	s15 =	rddreg [dreg:$0x6];
	s5 =	simm.s32 $0x0  }
0x6: {  	s3 =	srdreg.scid;
	s4 =	stileid.u32;
	s18 =	simm.s32 $0x2  }
0x7: {  	s19 =	simm.s32 $0x2D80;
	s20 =	simm.s32 $0x100;
	s23 =	simm.s32 $0x1200  }
0x8: {  	s24 =	simm.s32 $0x1180;
	s21 =	simm.s32 $0xC580;
	s22 =	simm.s32 $0xCD80  }
0x9: {  	s28 =	simm.s32 $0xD580;
	s9 =	sshll.u32 s4, $0x4;
	p0 =	sne.s32 s4, $0x0  }
0xa: {  	s13 =	sadd.s32 s9, s2;
	s9 =	sadd.s32 s0, s9;
	s0 =	simm.s32 @!p0 $0x0  }
0xb: {  	[smem:$0x7FF] =	sst s5;
	s0 =	simm.s32 @p0 $0x1;
	p0 =	sgt.u32 s4, $0x1  }
0xc: {  	_ =	strace $0x80000047;
	[smem:$0x7ED] =	sst s0;
	s0 =	simm.s32 @!p0 $0x0  }
0xd: {  	s29 =	simm.s32 $0xE580;
	s0 =	simm.s32 @p0 $0x1;
	p0 =	sgt.u32 s4, $0x2  }
0xe: {  	s30 =	simm.s32 $0x0;
	[smem:$0x7EE] =	sst s0;
	s0 =	simm.s32 @!p0 $0x0  }
0xf: {  	s3 =	sand.u32 $0x1, s3;
	s0 =	simm.s32 @p0 $0x1;
	p0 =	sgt.u32 s4, $0x3  }
0x10: {  	s6 =	sadd.s32 $0x3D400, s2;
	[smem:$0x7EF] =	sst s0;
	s0 =	simm.s32 @!p0 $0x0  }
0x11: {  	s25 =	sshll.u32 s4, $0x7;
	s0 =	simm.s32 @p0 $0x1;
	p0 =	sgt.u32 s4, $0x4  }
0x12: {  	s7 =	sshll.u32 s3, $0x6;
	[smem:$0x7F0] =	sst s0;
	s0 =	simm.s32 @!p0 $0x0  }
0x13: {  	s10 =	ssub.s32 $0x2, s3;
	s0 =	simm.s32 @p0 $0x1;
	p0 =	sgt.u32 s4, $0x5  }
0x14: {  	s7 =	sor.u32 s7, s25;
	[smem:$0x7F1] =	sst s0;
	s0 =	simm.s32 @!p0 $0x0  }
0x15: {  	s11 =	sshrl.u32 s7, $0x3;
	s0 =	simm.s32 @p0 $0x1;
	p0 =	sgt.u32 s4, $0x6  }
0x16: {  	s11 =	smul.u32 $0x300, s11;
	[smem:$0x7F2] =	sst s0;
	s0 =	simm.s32 @!p0 $0x0  }
0x17: {  	s12 =	sshrl.u32 s10, $0x1;
	s0 =	simm.s32 @p0 $0x1;
	p0 =	sgt.u32 s4, $0x7  }
0x18: {  	s17 =	ssub.s32 s10, s12;
	s10 =	sadd.s32 s1, s11;
	s1 =	simm.s32 @!p0 $0x0  }
0x19: {  	s8 =	sadd.s32 $0x3D600, s2;
	s1 =	simm.s32 @p0 $0x1;
	p0 =	sgt.u32 s4, $0x8  }
0x1a: {  	s26 =	sshll.u32 s4, $0x6;
	[smem:$0x7F4] =	sst s1;
	s1 =	simm.s32 @!p0 $0x0  }
0x1b: {  	[dreg:$0x8] =	wrdreg s6;
	s1 =	simm.s32 @p0 $0x1;
	p0 =	sgt.u32 s4, $0x9  }
0x1c: {  	s16 =	sadd.s32 $0x1600, s2;
	[smem:$0x7F5] =	sst s1;
	s1 =	simm.s32 @!p0 $0x0  }
0x1d: {  	[dreg:$0x9] =	wrdreg s8;
	s1 =	simm.s32 @p0 $0x1;
	p0 =	sgt.u32 s4, $0xA  }
0x1e: {  	s8 =	sadd.s32 $0x1400, s2;
	[smem:$0x7F6] =	sst s1;
	s1 =	simm.s32 @!p0 $0x0  }
0x1f: {  	s31 =	sor.u32 s4, s3;
	s1 =	simm.s32 @p0 $0x1;
	p0 =	sgt.u32 s4, $0xB  }
0x20: {  	s13 =	sadd.s32 $0x3D800, s13;
	[smem:$0x7F7] =	sst s1;
	s1 =	simm.s32 @!p0 $0x0  }
0x21: {  	s12 =	sadd.s32 s25, s15;
	s1 =	simm.s32 @p0 $0x1;
	p0 =	sgt.u32 s4, $0xC  }
0x22: {  	s25 =	simm.s32 $0x500;
	[smem:$0x7F8] =	sst s1;
	s1 =	simm.s32 @!p0 $0x0  }
0x23: {  	s17 =	smax.u32 s17, $0x1;
	s1 =	simm.s32 @p0 $0x1;
	p0 =	sgt.u32 s4, $0xD  }
0x24: {  	s11 =	sadd.s32 s26, s14;
	[smem:$0x7F9] =	sst s1;
	s1 =	simm.s32 @!p0 $0x0  }
0x25: {  	s14 =	sadd.s32 s7, s15;
	s1 =	simm.s32 @p0 $0x1;
	p0 =	seq.s32 s4, $0xF  }
0x26: {  	s15 =	sadd.s32 $0x1500, s2;
	[smem:$0x7FA] =	sst s1;
	s1 =	simm.s32 @!p0 $0x0  }
0x27: {  	s26 =	simm.s32 $0x900;
	s1 =	simm.s32 @p0 $0x1;
	p0 =	sne.s32 s3, $0x0  }
.Ltmp0:
0x28: {  	[smem:$0x7FB] =	sst s1;
	s1 =	simm.s32 @!p0 $0x0;
	(pc) =	sbr.rel .LBB2_1-.Ltmp0, $4  }
0x29: {  	s2 =	simm.s32 $0x1;
	s1 =	simm.s32 @p0 $0x1;
	p0 =	sne.s32 s31, $0x0  }
0x2a: {  	s7 =	simm.s32 $0xB580;
	[smem:$0x7F3] =	sst s0;
	s0 =	simm.s32 @!p0 $0x0  }
0x2b: {  	v0 =	vlaneseq.u32;
	v1 =	vimm.s32 $0x0;
	s3 =	simm.s32 $0xBD80;
	[smem:$0x7FC] =	sst s1;
	s0 =	simm.s32 @p0 $0x1  }
0x2c: {  	v3 =	vimm.s32 $0x1;
	vm0 =	vmmov $0xffff;
	v2 =	vmul.u32 $0x40, v0;
	s1 =	simm.s32 $0x2300;
	[smem:$0x7FD] =	sst s0;
	s0 =	simm.s32 $0xDD80  }
.LBB2_7:
0x2d: {  	[bflag:$0x0] =	sbarrier.arrive $0xFFFF  }
.LBB2_8:
0x2e: {  	s4 =	simm.s32 $0x2D00  }
0x2f: {  	[tilespmem:s4], [sflag:$0x2] =	stream.linear.gather [spmem:s14], $0x40, $0x38;
	[tilespmem:$0xEE40] =	vst v63  }
0x30: {  	_ =	swait.ge [sflag:s18], $0x40  }
0x31: {  	[sflag:s18] =	ssyncset.done $0x0  }
0x32: {  	[sflag:s18] =	ssyncadd.s32 $0xFFFFFFC0  }
0x33: {  	_ =	swait.ge [sflag:s2], $0xC000  }
0x34: {  	[sflag:s2] =	ssyncset.done $0x0  }
0x35: {  	[sflag:s2] =	ssyncadd.s32 $0xFFFF4000  }
0x36: {  	v4 =	vld [tilespmem:$0x2D00];
	_ =	sdelay $0x4  }
0x37: {  	v5 =	vshrl.u32 v4, $0x3  }
0x38: {  	v5 =	vmul.u32 $0x30, v5  }
0x39: {  	v4 =	vand.u32 $0x7, v4  }
0x3a: {  	v6 =	vshrl.u32 v0, $0x3;
	v4 =	vor.u32 v4, v5;
	v5 =	vand.u32 $0x7, v0  }
0x3b: {  	v6 =	vmul.u32 $0x8, v6;
	v7 =	vperm.xlane v4, v5;
	_ =	sdelay $0x1  }
0x3c: {  	v7 =	vadd.s32 v6, v7;
	_ =	sdelay $0x2  }
0x3d: {  	v8 =	vor.u32 $0x8, v0  }
0x3e: {  	v4 =	vperm.xlane v4, v8  }
0x3f: {  	[hbm4b:s8+s5] =	stream.indirect_vreg.scatter [tilespmem:s19], [sflag:$0x1], $0x80, v7, vm0, $0xb8;
	[tilespmem:$0xEE40] =	vst v63  }
0x40: {  	s6 =	simm.s32 $0x3580;
	v4 =	vadd.s32 v6, v4  }
0x41: {  	[hbm4b:s15+s5] =	stream.indirect_vreg.scatter [tilespmem:s6], [sflag:$0x1], $0x80, v7, vm0, $0xb8;
	[tilespmem:$0xEE40] =	vst v63  }
0x42: {  	s31 =	simm.s32 $0x3D80  }
0x43: {  	[hbm4b:s16+s5] =	stream.indirect_vreg.scatter [tilespmem:s31], [sflag:$0x1], $0x80, v7, vm0, $0xb8;
	[tilespmem:$0xEE40] =	vst v63  }
0x44: {  	s6 =	simm.s32 $0x4580  }
0x45: {  	[hbm4b:s8+s5] =	stream.indirect_vreg.scatter [tilespmem:s6], [sflag:$0x1], $0x80, v4, vm0, $0xb8;
	[tilespmem:$0xEE40] =	vst v63  }
0x46: {  	s31 =	simm.s32 $0x4D80  }
0x47: {  	[hbm4b:s15+s5] =	stream.indirect_vreg.scatter [tilespmem:s31], [sflag:$0x1], $0x80, v4, vm0, $0xb8;
	[tilespmem:$0xEE40] =	vst v63  }
0x48: {  	s6 =	simm.s32 $0x5580  }
0x49: {  	[hbm4b:s16+s5] =	stream.indirect_vreg.scatter [tilespmem:s6], [sflag:$0x1], $0x80, v4, vm0, $0xb8;
	[tilespmem:$0xEE40] =	vst v63  }
0x4a: {  	v4 =	vld [tilespmem:$0x2D10];
	_ =	sdelay $0x4  }
0x4b: {  	v61 =	vshrl.u32 v4, $0x3  }
0x4c: {  	v7 =	vmul.u32 $0x30, v61  }
0x4d: {  	v4 =	vand.u32 $0x7, v4  }
0x4e: {  	v4 =	vor.u32 v4, v7  }
0x4f: {  	v7 =	vperm.xlane v4, v5;
	_ =	sdelay $0x1  }
0x50: {  	v7 =	vadd.s32 v6, v7;
	_ =	sdelay $0x3  }
0x51: {  	s31 =	simm.s32 $0x5D80;
	v4 =	vperm.xlane v4, v8  }
0x52: {  	[hbm4b:s8+s5] =	stream.indirect_vreg.scatter [tilespmem:s31], [sflag:$0x1], $0x80, v7, vm0, $0xb8;
	[tilespmem:$0xEE40] =	vst v63  }
0x53: {  	s6 =	simm.s32 $0x6580;
	v4 =	vadd.s32 v6, v4  }
0x54: {  	[hbm4b:s15+s5] =	stream.indirect_vreg.scatter [tilespmem:s6], [sflag:$0x1], $0x80, v7, vm0, $0xb8;
	[tilespmem:$0xEE40] =	vst v63  }
0x55: {  	s31 =	simm.s32 $0x6D80  }
0x56: {  	[hbm4b:s16+s5] =	stream.indirect_vreg.scatter [tilespmem:s31], [sflag:$0x1], $0x80, v7, vm0, $0xb8;
	[tilespmem:$0xEE40] =	vst v63  }
0x57: {  	s6 =	simm.s32 $0x7580  }
0x58: {  	[hbm4b:s8+s5] =	stream.indirect_vreg.scatter [tilespmem:s6], [sflag:$0x1], $0x80, v4, vm0, $0xb8;
	[tilespmem:$0xEE40] =	vst v63  }
0x59: {  	s31 =	simm.s32 $0x7D80  }
0x5a: {  	[hbm4b:s15+s5] =	stream.indirect_vreg.scatter [tilespmem:s31], [sflag:$0x1], $0x80, v4, vm0, $0xb8;
	[tilespmem:$0xEE40] =	vst v63  }
0x5b: {  	s6 =	simm.s32 $0x8580  }
0x5c: {  	[hbm4b:s16+s5] =	stream.indirect_vreg.scatter [tilespmem:s6], [sflag:$0x1], $0x80, v4, vm0, $0xb8;
	[tilespmem:$0xEE40] =	vst v63  }
0x5d: {  	v4 =	vld [tilespmem:$0x2D20];
	_ =	sdelay $0x4  }
0x5e: {  	v62 =	vshrl.u32 v4, $0x3  }
0x5f: {  	v7 =	vmul.u32 $0x30, v62  }
0x60: {  	v4 =	vand.u32 $0x7, v4  }
0x61: {  	v4 =	vor.u32 v4, v7  }
0x62: {  	v7 =	vperm.xlane v4, v5;
	_ =	sdelay $0x1  }
0x63: {  	v7 =	vadd.s32 v6, v7;
	_ =	sdelay $0x3  }
0x64: {  	s31 =	simm.s32 $0x8D80;
	v4 =	vperm.xlane v4, v8  }
0x65: {  	[hbm4b:s8+s5] =	stream.indirect_vreg.scatter [tilespmem:s31], [sflag:$0x1], $0x80, v7, vm0, $0xb8;
	[tilespmem:$0xEE40] =	vst v63  }
0x66: {  	s6 =	simm.s32 $0x9580;
	v4 =	vadd.s32 v6, v4  }
0x67: {  	[hbm4b:s15+s5] =	stream.indirect_vreg.scatter [tilespmem:s6], [sflag:$0x1], $0x80, v7, vm0, $0xb8;
	[tilespmem:$0xEE40] =	vst v63  }
0x68: {  	s31 =	simm.s32 $0x9D80  }
0x69: {  	[hbm4b:s16+s5] =	stream.indirect_vreg.scatter [tilespmem:s31], [sflag:$0x1], $0x80, v7, vm0, $0xb8;
	[tilespmem:$0xEE40] =	vst v63  }
0x6a: {  	s6 =	simm.s32 $0xA580  }
0x6b: {  	[hbm4b:s8+s5] =	stream.indirect_vreg.scatter [tilespmem:s6], [sflag:$0x1], $0x80, v4, vm0, $0xb8;
	[tilespmem:$0xEE40] =	vst v63  }
0x6c: {  	s31 =	simm.s32 $0xAD80  }
0x6d: {  	[hbm4b:s15+s5] =	stream.indirect_vreg.scatter [tilespmem:s31], [sflag:$0x1], $0x80, v4, vm0, $0xb8;
	[tilespmem:$0xEE40] =	vst v63  }
0x6e: {  	_ = 	snop  }
0x6f: {  	[hbm4b:s16+s5] =	stream.indirect_vreg.scatter [tilespmem:s7], [sflag:$0x1], $0x80, v4, vm0, $0xb8;
	[tilespmem:$0xEE40] =	vst v63  }
0x70: {  	v4 =	vld [tilespmem:$0x2D30];
	_ =	sdelay $0x4  }
0x71: {  	v63 =	vshrl.u32 v4, $0x3  }
0x72: {  	v7 =	vmul.u32 $0x30, v63  }
0x73: {  	v4 =	vand.u32 $0x7, v4  }
0x74: {  	v4 =	vor.u32 v4, v7  }
0x75: {  	v5 =	vperm.xlane v4, v5;
	_ =	sdelay $0x1  }
0x76: {  	v5 =	vadd.s32 v6, v5;
	_ =	sdelay $0x3  }
0x77: {  	v4 =	vperm.xlane v4, v8  }
0x78: {  	[hbm4b:s8+s5] =	stream.indirect_vreg.scatter [tilespmem:s3], [sflag:$0x1], $0x80, v5, vm0, $0xb8;
	[tilespmem:$0xEE40] =	vst v63  }
0x79: {  	v4 =	vadd.s32 v6, v4  }
0x7a: {  	[hbm4b:s15+s5] =	stream.indirect_vreg.scatter [tilespmem:s21], [sflag:$0x1], $0x80, v5, vm0, $0xb8;
	[tilespmem:$0xEE40] =	vst v63  }
0x7b: {  	_ = 	snop  }
0x7c: {  	[hbm4b:s16+s5] =	stream.indirect_vreg.scatter [tilespmem:s22], [sflag:$0x1], $0x80, v5, vm0, $0xb8;
	[tilespmem:$0xEE40] =	vst v63  }
0x7d: {  	s30 =	sadd.s32 $0x1, s30  }
0x7e: {  	[hbm4b:s8+s5] =	stream.indirect_vreg.scatter [tilespmem:s28], [sflag:$0x1], $0x80, v4, vm0, $0xb8;
	[tilespmem:$0xEE40] =	vst v63  }
0x7f: {  	p3 =	sne.s32 s30, s17  }
0x80: {  	[hbm4b:s15+s5] =	stream.indirect_vreg.scatter [tilespmem:s0], [sflag:$0x1], $0x80, v4, vm0, $0xb8;
	[tilespmem:$0xEE40] =	vst v63  }
.Ltmp1:
0x81: {  	_ = 	snop;
	(pc) =	sbr.rel @!p3 .LBB2_9-.Ltmp1, $4  }
0x82: {  	[hbm4b:s16+s5] =	stream.indirect_vreg.scatter [tilespmem:s29], [sflag:$0x1], $0x80, v4, vm0, $0xb8;
	[tilespmem:$0xEE40] =	vst v63  }
0x83: {  	_ =	swait.ge [sflag:s2], $0xC000  }
0x84: {  	[sflag:s2] =	ssyncset.done $0x0  }
0x85: {  	[sflag:s2] =	ssyncadd.s32 $0xFFFF4000  }
.LBB2_1:
0x86: {  	[tilespmem:s5], [sflag:$0x2] =	stream.linear.gather [hbm4b:s9+s5], $0x80, $0x38;
	[tilespmem:$0xEE40] =	vst v63  }
0x87: {  	_ =	swait.ge [sflag:s18], $0x80  }
0x88: {  	[sflag:s18] =	ssyncset.done $0x0  }
0x89: {  	s31 =	simm.s32 $0x40;
	s4 =	simm.s32 $0x0;
	[sflag:s18] =	ssyncadd.s32 $0xFFFFFF80  }
0x8a: {  	[tilespmem:s19], [sflag:$0x1] =	stream.linear.gather [hbm4b:s10+s5], $0xC000, $0x38;
	[tilespmem:$0xEE40] =	vst v63  }
.LBB2_2:
0x8b: {  	p3 =	sne.s32 s31, $0xFC0;
	[tilespmem:s4+$0x100] =	vst v1;
	s6 =	smov.u32 s31;
	s31 =	sadd.s32 $0x40, s31  }
.Ltmp2:
0x8c: {  	[tilespmem:s4+$0x900] =	vst v1;
	(pc) =	sbr.rel @p3 .LBB2_2-.Ltmp2, $2  }
0x8d: {  	_ =	sdelay $0x2  }
0x8e: {  	s4 =	sshra.s32 s6, $0x2  }
0x8f: {  	[tilespmem:s4+$0x100] =	vst v1  }
0x90: {  	[tilespmem:s4+$0x900] =	vst v1  }
0x91: {  	v4 =	vld [tilespmem:$0x0];
	_ =	sdelay $0x4  }
0x92: {  	v4 =	vadd.s32 v2, v4;
	_ =	sdelay $0x4  }
0x93: {  	[tilespmem:v4+s20+$0x0] =	vst.idx.add.s32.msk $0xffff, v3  }
0x94: {  	v4 =	vld [tilespmem:$0x10];
	_ =	sdelay $0x4  }
0x95: {  	v4 =	vadd.s32 v2, v4;
	_ =	sdelay $0x4  }
0x96: {  	[tilespmem:v4+s20+$0x0] =	vst.idx.add.s32.msk $0xffff, v3  }
0x97: {  	v4 =	vld [tilespmem:$0x20];
	_ =	sdelay $0x4  }
0x98: {  	v4 =	vadd.s32 v2, v4;
	_ =	sdelay $0x4  }
0x99: {  	[tilespmem:v4+s20+$0x0] =	vst.idx.add.s32.msk $0xffff, v3  }
0x9a: {  	v4 =	vld [tilespmem:$0x30];
	_ =	sdelay $0x4  }
0x9b: {  	v4 =	vadd.s32 v2, v4;
	_ =	sdelay $0x4  }
0x9c: {  	[tilespmem:v4+s20+$0x0] =	vst.idx.add.s32.msk $0xffff, v3  }
0x9d: {  	v4 =	vld [tilespmem:$0x40];
	_ =	sdelay $0x4  }
0x9e: {  	v4 =	vadd.s32 v2, v4;
	_ =	sdelay $0x4  }
0x9f: {  	[tilespmem:v4+s20+$0x0] =	vst.idx.add.s32.msk $0xffff, v3  }
0xa0: {  	v4 =	vld [tilespmem:$0x50];
	_ =	sdelay $0x4  }
0xa1: {  	v4 =	vadd.s32 v2, v4;
	_ =	sdelay $0x4  }
0xa2: {  	[tilespmem:v4+s20+$0x0] =	vst.idx.add.s32.msk $0xffff, v3  }
0xa3: {  	v4 =	vld [tilespmem:$0x60];
	_ =	sdelay $0x4  }
0xa4: {  	v4 =	vadd.s32 v2, v4;
	_ =	sdelay $0x4  }
0xa5: {  	[tilespmem:v4+s20+$0x0] =	vst.idx.add.s32.msk $0xffff, v3  }
0xa6: {  	v4 =	vld [tilespmem:$0x70];
	_ =	sdelay $0x4  }
0xa7: {  	v4 =	vadd.s32 v2, v4;
	_ =	sdelay $0x4  }
0xa8: {  	[tilespmem:v4+s20+$0x0] =	vst.idx.add.s32.msk $0xffff, v3  }
0xa9: {  	v4 =	vld [tilespmem:$0x100]  }
0xaa: {  	v5 =	vld [tilespmem:$0x140]  }
0xab: {  	v6 =	vld [tilespmem:$0x180]  }
0xac: {  	v7 =	vld [tilespmem:$0x1C0]  }
0xad: {  	v8 =	vld [tilespmem:$0x200]  }
0xae: {  	[tilespmem:$0x500] =	vst v1;
	v9 =	vld [tilespmem:$0x240]  }
0xaf: {  	[tilespmem:$0x540] =	vst v4;
	v4 =	vadd.s32 v4, v5;
	v5 =	vld [tilespmem:$0x280]  }
0xb0: {  	v47 =	vld [tilespmem:$0x2C0];
	[tilespmem:$0x580] =	vst v4;
	v4 =	vadd.s32 v4, v6  }
0xb1: {  	v48 =	vld [tilespmem:$0x300];
	[tilespmem:$0x5C0] =	vst v4;
	v4 =	vadd.s32 v4, v7  }
0xb2: {  	v49 =	vld [tilespmem:$0x340];
	[tilespmem:$0x600] =	vst v4;
	v4 =	vadd.s32 v4, v8  }
0xb3: {  	v50 =	vld [tilespmem:$0x380];
	[tilespmem:$0x640] =	vst v4;
	v4 =	vadd.s32 v4, v9  }
0xb4: {  	[tilespmem:$0x680] =	vst v4;
	v4 =	vadd.s32 v4, v5;
	v5 =	vld [tilespmem:$0x3C0]  }
0xb5: {  	v51 =	vld [tilespmem:$0x400];
	[tilespmem:$0x6C0] =	vst v4;
	v4 =	vadd.s32 v4, v47  }
0xb6: {  	v52 =	vld [tilespmem:$0x440];
	[tilespmem:$0x700] =	vst v4;
	v4 =	vadd.s32 v4, v48  }
0xb7: {  	v53 =	vld [tilespmem:$0x480];
	[tilespmem:$0x740] =	vst v4;
	v4 =	vadd.s32 v4, v49  }
0xb8: {  	v54 =	vld [tilespmem:$0x4C0];
	[tilespmem:$0x780] =	vst v4;
	v4 =	vadd.s32 v4, v50  }
0xb9: {  	[tilespmem:$0x7C0] =	vst v4;
	v4 =	vadd.s32 v4, v5  }
0xba: {  	v55 =	vld [tilespmem:$0x150];
	[tilespmem:$0x800] =	vst v4;
	v4 =	vadd.s32 v4, v51  }
0xbb: {  	v5 =	vld [tilespmem:$0x110];
	[tilespmem:$0x840] =	vst v4;
	v4 =	vadd.s32 v4, v52  }
0xbc: {  	v56 =	vld [tilespmem:$0x190];
	[tilespmem:$0x880] =	vst v4;
	v4 =	vadd.s32 v4, v53  }
0xbd: {  	v57 =	vld [tilespmem:$0x1D0];
	[tilespmem:$0x8C0] =	vst v4;
	v4 =	vadd.s32 v4, v54  }
0xbe: {  	[tilespmem:$0xD00] =	vst v4;
	v4 =	vld [tilespmem:$0x210]  }
0xbf: {  	[tilespmem:$0x510] =	vst v1;
	v58 =	vld [tilespmem:$0x250]  }
0xc0: {  	v59 =	vld [tilespmem:$0x290];
	[tilespmem:$0x550] =	vst v5;
	v5 =	vadd.s32 v5, v55  }
0xc1: {  	v60 =	vld [tilespmem:$0x2D0];
	[tilespmem:$0x590] =	vst v5;
	v5 =	vadd.s32 v5, v56  }
0xc2: {  	v61 =	vld [tilespmem:$0x310];
	[tilespmem:$0x5D0] =	vst v5;
	v5 =	vadd.s32 v5, v57  }
0xc3: {  	[tilespmem:$0x610] =	vst v5;
	v4 =	vadd.s32 v5, v4;
	v5 =	vld [tilespmem:$0x350]  }
0xc4: {  	v62 =	vld [tilespmem:$0x390];
	[tilespmem:$0x650] =	vst v4;
	v4 =	vadd.s32 v4, v58  }
0xc5: {  	v63 =	vld [tilespmem:$0x3D0];
	[tilespmem:$0x690] =	vst v4;
	v4 =	vadd.s32 v4, v59  }
0xc6: {  	v12 =	vld [tilespmem:$0x410];
	[tilespmem:$0x6D0] =	vst v4;
	v4 =	vadd.s32 v4, v60  }
0xc7: {  	v13 =	vld [tilespmem:$0x450];
	[tilespmem:$0x710] =	vst v4;
	v4 =	vadd.s32 v4, v61  }
0xc8: {  	[tilespmem:$0x750] =	vst v4;
	v4 =	vadd.s32 v4, v5;
	v5 =	vld [tilespmem:$0x490]  }
0xc9: {  	v14 =	vld [tilespmem:$0x4D0];
	[tilespmem:$0x790] =	vst v4;
	v4 =	vadd.s32 v4, v62  }
0xca: {  	[tilespmem:$0x7D0] =	vst v4;
	v4 =	vadd.s32 v4, v63  }
0xcb: {  	v15 =	vld [tilespmem:$0x120];
	[tilespmem:$0x810] =	vst v4;
	v4 =	vadd.s32 v4, v12  }
0xcc: {  	v16 =	vld [tilespmem:$0x160];
	[tilespmem:$0x850] =	vst v4;
	v4 =	vadd.s32 v4, v13  }
0xcd: {  	[tilespmem:$0x890] =	vst v4;
	v4 =	vadd.s32 v4, v5;
	v5 =	vld [tilespmem:$0x1A0]  }
0xce: {  	v17 =	vld [tilespmem:$0x1E0];
	[tilespmem:$0x8D0] =	vst v4;
	v4 =	vadd.s32 v4, v14  }
0xcf: {  	[tilespmem:$0xD10] =	vst v4;
	v4 =	vld [tilespmem:$0x220]  }
0xd0: {  	[tilespmem:$0x520] =	vst v1;
	v18 =	vld [tilespmem:$0x260]  }
0xd1: {  	v19 =	vld [tilespmem:$0x2A0];
	[tilespmem:$0x530] =	vst v1;
	v6 =	vadd.s32 v15, v16  }
0xd2: {  	v20 =	vld [tilespmem:$0x2E0];
	[tilespmem:$0x560] =	vst v15;
	v5 =	vadd.s32 v6, v5  }
0xd3: {  	v21 =	vld [tilespmem:$0x320];
	[tilespmem:$0x5E0] =	vst v5;
	v5 =	vadd.s32 v5, v17  }
0xd4: {  	[tilespmem:$0x620] =	vst v5;
	v4 =	vadd.s32 v5, v4;
	v5 =	vld [tilespmem:$0x360]  }
0xd5: {  	v22 =	vld [tilespmem:$0x3A0];
	[tilespmem:$0x660] =	vst v4;
	v4 =	vadd.s32 v4, v18  }
0xd6: {  	v23 =	vld [tilespmem:$0x3E0];
	[tilespmem:$0x6A0] =	vst v4;
	v4 =	vadd.s32 v4, v19  }
0xd7: {  	v24 =	vld [tilespmem:$0x420];
	[tilespmem:$0x6E0] =	vst v4;
	v4 =	vadd.s32 v4, v20  }
0xd8: {  	v25 =	vld [tilespmem:$0x460];
	[tilespmem:$0x720] =	vst v4;
	v4 =	vadd.s32 v4, v21  }
0xd9: {  	[tilespmem:$0x760] =	vst v4;
	v4 =	vadd.s32 v4, v5;
	v5 =	vld [tilespmem:$0x4A0]  }
0xda: {  	v26 =	vld [tilespmem:$0x4E0];
	[tilespmem:$0x7A0] =	vst v4;
	v4 =	vadd.s32 v4, v22  }
0xdb: {  	[tilespmem:$0x7E0] =	vst v4;
	v4 =	vadd.s32 v4, v23  }
0xdc: {  	v27 =	vld [tilespmem:$0x130];
	[tilespmem:$0x820] =	vst v4;
	v4 =	vadd.s32 v4, v24  }
0xdd: {  	v28 =	vld [tilespmem:$0x170];
	[tilespmem:$0x860] =	vst v4;
	v4 =	vadd.s32 v4, v25  }
0xde: {  	[tilespmem:$0x8A0] =	vst v4;
	v4 =	vadd.s32 v4, v5;
	v5 =	vld [tilespmem:$0x1B0]  }
0xdf: {  	v29 =	vld [tilespmem:$0x1F0];
	[tilespmem:$0x8E0] =	vst v4;
	v4 =	vadd.s32 v4, v26  }
0xe0: {  	[tilespmem:$0xD20] =	vst v4;
	v4 =	vld [tilespmem:$0x230]  }
0xe1: {  	v30 =	vld [tilespmem:$0x270];
	[tilespmem:$0x570] =	vst v27  }
0xe2: {  	v31 =	vld [tilespmem:$0x2B0];
	[tilespmem:$0x5A0] =	vst v6;
	v6 =	vadd.s32 v27, v28  }
0xe3: {  	v32 =	vld [tilespmem:$0x2F0];
	[tilespmem:$0x5B0] =	vst v6;
	v5 =	vadd.s32 v6, v5  }
0xe4: {  	v33 =	vld [tilespmem:$0x330];
	[tilespmem:$0x5F0] =	vst v5;
	v5 =	vadd.s32 v5, v29  }
0xe5: {  	[tilespmem:$0x630] =	vst v5;
	v4 =	vadd.s32 v5, v4;
	v5 =	vld [tilespmem:$0x370]  }
0xe6: {  	v34 =	vld [tilespmem:$0x3B0];
	[tilespmem:$0x670] =	vst v4;
	v4 =	vadd.s32 v4, v30  }
0xe7: {  	v35 =	vld [tilespmem:$0x3F0];
	[tilespmem:$0x6B0] =	vst v4;
	v4 =	vadd.s32 v4, v31  }
0xe8: {  	v36 =	vld [tilespmem:$0x430];
	[tilespmem:$0x6F0] =	vst v4;
	v4 =	vadd.s32 v4, v32  }
0xe9: {  	v37 =	vld [tilespmem:$0x470];
	[tilespmem:$0x730] =	vst v4;
	v4 =	vadd.s32 v4, v33  }
0xea: {  	[tilespmem:$0x770] =	vst v4;
	v4 =	vadd.s32 v4, v5;
	v5 =	vld [tilespmem:$0x4B0]  }
0xeb: {  	v38 =	vld [tilespmem:$0x4F0];
	[tilespmem:$0x7B0] =	vst v4;
	v4 =	vadd.s32 v4, v34  }
0xec: {  	[tilespmem:$0x7F0] =	vst v4;
	v4 =	vadd.s32 v4, v35  }
0xed: {  	[tilespmem:$0x830] =	vst v4;
	v4 =	vadd.s32 v4, v36  }
0xee: {  	[tilespmem:$0x870] =	vst v4;
	v4 =	vadd.s32 v4, v37  }
0xef: {  	[tilespmem:$0x8B0] =	vst v4;
	v4 =	vadd.s32 v4, v5  }
0xf0: {  	[tilespmem:$0x8F0] =	vst v4;
	v4 =	vadd.s32 v4, v38  }
0xf1: {  	s6 =	simm.s32 $0xD00;
	[tilespmem:$0xD30] =	vst v4  }
0xf2: {  	[spmem:s11] =	stream.linear.scatter [tilespmem:s6], [sflag:$0x2], $0x40, $0x38;
	[tilespmem:$0xEE40] =	vst v63  }
0xf3: {  	_ =	swait.ge [sflag:s18], $0x40  }
0xf4: {  	[sflag:s18] =	ssyncset.done $0x0  }
0xf5: {  	[sflag:s18] =	ssyncadd.s32 $0xFFFFFFC0  }
0xf6: {  	[bflag:$0x0] =	sbarrier.arrive $0xFFFF  }
0xf7: {  	s6 =	simm.s32 $0xD80;
	s31 =	rddreg [dreg:$0x5]  }
0xf8: {  	[tilespmem:s6], [sflag:$0x2] =	stream.linear.gather [spmem:s31], $0x400, $0x38;
	[tilespmem:$0xEE40] =	vst v63  }
0xf9: {  	_ =	swait.ge [sflag:s18], $0x400  }
0xfa: {  	[sflag:s18] =	ssyncset.done $0x0  }
0xfb: {  	[sflag:s18] =	ssyncadd.s32 $0xFFFFFC00  }
0xfc: {  	v4 =	vld [tilespmem:$0xD80]  }
0xfd: {  	v5 =	vld [tilespmem:$0xDC0]  }
0xfe: {  	v39 =	vld [tilespmem:$0xE00]  }
0xff: {  	v40 =	vld [tilespmem:$0xE40]  }
0x100: {  	v41 =	vld [tilespmem:$0xE80]  }
0x101: {  	v42 =	vld [tilespmem:$0xEC0]  }
0x102: {  	v10 =	vld [tilespmem:$0xF00]  }
0x103: {  	v11 =	vld [tilespmem:$0xF40]  }
0x104: {  	v12 =	vld [tilespmem:$0xF80]  }
0x105: {  	v13 =	vld [tilespmem:$0xFC0]  }
0x106: {  	v14 =	vld [tilespmem:$0x1000]  }
0x107: {  	v15 =	vld [tilespmem:$0x1040]  }
0x108: {  	s6 =	sld [smem:$0x7ED];
	v46 =	vld [tilespmem:$0xD90]  }
0x109: {  	s31 =	sld [smem:$0x7EE];
	v48 =	vld [tilespmem:$0xDD0]  }
0x10a: {  	v52 =	vld [tilespmem:$0xE50]  }
0x10b: {  	v31 =	vld [tilespmem:$0xDA0];
	p2 =	seq.s32 s6, $0x1;
	s6 =	sld [smem:$0x7EF]  }
0x10c: {  	v33 =	vld [tilespmem:$0xDE0];
	p0 =	seq.s32 s31, $0x1;
	s31 =	sld [smem:$0x7F0]  }
0x10d: {  	v50 =	vld [tilespmem:$0xE10]  }
0x10e: {  	v36 =	vld [tilespmem:$0xE20]  }
0x10f: {  	v38 =	vld [tilespmem:$0xE60];
	p6 =	seq.s32 s6, $0x1;
	p3 =	seq.s32 s31, $0x1;
	v18 =	vpsel !p2, $0x0, v4;
	v19 =	vpsel !p0, $0x0, v5;
	v4 =	vadd.s32 v4, v5  }
0x110: {  	v16 =	vld [tilespmem:$0x1080];
	s6 =	sld [smem:$0x7F1];
	v43 =	vpsel !p6, $0x0, v39;
	v45 =	vpsel !p3, $0x0, v40;
	v56 =	vadd.s32 v46, v48  }
0x111: {  	v55 =	vld [tilespmem:$0xED0];
	s31 =	sld [smem:$0x7F2];
	v7 =	vpsel !p2, $0x0, v46;
	v28 =	vpsel !p3, $0x0, v52;
	v9 =	vadd.s32 v31, v33  }
0x112: {  	v17 =	vld [tilespmem:$0x10C0];
	v5 =	vadd.s32 v18, v19;
	v4 =	vadd.s32 v39, v4;
	v57 =	vadd.s32 v50, v56  }
0x113: {  	v22 =	vld [tilespmem:$0xF90];
	v9 =	vadd.s32 v36, v9;
	v5 =	vadd.s32 v43, v5;
	v4 =	vadd.s32 v40, v4;
	p1 =	seq.s32 s6, $0x1;
	s6 =	sld [smem:$0x7F3]  }
0x114: {  	p5 =	seq.s32 s31, $0x1;
	s31 =	sld [smem:$0x7F4];
	v40 =	vld [tilespmem:$0xEA0];
	v9 =	vadd.s32 v38, v9;
	v5 =	vadd.s32 v45, v5;
	v4 =	vadd.s32 v41, v4  }
0x115: {  	v43 =	vld [tilespmem:$0xEE0];
	v47 =	vpsel !p1, $0x0, v41;
	v49 =	vpsel !p5, $0x0, v42;
	v4 =	vadd.s32 v42, v4  }
0x116: {  	v59 =	vld [tilespmem:$0xFD0];
	v30 =	vpsel !p5, $0x0, v55;
	v5 =	vadd.s32 v47, v5;
	p4 =	seq.s32 s6, $0x1;
	v4 =	vadd.s32 v10, v4;
	s6 =	sld [smem:$0x7F5]  }
0x117: {  	v20 =	vld [tilespmem:$0x1100];
	v5 =	vadd.s32 v49, v5;
	p6 =	seq.s32 s31, $0x1;
	s31 =	sld [smem:$0x7F6];
	v51 =	vpsel !p4, $0x0, v10;
	v4 =	vadd.s32 v11, v4  }
0x118: {  	v54 =	vld [tilespmem:$0xE90];
	v53 =	vpsel !p6, $0x0, v11;
	v5 =	vadd.s32 v51, v5;
	v4 =	vadd.s32 v12, v4  }
0x119: {  	v44 =	vld [tilespmem:$0x1140];
	v9 =	vadd.s32 v40, v9;
	v5 =	vadd.s32 v53, v5;
	p4 =	seq.s32 s6, $0x1;
	v4 =	vadd.s32 v13, v4;
	s6 =	sld [smem:$0x7F7]  }
0x11a: {  	v21 =	vld [tilespmem:$0xF10];
	p6 =	seq.s32 s31, $0x1;
	s31 =	sld [smem:$0x7F8];
	v9 =	vadd.s32 v43, v9;
	v12 =	vpsel !p4, $0x0, v12;
	v4 =	vadd.s32 v14, v4  }
0x11b: {  	v58 =	vld [tilespmem:$0xF50];
	v13 =	vpsel !p6, $0x0, v13;
	v37 =	vpsel !p4, $0x0, v22;
	v39 =	vpsel !p6, $0x0, v59  }
0x11c: {  	v5 =	vadd.s32 v12, v5;
	v4 =	vadd.s32 v15, v4;
	v12 =	vadd.s32 v52, v57;
	p1 =	seq.s32 s6, $0x1;
	s6 =	sld [smem:$0x7F9]  }
0x11d: {  	v23 =	vld [tilespmem:$0x1010];
	v4 =	vadd.s32 v16, v4;
	v12 =	vadd.s32 v54, v12;
	v14 =	vpsel !p1, $0x0, v14;
	p1 =	seq.s32 s31, $0x1;
	s31 =	sld [smem:$0x7EE]  }
0x11e: {  	v45 =	vld [tilespmem:$0xF20];
	v5 =	vadd.s32 v13, v5;
	v4 =	vadd.s32 v17, v4;
	v12 =	vadd.s32 v55, v12  }
0x11f: {  	v60 =	vld [tilespmem:$0x1050];
	v4 =	vadd.s32 v20, v4;
	v12 =	vadd.s32 v21, v12;
	v15 =	vpsel !p1, $0x0, v15;
	p1 =	seq.s32 s6, $0x1;
	s6 =	sld [smem:$0x7EF]  }
0x120: {  	v62 =	vld [tilespmem:$0x1090];
	v5 =	vadd.s32 v14, v5;
	v4 =	vadd.s32 v44, v4;
	v61 =	vadd.s32 v58, v12;
	p2 =	seq.s32 s31, $0x1;
	s31 =	sld [smem:$0x7F1]  }
0x121: {  	v24 =	vld [tilespmem:$0x10D0];
	v15 =	vadd.s32 v15, v5;
	v5 =	vadd.s32 $0x7, v4;
	v6 =	vadd.s32 v22, v61  }
0x122: {  	v63 =	vld [tilespmem:$0x1110];
	v16 =	vpsel !p1, $0x0, v16;
	v25 =	vand.u32 $0xFFFFFFF8, v5;
	v5 =	vadd.s32 v59, v6;
	p1 =	seq.s32 s6, $0x1;
	s6 =	sld [smem:$0x7F3]  }
0x123: {  	v9 =	vadd.s32 v45, v9;
	v8 =	vpsel !p2, $0x0, v48;
	v48 =	vld [tilespmem:$0xF60];
	v5 =	vadd.s32 v23, v5;
	p3 =	seq.s32 s31, $0x1;
	s31 =	sld [smem:$0x7F4]  }
0x124: {  	v26 =	vld [tilespmem:$0x1150];
	v7 =	vadd.s32 v7, v8;
	v27 =	vpsel !p1, $0x0, v50;
	v5 =	vadd.s32 v60, v5  }
0x125: {  	v51 =	vld [tilespmem:$0xFA0];
	v15 =	vadd.s32 v16, v15;
	(xrf0) =	vadd.scan.msk.s32 $0xffff, v25;
	v7 =	vadd.s32 v27, v7;
	v5 =	vadd.s32 v62, v5;
	p5 =	seq.s32 s6, $0x1;
	s6 =	sld [smem:$0x7FA]  }
0x126: {  	v52 =	vld [tilespmem:$0xFE0];
	v29 =	vpsel !p3, $0x0, v54;
	v7 =	vadd.s32 v28, v7;
	v5 =	vadd.s32 v24, v5;
	p3 =	seq.s32 s31, $0x1;
	s31 =	sld [smem:$0x7F7]  }
0x127: {  	v56 =	vpsel !p2, $0x0, v33;
	v7 =	vadd.s32 v29, v7;
	v5 =	vadd.s32 v63, v5  }
0x128: {  	v54 =	vld [tilespmem:$0x1020];
	v32 =	vpsel !p5, $0x0, v21;
	v9 =	vadd.s32 v48, v9;
	v7 =	vadd.s32 v30, v7;
	p6 =	seq.s32 s6, $0x1;
	s6 =	sld [smem:$0x7F8]  }
0x129: {  	v57 =	vld [tilespmem:$0x1060];
	v5 =	vadd.s32 v26, v5;
	v34 =	vpsel !p3, $0x0, v58;
	v58 =	vpsel !p1, $0x0, v36;
	p4 =	seq.s32 s31, $0x1;
	s31 =	sld [smem:$0x7FB]  }
0x12a: {  	v59 =	vld [tilespmem:$0x10A0];
	v9 =	vadd.s32 v51, v9;
	v7 =	vadd.s32 v32, v7;
	v35 =	vadd.s32 $0x7, v5  }
0x12b: {  	v61 =	vld [tilespmem:$0x10E0];
	v46, _, _ =	vpop (xrf0);
	v32 =	vpsel !p5, $0x0, v45;
	v8 =	vadd.s32 v52, v9;
	v7 =	vadd.s32 v34, v7;
	p3 =	seq.s32 s6, $0x1;
	s6 =	sld [smem:$0x7F9]  }
0x12c: {  	v11 =	vand.u32 $0xFFFFFFF8, v35;
	v41 =	vpsel !p6, $0x0, v17;
	v49 =	vbroadcast v46, $0xF;
	p0 =	seq.s32 s31, $0x1;
	s31 =	sld [smem:$0x7ED]  }
0x12d: {  	v33 =	vld [tilespmem:$0xDB0];
	v50 =	vpsel !p6, $0x0, v24;
	v8 =	vadd.s32 v54, v8;
	v7 =	vadd.s32 v37, v7  }
0x12e: {  	v35 =	vld [tilespmem:$0xDF0];
	(xrf0) =	vadd.scan.msk.s32 $0xffff, v11;
	v42 =	vpsel !p4, $0x0, v23;
	v8 =	vadd.s32 v57, v8;
	v44 =	vpsel !p3, $0x0, v60;
	p3 =	seq.s32 s6, $0x1;
	s6 =	sld [smem:$0x7F0]  }
0x12f: {  	v15 =	vadd.s32 v41, v15;
	v7 =	vadd.s32 v39, v7;
	v8 =	vadd.s32 v59, v8;
	p6 =	seq.s32 s31, $0x1;
	s31 =	sld [smem:$0x7F1]  }
0x130: {  	v45 =	vld [tilespmem:$0xF30];
	v11 =	vsub.s32 v49, v11;
	v7 =	vadd.s32 v42, v7;
	v8 =	vadd.s32 v61, v8  }
0x131: {  	v37 =	vld [tilespmem:$0xE30];
	v20 =	vpsel !p0, $0x0, v20;
	v7 =	vadd.s32 v44, v7;
	v6 =	vpsel !p0, $0x0, v63;
	p1 =	seq.s32 s6, $0x1;
	s6 =	sld [smem:$0x7F2]  }
0x132: {  	v63 =	vld [tilespmem:$0x1120];
	v15 =	vadd.s32 v20, v15;
	v20 =	vsub.s32 v46, v25;
	v47 =	vpsel !p3, $0x0, v62;
	p2 =	seq.s32 s31, $0x1;
	s31 =	sld [smem:$0x7F4]  }
0x133: {  	v39 =	vld [tilespmem:$0xE70];
	v44 =	vadd.s32 v33, v35;
	v7 =	vadd.s32 v47, v7;
	v55 =	vpsel !p6, $0x0, v31  }
0x134: {  	v41 =	vld [tilespmem:$0xEB0];
	v53, _, _ =	vpop (xrf0);
	v17 =	vpsel !p6, $0x0, v33;
	v7 =	vadd.s32 v50, v7;
	v62 =	vpsel !p2, $0x0, v40;
	p2 =	seq.s32 s6, $0x1;
	s6 =	sld [smem:$0x7F5]  }
0x135: {  	v42 =	vld [tilespmem:$0xEF0];
	v11 =	vadd.s32 v53, v11;
	v23 =	vadd.s32 v55, v56;
	v6 =	vadd.s32 v6, v7;
	p3 =	seq.s32 s31, $0x1;
	s31 =	sld [smem:$0x7F6]  }
0x136: {  	v31 =	vld [tilespmem:$0x1160];
	v10 =	vadd.s32 v58, v23;
	v60 =	vpsel !p1, $0x0, v38;
	v7 =	vadd.s32 v46, v53  }
0x137: {  	v47 =	vld [tilespmem:$0xF70];
	v46 =	vadd.s32 v37, v44;
	v8 =	vadd.s32 v63, v8;
	v10 =	vadd.s32 v60, v10;
	p5 =	seq.s32 s6, $0x1;
	s6 =	sld [smem:$0x7F8]  }
0x138: {  	v40 =	vpsel !p4, $0x0, v54;
	v16 =	vadd.s32 v39, v46;
	v36 =	vpsel !p5, $0x0, v51;
	p5 =	seq.s32 s31, $0x1;
	s31 =	sld [smem:$0x7F9]  }
0x139: {  	v49 =	vld [tilespmem:$0xFF0];
	v10 =	vadd.s32 v62, v10;
	v16 =	vadd.s32 v41, v16;
	v30 =	vpsel !p2, $0x0, v43  }
0x13a: {  	v16 =	vadd.s32 v42, v16;
	v10 =	vadd.s32 v30, v10;
	v34 =	vpsel !p3, $0x0, v48;
	v48 =	vld [tilespmem:$0xFB0];
	p4 =	seq.s32 s6, $0x1;
	s6 =	sld [smem:$0x7FA]  }
0x13b: {  	v8 =	vadd.s32 v31, v8;
	v16 =	vadd.s32 v45, v16;
	v10 =	vadd.s32 v32, v10;
	p3 =	seq.s32 s31, $0x1;
	s31 =	sld [smem:$0x7EE]  }
0x13c: {  	v28 =	vadd.s32 $0x7, v8;
	v16 =	vadd.s32 v47, v16;
	v10 =	vadd.s32 v34, v10  }
0x13d: {  	v50 =	vld [tilespmem:$0x1030];
	v28 =	vand.u32 $0xFFFFFFF8, v28;
	v10 =	vadd.s32 v36, v10;
	v38 =	vpsel !p5, $0x0, v52;
	p0 =	seq.s32 s6, $0x1;
	s6 =	sld [smem:$0x7EF]  }
0x13e: {  	[tilespmem:$0x1200] =	vst v20;
	v52 =	vpsel !p1, $0x0, v39;
	v20 =	vpsel !p5, $0x0, v49;
	v10 =	vadd.s32 v38, v10;
	p6 =	seq.s32 s31, $0x1;
	s31 =	sld [smem:$0x7F1]  }
0x13f: {  	v9 =	vadd.s32 v40, v10;
	v43 =	vpsel !p4, $0x0, v57;
	v16 =	vadd.s32 v48, v16  }
0x140: {  	v27 =	vld [tilespmem:$0x1070];
	v10 =	vpsel !p2, $0x0, v42;
	v9 =	vadd.s32 v43, v9;
	v14 =	vpsel !p6, $0x0, v35;
	p6 =	seq.s32 s6, $0x1;
	s6 =	sld [smem:$0x7FB]  }
0x141: {  	v51 =	vld [tilespmem:$0x10B0];
	v24 =	vpsel !p3, $0x0, v59;
	v54 =	vadd.s32 v49, v16;
	v13 =	vpsel !p6, $0x0, v37;
	p6 =	seq.s32 s31, $0x1;
	s31 =	sld [smem:$0x7F3]  }
0x142: {  	v53 =	vld [tilespmem:$0x10F0];
	v9 =	vadd.s32 v24, v9;
	v56 =	vadd.s32 v50, v54;
	v14 =	vadd.s32 v17, v14  }
0x143: {  	v55 =	vld [tilespmem:$0x1130];
	v23 =	vpsel !p0, $0x0, v61;
	v13 =	vadd.s32 v13, v14;
	v12 =	vpsel !p6, $0x0, v41;
	p6 =	seq.s32 s6, $0x1;
	s6 =	sld [smem:$0x7F4]  }
0x144: {  	v57 =	vld [tilespmem:$0x1170];
	v61 =	vbroadcast v7, $0xF;
	v9 =	vadd.s32 v23, v9;
	v13 =	vadd.s32 v52, v13;
	p2 =	seq.s32 s31, $0x1;
	s31 =	sld [smem:$0x7F5]  }
0x145: {  	v12 =	vadd.s32 v12, v13;
	v13 =	vadd.s32 v27, v56;
	v59 =	vpsel !p6, $0x0, v63  }
0x146: {  	(xrf0) =	vadd.scan.msk.s32 $0xffff, v28;
	v10 =	vadd.s32 v10, v12;
	v58 =	vadd.s32 v51, v13;
	v60 =	vpsel !p2, $0x0, v45;
	p2 =	seq.s32 s6, $0x1;
	s6 =	sld [smem:$0x7F7]  }
0x147: {  	v12 =	vadd.s32 v53, v58;
	v10 =	vadd.s32 v60, v10;
	v62 =	vpsel !p2, $0x0, v47;
	p2 =	seq.s32 s31, $0x1  }
0x148: {  	v12 =	vadd.s32 v55, v12;
	v10 =	vadd.s32 v62, v10;
	v63 =	vpsel !p2, $0x0, v48  }
0x149: {  	[tilespmem:$0x1280] =	vst v4;
	v4 =	vadd.s32 v57, v12;
	v12 =	vsub.s32 v61, v28;
	v19 =	vadd.s32 v63, v10;
	p5 =	seq.s32 s6, $0x1  }
0x14a: {  	[tilespmem:$0x1190] =	vst v6;
	v14 =	vadd.s32 $0x7, v4;
	v6 =	vadd.s32 v20, v19;
	v25 =	vpsel !p5, $0x0, v50  }
0x14b: {  	[tilespmem:$0x1290] =	vst v5;
	v23 =	vld [tilespmem:$0x0];
	v28 =	vpsel !p4, $0x0, v27;
	v21 =	vand.u32 $0xFFFFFFF8, v14;
	v5 =	vadd.s32 v25, v6  }
0x14c: {  	v29 =	vpsel !p3, $0x0, v51;
	v24, _, _ =	vpop (xrf0);
	(xrf0) =	vadd.scan.msk.s32 $0xffff, v21;
	v5 =	vadd.s32 v28, v5  }
0x14d: {  	[tilespmem:$0x1180] =	vst v15;
	v30 =	vpsel !p0, $0x0, v53;
	v5 =	vadd.s32 v29, v5  }
0x14e: {  	[tilespmem:$0x1210] =	vst v11;
	v31 =	vpsel !p6, $0x0, v55;
	v5 =	vadd.s32 v30, v5  }
0x14f: {  	[tilespmem:$0x12A0] =	vst v8;
	v7 =	vadd.s32 v7, v24;
	v9 =	vadd.s32 v59, v9;
	v5 =	vadd.s32 v31, v5  }
0x150: {  	v7 =	vbroadcast v7, $0xF;
	v32 =	vadd.s32 v2, v23;
	[tilespmem:$0x11A0] =	vst v9  }
0x151: {  	[tilespmem:$0x12B0] =	vst v4  }
0x152: {  	v26 =	vadd.s32 v24, v12;
	v33 =	vsub.s32 v7, v21;
	[tilespmem:$0x11B0] =	vst v5;
	v5, _, _ =	vpop (xrf0)  }
0x153: {  	[tilespmem:$0x1220] =	vst v26;
	v4 =	vadd.s32 v5, v33  }
0x154: {  	[tilespmem:$0x1230] =	vst v4  }
0x155: {  	v4 =	vld.idx.msk [tilespmem:v32+s26+$0x0], $0xffff;
	_ =	sdelay $0x3  }
0x156: {  	v5 =	vld.idx.msk [tilespmem:v23+s23+$0x0], $0xffff  }
0x157: {  	v34 =	vld.idx.msk [tilespmem:v23+s24+$0x0], $0xffff;
	v36 =	vadd.s32 $0x1, v4  }
0x158: {  	v35 =	vld.idx.msk [tilespmem:v32+s25+$0x0], $0xffff;
	[tilespmem:v32+s26+$0x0] =	vst.idx.msk $0xffff, v36  }
0x159: {  	v8 =	vld [tilespmem:$0x10];
	_ =	sdelay $0x4  }
0x15a: {  	v37 =	vadd.s32 v2, v8  }
0x15b: {  	v5 =	vadd.s32 v5, v34  }
0x15c: {  	v5 =	vadd.s32 v35, v5  }
0x15d: {  	v4 =	vadd.s32 v4, v5  }
0x15e: {  	[tilespmem:$0x80] =	vst v4  }
0x15f: {  	v4 =	vld.idx.msk [tilespmem:v37+s26+$0x0], $0xffff;
	_ =	sdelay $0x3  }
0x160: {  	v5 =	vld.idx.msk [tilespmem:v8+s23+$0x0], $0xffff  }
0x161: {  	v38 =	vld.idx.msk [tilespmem:v8+s24+$0x0], $0xffff;
	v40 =	vadd.s32 $0x1, v4  }
0x162: {  	v39 =	vld.idx.msk [tilespmem:v37+s25+$0x0], $0xffff;
	[tilespmem:v37+s26+$0x0] =	vst.idx.msk $0xffff, v40  }
0x163: {  	v8 =	vld [tilespmem:$0x20];
	_ =	sdelay $0x4  }
0x164: {  	v41 =	vadd.s32 v2, v8  }
0x165: {  	v5 =	vadd.s32 v5, v38  }
0x166: {  	v5 =	vadd.s32 v39, v5  }
0x167: {  	v4 =	vadd.s32 v4, v5  }
0x168: {  	[tilespmem:$0x90] =	vst v4  }
0x169: {  	v4 =	vld.idx.msk [tilespmem:v41+s26+$0x0], $0xffff;
	_ =	sdelay $0x3  }
0x16a: {  	v5 =	vld.idx.msk [tilespmem:v8+s23+$0x0], $0xffff  }
0x16b: {  	v42 =	vld.idx.msk [tilespmem:v8+s24+$0x0], $0xffff;
	v44 =	vadd.s32 $0x1, v4  }
0x16c: {  	v43 =	vld.idx.msk [tilespmem:v41+s25+$0x0], $0xffff;
	[tilespmem:v41+s26+$0x0] =	vst.idx.msk $0xffff, v44  }
0x16d: {  	v8 =	vld [tilespmem:$0x30];
	_ =	sdelay $0x4  }
0x16e: {  	v45 =	vadd.s32 v2, v8  }
0x16f: {  	v5 =	vadd.s32 v5, v42  }
0x170: {  	v5 =	vadd.s32 v43, v5  }
0x171: {  	v4 =	vadd.s32 v4, v5  }
0x172: {  	[tilespmem:$0xA0] =	vst v4  }
0x173: {  	v4 =	vld.idx.msk [tilespmem:v45+s26+$0x0], $0xffff;
	_ =	sdelay $0x3  }
0x174: {  	v5 =	vld.idx.msk [tilespmem:v8+s23+$0x0], $0xffff  }
0x175: {  	v46 =	vld.idx.msk [tilespmem:v8+s24+$0x0], $0xffff;
	v48 =	vadd.s32 $0x1, v4  }
0x176: {  	v47 =	vld.idx.msk [tilespmem:v45+s25+$0x0], $0xffff;
	[tilespmem:v45+s26+$0x0] =	vst.idx.msk $0xffff, v48  }
0x177: {  	v8 =	vld [tilespmem:$0x40];
	_ =	sdelay $0x4  }
0x178: {  	v49 =	vadd.s32 v2, v8  }
0x179: {  	v5 =	vadd.s32 v5, v46  }
0x17a: {  	v5 =	vadd.s32 v47, v5  }
0x17b: {  	v4 =	vadd.s32 v4, v5  }
0x17c: {  	[tilespmem:$0xB0] =	vst v4  }
0x17d: {  	v4 =	vld.idx.msk [tilespmem:v49+s26+$0x0], $0xffff;
	_ =	sdelay $0x3  }
0x17e: {  	v5 =	vld.idx.msk [tilespmem:v8+s23+$0x0], $0xffff  }
0x17f: {  	v50 =	vld.idx.msk [tilespmem:v8+s24+$0x0], $0xffff;
	v52 =	vadd.s32 $0x1, v4  }
0x180: {  	v51 =	vld.idx.msk [tilespmem:v49+s25+$0x0], $0xffff;
	[tilespmem:v49+s26+$0x0] =	vst.idx.msk $0xffff, v52  }
0x181: {  	v8 =	vld [tilespmem:$0x50];
	_ =	sdelay $0x4  }
0x182: {  	v53 =	vadd.s32 v2, v8  }
0x183: {  	v5 =	vadd.s32 v5, v50  }
0x184: {  	v5 =	vadd.s32 v51, v5  }
0x185: {  	v4 =	vadd.s32 v4, v5  }
0x186: {  	[tilespmem:$0xC0] =	vst v4  }
0x187: {  	v4 =	vld.idx.msk [tilespmem:v53+s26+$0x0], $0xffff;
	_ =	sdelay $0x3  }
0x188: {  	v5 =	vld.idx.msk [tilespmem:v8+s23+$0x0], $0xffff  }
0x189: {  	v54 =	vld.idx.msk [tilespmem:v8+s24+$0x0], $0xffff;
	v56 =	vadd.s32 $0x1, v4  }
0x18a: {  	v55 =	vld.idx.msk [tilespmem:v53+s25+$0x0], $0xffff;
	[tilespmem:v53+s26+$0x0] =	vst.idx.msk $0xffff, v56  }
0x18b: {  	v8 =	vld [tilespmem:$0x60];
	_ =	sdelay $0x4  }
0x18c: {  	v57 =	vadd.s32 v2, v8  }
0x18d: {  	v5 =	vadd.s32 v5, v54  }
0x18e: {  	v5 =	vadd.s32 v55, v5  }
0x18f: {  	v4 =	vadd.s32 v4, v5  }
0x190: {  	[tilespmem:$0xD0] =	vst v4  }
0x191: {  	v4 =	vld.idx.msk [tilespmem:v57+s26+$0x0], $0xffff;
	_ =	sdelay $0x3  }
0x192: {  	v5 =	vld.idx.msk [tilespmem:v8+s23+$0x0], $0xffff  }
0x193: {  	v58 =	vld.idx.msk [tilespmem:v8+s24+$0x0], $0xffff;
	v60 =	vadd.s32 $0x1, v4  }
0x194: {  	v59 =	vld.idx.msk [tilespmem:v57+s25+$0x0], $0xffff;
	[tilespmem:v57+s26+$0x0] =	vst.idx.msk $0xffff, v60  }
0x195: {  	v8 =	vld [tilespmem:$0x70];
	_ =	sdelay $0x3  }
0x196: {  	v5 =	vadd.s32 v5, v58  }
0x197: {  	v5 =	vadd.s32 v59, v5;
	v61 =	vadd.s32 v2, v8  }
0x198: {  	v4 =	vadd.s32 v4, v5  }
0x199: {  	[tilespmem:$0xE0] =	vst v4  }
0x19a: {  	v4 =	vld.idx.msk [tilespmem:v8+s23+$0x0], $0xffff  }
0x19b: {  	v5 =	vld.idx.msk [tilespmem:v8+s24+$0x0], $0xffff  }
0x19c: {  	v62 =	vld.idx.msk [tilespmem:v61+s25+$0x0], $0xffff  }
0x19d: {  	v63 =	vld.idx.msk [tilespmem:v61+s26+$0x0], $0xffff;
	_ =	sdelay $0x3  }
0x19e: {  	v4 =	vadd.s32 v4, v5  }
0x19f: {  	v4 =	vadd.s32 v62, v4;
	v5 =	vadd.s32 $0x1, v63  }
0x1a0: {  	v4 =	vadd.s32 v63, v4;
	[tilespmem:v61+s26+$0x0] =	vst.idx.msk $0xffff, v5  }
0x1a1: {  	s31 =	simm.s32 $0x80;
	[tilespmem:$0xF0] =	vst v4  }
0x1a2: {  	[spmem:s12] =	stream.linear.scatter [tilespmem:s31], [sflag:$0x2], $0x80, $0x38;
	[tilespmem:$0xEE40] =	vst v63  }
0x1a3: {  	_ =	swait.ge [sflag:s18], $0x80  }
0x1a4: {  	s6 =	sld [smem:$0x7FC];
	_ =	sdelay $0x2  }
0x1a5: {  	[sflag:s18] =	ssyncset.done $0x0;
	p0 =	seq.s32 s6, $0x1  }
0x1a6: {  	[sflag:s18] =	ssyncadd.s32 $0xFFFFFF80;
	s4 =	simm.s32 @!p0 $0x0;
	s6 =	simm.s32 @!p0 $0x80  }
0x1a7: {  	[hbm4b:s13+s4] =	stream.linear.scatter @!p0 [tilespmem:s6], [sflag:$0x2], $0x80, $0x38;
	[tilespmem:$0xEE40] =	vst v63  }
0x1a8: {  	s4 =	simm.s32 @!p0 $0x2  }
0x1a9: {  	_ =	swait.ge @!p0 [sflag:s4], $0x80  }
0x1aa: {  	s31 =	sld [smem:$0x7FD];
	_ =	sdelay $0x1  }
0x1ab: {  	[sflag:s4] =	ssyncset.done @!p0 $0x0  }
0x1ac: {  	[sflag:s4] =	ssyncadd.s32 @!p0 $0xFFFFFF80;
	p0 =	seq.s32 s31, $0x1  }
.Ltmp3:
0x1ad: {  	_ = 	snop;
	(pc) =	sbr.rel @p0 .LBB2_7-.Ltmp3, $1  }
0x1ae: {  	_ =	sdelay $0x3  }
0x1af: {  	s4 =	simm.s32 $0x0;
	s6 =	rddreg [dreg:$0x8]  }
0x1b0: {  	[hbm4b:s6+s4] =	stream.linear.scatter [tilespmem:s23], [sflag:$0x2], $0x80, $0x38;
	[tilespmem:$0xEE40] =	vst v63  }
0x1b1: {  	_ =	swait.ge [sflag:s18], $0x80  }
0x1b2: {  	[sflag:s18] =	ssyncset.done $0x0  }
0x1b3: {  	s31 =	simm.s32 $0x1280;
	s6 =	rddreg [dreg:$0x9];
	[sflag:s18] =	ssyncadd.s32 $0xFFFFFF80  }
0x1b4: {  	[hbm4b:s6+s4] =	stream.linear.scatter [tilespmem:s31], [sflag:$0x2], $0x80, $0x38;
	[tilespmem:$0xEE40] =	vst v63  }
0x1b5: {  	_ =	swait.ge [sflag:s18], $0x80  }
0x1b6: {  	[sflag:s18] =	ssyncset.done $0x0  }
0x1b7: {  	[sflag:s18] =	ssyncadd.s32 $0xFFFFFF80  }
0x1b8: {  	[bflag:$0x0] =	sbarrier.arrive $0xFFFF  }
0x1b9: {  	s31 =	simm.s32 $0x1300;
	s6 =	rddreg [dreg:$0x6]  }
0x1ba: {  	[tilespmem:s31], [sflag:$0x2] =	stream.linear.gather [spmem:s6], $0x800, $0x38;
	[tilespmem:$0xEE40] =	vst v63  }
0x1bb: {  	_ =	swait.ge [sflag:s18], $0x800  }
0x1bc: {  	[sflag:s18] =	ssyncset.done $0x0  }
0x1bd: {  	[sflag:s18] =	ssyncadd.s32 $0xFFFFF800  }
0x1be: {  	s31 =	simm.s32 $0x1B00;
	s6 =	rddreg [dreg:$0x1]  }
0x1bf: {  	[tilespmem:s31], [sflag:$0x2] =	stream.linear.gather [hbm4b:s6+s4], $0x800, $0x38;
	[tilespmem:$0xEE40] =	vst v63  }
0x1c0: {  	_ =	swait.ge [sflag:s18], $0x800  }
0x1c1: {  	[sflag:s18] =	ssyncset.done $0x0  }
0x1c2: {  	s4 =	simm.s32 $0x0;
	s31 =	simm.s32 $0x40;
	[sflag:s18] =	ssyncadd.s32 $0xFFFFF800  }
.LBB2_5:
0x1c3: {  	p3 =	sne.s32 s31, $0x1FC0;
	v4 =	vld [tilespmem:s4+$0x1300];
	_ =	sdelay $0x2  }
0x1c4: {  	v5 =	vld [tilespmem:s4+$0x1B00]  }
.Ltmp4:
0x1c5: {  	(pc) =	sbr.rel @p3 .LBB2_5-.Ltmp4, $2  }
0x1c6: {  	_ =	sdelay $0x2  }
0x1c7: {  	s4 =	sshra.s32 s31, $0x2;
	s31 =	sadd.s32 $0x40, s31;
	[tilespmem:v4+s1+$0x0] =	vst.idx.msk $0xffff, v5  }
0x1c8: {  	v4 =	vld [tilespmem:s4+$0x1300];
	_ =	sdelay $0x2  }
0x1c9: {  	v5 =	vld [tilespmem:s4+$0x1B00];
	_ =	sdelay $0x4  }
.Ltmp5:
0x1ca: {  	s31 =	rddreg [dreg:$0x4];
	[tilespmem:v4+s1+$0x0] =	vst.idx.msk $0xffff, v5;
	(pc) =	sbr.rel .LBB2_8-.Ltmp5, $4  }
0x1cb: {  	[hbm4b:s31+s5] =	stream.linear.scatter [tilespmem:s1], [sflag:$0x2], $0xA00, $0x38;
	[tilespmem:$0xEE40] =	vst v63  }
0x1cc: {  	_ =	swait.ge [sflag:s18], $0xA00  }
0x1cd: {  	[sflag:s18] =	ssyncset.done $0x0  }
0x1ce: {  	[sflag:s18] =	ssyncadd.s32 $0xFFFFF600  }
.LBB2_9:
0x1cf: {  	_ =	sfence.sel $0x180000  }
0x1d0: {  	[bflag:$0x0] =	sbarrier.arrive $0xFFFF  }
0x1d1: {  	_ =	strace $0x90000047  }
0x1d2: {  	[bflag:$0x2] =	sbarrier.arrive $0xFFFF  }
0x1d3: {  	s1 =	sld [smem:$0x7ED];
	_ =	sdelay $0x2  }
0x1d4: {  	s0 =	rddreg [dreg:$0x7];
	p0 =	seq.s32 s1, $0x1  }
0x1d5: {  	s0 =	sadd.s32 @!p0 $0x100000, s0  }
0x1d6: {  	[sflag:s0] =	ssyncadd.tile.s32 @!p0 $0x1;
	_ =	shalt  }
.Lfunc_end2:
_tile_overlayer_lowered:
.L_overlay_start_2:
0x1d7: {  	(tag) =	ssettag $0x2  }
0x1d8: {  	s0 =	rddreg [dreg:$0x0];
	s2 =	stileid.u32  }
0x1d9: {  	s1 =	rddreg [dreg:$0x1];
	p0 =	sne.s32 s2, $0x0  }
0x1da: {  	s3 =	rddreg [dreg:$0x2];
	[bflag:$0x3] =	sbarrier.arrive $0xFFFF;
	s2 =	simm.s32 @!p0 $0x1C02  }
0x1db: {  	[timem:s3], [sflag:s2] =	dma.local @!p0 [hbm:s0], s1  }
0x1dc: {  	s0 =	simm.s32 @!p0 $0x2  }
0x1dd: {  	_ =	swait.ge @!p0 [sflag:s0], s1  }
0x1de: {  	s1 =	ssub.s32 @!p0 $0x0, s1;
	[sflag:s0] =	ssyncset.done @!p0 $0x0  }
0x1df: {  	[sflag:s0] =	ssyncadd.s32 @!p0 s1  }
0x1e0: {  	[bflag:$0x3] =	sbarrier.arrive $0xFFFF  }
0x1e1: {  	_ =	shalt  }

// kernel: kernel.8.cloned.1.call-start
scs
__scs_entry_jumppad:
0x0: {  	(pc) =	sbr.rel $0x88, $3  }
0x1: {  	(tag) =	ssettag $0x0;
	lr =	simm.s32 $0x1  }
0x2: {  	[smem:$0x3F9C] =	sst lr;
	_ =	strace $0xD0000000  }
0x3: {  	_ = 	snop  }
0x4: {  	_ = 	snop  }
0x5: {  	_ = 	snop  }
0x6: {  	_ = 	snop  }
0x7: {  	_ = 	snop  }
__scs_overlays_trampoline_lowered:
0x8: {  	[smem:$0x3FAB] =	sst s0  }
0x9: {  	[smem:$0x3FAC] =	sst s1  }
0xa: {  	[smem:$0x3FAD] =	sst s2  }
0xb: {  	[smem:$0x3FAE] =	sst s3  }
0xc: {  	[smem:$0x3FAF] =	sst s4  }
0xd: {  	[smem:$0x3FB0] =	sst s5  }
0xe: {  	[smem:$0x3FB1] =	sst s6  }
0xf: {  	[smem:$0x3FB2] =	sst s7  }
0x10: {  	[smem:$0x3FB3] =	sst s8  }
0x11: {  	[smem:$0x3FB4] =	sst s9;
	s0 =	simm.s32 @!p0 $0x0  }
0x12: {  	s1 =	sld [smem:$0x3F9A];
	s0 =	simm.s32 @p0 $0x1  }
0x13: {  	[smem:$0x3FB5] =	sst s0;
	s0 =	simm.s32 @!p1 $0x0  }
0x14: {  	s2 =	sld [smem:$0x3F99];
	s0 =	simm.s32 @p1 $0x1  }
0x15: {  	[smem:$0x3FB6] =	sst s0;
	s0 =	simm.s32 @!p2 $0x0  }
0x16: {  	s3 =	sld [smem:$0x3FDB];
	s0 =	simm.s32 @p2 $0x1  }
0x17: {  	s4 =	simm.s32 $0x1BF5;
	[smem:$0x3FB8] =	sst s0  }
0x18: {  	s0 =	sld [smem:$0x3F9B];
	_ =	swait.ge [sflag:s4], $0x0  }
0x19: {  	s7 =	sld [smem:$0x3F9C]  }
0x1a: {  	s8 =	sadd.s32 $0xFFFFE003, lr  }
0x1b: {  	s9 =	sadd.s32 $0xFFFFFEF7, lr;
	s5 =	simm.s32 $0xFFFFFFFF;
	p2 =	slt.u32 s8, $0xFFFFF086  }
0x1c: {  	p1 =	slt.u32 s9, $0xF7A;
	s5 =	simm.s32 @!p2 $0x0  }
0x1d: {  	s5 =	simm.s32 @p1 $0x1;
	p0 =	seq.s32 s7, s2  }
0x1e: {  	s7 =	smul.u32 @!p0 $0xF7A, s2;
	p2 =	seq.s32 @!p0 s5, $0x0  }
0x1f: {  	s9 =	smul.u32 $0xF7A, s1;
	s8 =	simm.s32 @!p0 $0x1BF5;
	p2 =	por !p2, p0  }
0x20: {  	[sflag:s8] =	ssyncset.s32 @!p0 $0xFFFFF086;
	s6 =	sadd.s32 @!p0 s3, s7;
	s7 =	simm.s32 @!p0 $0x108  }
0x21: {  	s3 =	sadd.s32 s3, s9;
	s6 =	sadd.s32 @!p0 $0x88, s6;
	s7 =	simm.s32 @p2 $0x1082  }
0x22: {  	[simem:s7], [sflag:s8] =	dma.local @!p0 [hbm:s6], $0xF7A  }
0x23: {  	s9 =	sor.u32 $0xD0000000, s2;
	s6 =	simm.s32 $0x108;
	_ =	swait.ge @!p0 [sflag:s8], $0x0  }
0x24: {  	s3 =	sadd.s32 $0x88, s3;
	s6 =	simm.s32 @!p1 $0x1082;
	[sflag:s4] =	ssyncset.s32 $0xFFFFF086  }
0x25: {  	[simem:s6], [sflag:s4] =	dma.local [hbm:s3], $0xF7A  }
0x26: {  	[smem:$0x3F9C] =	sst s1;
	(tag) =	ssettag s2;
	_ =	strace s9  }
0x27: {  	s1 =	sld [smem:$0x3FAC]  }
0x28: {  	s2 =	sld [smem:$0x3FAD]  }
0x29: {  	s4 =	sld [smem:$0x3FAF]  }
0x2a: {  	p0 =	seq.s32 s5, $0x0;
	s5 =	sld [smem:$0x3FB0]  }
0x2b: {  	s6 =	sld [smem:$0x3FB1]  }
0x2c: {  	s7 =	sld [smem:$0x3FB2]  }
0x2d: {  	s3 =	simm.s32 $0x108;
	s8 =	sld [smem:$0x3FB3]  }
0x2e: {  	s3 =	simm.s32 @!p0 $0x1082;
	s9 =	sld [smem:$0x3FB4]  }
0x2f: {  	lr =	sadd.s32 s0, s3;
	s0 =	sld [smem:$0x3FAB]  }
0x30: {  	s3 =	sld [smem:$0x3FAE]  }
0x31: {  	[smem:$0x3FB7] =	sst s10  }
0x32: {  	s10 =	sld [smem:$0x3FB5];
	_ =	sdelay $0x3  }
0x33: {  	p0 =	seq.s32 s10, $0x1;
	s10 =	sld [smem:$0x3FB7];
	_ =	sdelay $0x3  }
0x34: {  	[smem:$0x3FB7] =	sst s10  }
0x35: {  	s10 =	sld [smem:$0x3FB6];
	_ =	sdelay $0x3  }
0x36: {  	p1 =	seq.s32 s10, $0x1;
	s10 =	sld [smem:$0x3FB7];
	_ =	sdelay $0x3  }
0x37: {  	[smem:$0x3FB7] =	sst s10  }
0x38: {  	s10 =	sld [smem:$0x3FB8]  }
0x39: {  	_ = 	snop;
	(pc) =	sbr.ind lr, $3  }
0x3a: {  	_ = 	snop  }
0x3b: {  	_ = 	snop  }
0x3c: {  	p2 =	seq.s32 s10, $0x1;
	s10 =	sld [smem:$0x3FB7]  }
0x3d: {  	_ =	shalt  }
0x3e: {  	_ =	shalt  }
0x3f: {  	_ =	shalt  }
0x40: {  	_ =	shalt  }
0x41: {  	_ =	shalt  }
0x42: {  	_ =	shalt  }
0x43: {  	_ =	shalt  }
0x44: {  	_ =	shalt  }
0x45: {  	_ =	shalt  }
0x46: {  	_ =	shalt  }
0x47: {  	_ =	shalt  }
0x48: {  	_ =	shalt  }
0x49: {  	_ =	shalt  }
0x4a: {  	_ =	shalt  }
0x4b: {  	_ =	shalt  }
0x4c: {  	_ =	shalt  }
0x4d: {  	_ =	shalt  }
0x4e: {  	_ =	shalt  }
0x4f: {  	_ =	shalt  }
0x50: {  	_ =	shalt  }
0x51: {  	_ =	shalt  }
0x52: {  	_ =	shalt  }
0x53: {  	_ =	shalt  }
0x54: {  	_ =	shalt  }
0x55: {  	_ =	shalt  }
0x56: {  	_ =	shalt  }
0x57: {  	_ =	shalt  }
0x58: {  	_ =	shalt  }
0x59: {  	_ =	shalt  }
0x5a: {  	_ =	shalt  }
0x5b: {  	_ =	shalt  }
0x5c: {  	_ =	shalt  }
0x5d: {  	_ =	shalt  }
0x5e: {  	_ =	shalt  }
0x5f: {  	_ =	shalt  }
0x60: {  	_ =	shalt  }
0x61: {  	_ =	shalt  }
0x62: {  	_ =	shalt  }
0x63: {  	_ =	shalt  }
0x64: {  	_ =	shalt  }
0x65: {  	_ =	shalt  }
0x66: {  	_ =	shalt  }
0x67: {  	_ =	shalt  }
0x68: {  	_ =	shalt  }
0x69: {  	_ =	shalt  }
0x6a: {  	_ =	shalt  }
0x6b: {  	_ =	shalt  }
0x6c: {  	_ =	shalt  }
0x6d: {  	_ =	shalt  }
0x6e: {  	_ =	shalt  }
0x6f: {  	_ =	shalt  }
0x70: {  	_ =	shalt  }
0x71: {  	_ =	shalt  }
0x72: {  	_ =	shalt  }
0x73: {  	_ =	shalt  }
0x74: {  	_ =	shalt  }
0x75: {  	_ =	shalt  }
0x76: {  	_ =	shalt  }
0x77: {  	_ =	shalt  }
0x78: {  	_ =	shalt  }
0x79: {  	_ =	shalt  }
0x7a: {  	_ =	shalt  }
0x7b: {  	_ =	shalt  }
0x7c: {  	_ =	shalt  }
0x7d: {  	_ =	shalt  }
0x7e: {  	_ =	shalt  }
0x7f: {  	_ =	shalt  }
0x80: {  	_ =	shalt  }
0x81: {  	_ =	shalt  }
0x82: {  	_ =	shalt  }
0x83: {  	_ =	shalt  }
0x84: {  	_ =	shalt  }
0x85: {  	_ =	shalt  }
0x86: {  	_ =	shalt  }
0x87: {  	_ =	shalt  }
.Lfunc_end0:
.L_simem_size_0:
called_computation.1_lowered:
.L_overlay_start_0:
0x88: {  	s2 =	sld [smem:$0x3FD9]  }
0x89: {  	s3 =	sld [smem:$0x3FFE];
	_ =	sdelay $0x1  }
0x8a: {  	s1 =	srdreg.scid  }
0x8b: {  	s0 =	sand.u32 $0x1, s1  }
0x8c: {  	s17 =	sshll.u32 s0, $0xA;
	s2 =	sadd.s32 s3, s2  }
0x8d: {  	s2 =	sadd.s32 s2, s17  }
0x8e: {  	[smem:$0x3FC3] =	sst s2  }
0x8f: {  	_ = 	snop  }
0x90: {  	s2 =	sld [smem:$0x3FD0];
	(tm) =	ssettm $0x1  }
0x91: {  	s18 =	sld [smem:$0x3FFB];
	_ =	sdelay $0x3  }
0x92: {  	_ =	strace s18  }
0x93: {  	s3 =	sld [smem:$0x3FFC];
	_ =	sdelay $0x3  }
0x94: {  	_ =	strace s3  }
0x95: {  	s3 =	sld [smem:$0x3FFD];
	_ =	sdelay $0x3  }
0x96: {  	_ =	strace s3  }
0x97: {  	_ =	strace $0x8FFFFFFF  }
0x98: {  	s19 =	sld [smem:$0x3FDB];
	_ =	sdelay $0x1  }
0x99: {  	s4 =	simm.s32 $_scs_section_size  }
0x9a: {  	s5 =	simm.s32 $_size__tile_overlayer_lowered;
	s6 =	simm.s32 $_tile_overlayer_lowered  }
0x9b: {  	s22 =	simm.s32 $0x1BFF;
	s21 =	sshll.u32 s6, $0x1;
	s3 =	sadd.s32 s4, s19  }
0x9c: {  	s7 =	simm.s32 $0x0;
	s20 =	sshll.u32 s5, $0x1;
	s5 =	sadd.s32 s21, s3  }
0x9d: {  	[timem:s7], [sflag:s22] =	dma.local [hbm:s5], s20  }
0x9e: {  	_ =	swait.ge [sflag:s22], s20  }
0x9f: {  	s4 =	ssub.s32 $0x0, s20;
	[sflag:s22] =	ssyncset.done $0x0  }
0xa0: {  	[sflag:s22] =	ssyncadd.s32 s4;
	_ =	sdelay $0x1  }
0xa1: {  	s23 =	simm.s32 $0x1B8B  }
0xa2: {  	_ =	swait.ge [sflag:s23], $0x1  }
0xa3: {  	[sflag:s23] =	ssyncset.done $0x0  }
0xa4: {  	s25 =	simm.s32 $0x1B8E;
	s24 =	sld [smem:$0x3FFE];
	[sflag:s23] =	ssyncadd.s32 $0xFFFFFFFF  }
0xa5: {  	s26 =	simm.s32 $execute0_lowered;
	[smem:$0x3FD2] =	sst s25  }
0xa6: {  	s5 =	sshll.u32 s26, $0x1;
	_ =	strace $0x80000049;
	[dreg:$0x1] =	wrdreg $0xFFFFFFFF  }
0xa7: {  	s28 =	simm.s32 $_size_execute0_lowered;
	s3 =	sadd.s32 s3, s5;
	[dreg:$0x0] =	wrdreg $0x0  }
0xa8: {  	s5 =	sshll.u32 s28, $0x1;
	[dreg:$0x2] =	wrdreg s3  }
0xa9: {  	[dreg:$0x3] =	wrdreg s5  }
0xaa: {  	[dreg:$0x4] =	wrdreg $0xC0  }
0xab: {  	_ =	task [dreg:s7], $0x5FFFF  }
0xac: {  	[dreg:$0x1] =	wrdreg $0xFFFFFFFF  }
0xad: {  	[dreg:$0x0] =	wrdreg $0x60  }
0xae: {  	[dreg:$0x2] =	wrdreg s24  }
0xaf: {  	[dreg:$0x3] =	wrdreg s2  }
0xb0: {  	[dreg:$0x4] =	wrdreg $0x9  }
0xb1: {  	_ =	task.clear_ibuf [dreg:s7], $0x5FFFF;
	_ =	strace $0x90000049  }
0xb2: {  	s29 =	simm.s32 $0x9;
	_ =	strace $0x8000004B  }
0xb3: {  	_ =	swait.ge [sflag:s29], $0x1  }
0xb4: {  	[sflag:s29] =	ssyncadd.s32 $0xFFFFFFFF  }
0xb5: {  	_ =	strace $0x9000004B  }
0xb6: {  	_ =	sfence  }
0xb7: {  	s30 =	sld [smem:$0x0];
	_ =	sdelay $0x2  }
0xb8: {  	s31 =	sshll.u32 s1, $0xD;
	s1 =	sshrl.u32 s1, $0x2  }
0xb9: {  	s3 =	sand.u32 $0x4000, s31;
	s1 =	sadd.s32 s1, s30  }
0xba: {  	s0 =	sor.u32 s3, s0;
	s1 =	sshll.u32 s1, $0x11  }
0xbb: {  	s0 =	sor.u32 s1, s0  }
0xbc: {  	s0 =	sadd.s32 $0x8F2B, s0  }
0xbd: {  	[sflag:s0] =	ssyncadd.remote.s32 $0x1  }
0xbe: {  	_ =	sfence.sel $0xFFFF  }
0xbf: {  	[dreg:$0x0] =	wrdreg $0xFFFFFFFF;
	(pc) =	sbr.abs _section_cstart, $3  }
0xc0: {  	[dreg:$0x1] =	wrdreg $0xFFFFFFFF  }
0xc1: {  	_ =	task.clear_ibuf [dreg:s7], $0x2FFFF;
	_ =	strace $0x9FFFFFFF  }
0xc2: {  	(tm) =	ssettm $0x7FFFFFFF  }
0xc3: {  	_ =	shalt  }
tec
execute0_lowered:
.L_overlay_start_1:
0x0: {  	(tag) =	ssettag $0x1  }
0x1: {  	s0 =	rddreg [dreg:$0x0]  }
0x2: {  	s4 =	rddreg [dreg:$0x1];
	s2 =	srdreg.scid  }
0x3: {  	s1 =	stileid.u32;
	s25 =	simm.s32 $0x880;
	s26 =	simm.s32 $0x1080  }
0x4: {  	s10 =	simm.s32 $0x2080;
	s11 =	simm.s32 $0x2880;
	s12 =	simm.s32 $0x3080  }
0x5: {  	s13 =	simm.s32 $0x3880;
	s14 =	simm.s32 $0x4080;
	s15 =	simm.s32 $0x4880  }
0x6: {  	s16 =	simm.s32 $0x5080;
	s17 =	simm.s32 $0x5880;
	s18 =	simm.s32 $0x6080  }
0x7: {  	s19 =	simm.s32 $0x6880;
	s20 =	simm.s32 $0x7080;
	s21 =	simm.s32 $0x7880  }
0x8: {  	s22 =	simm.s32 $0x8080;
	s28 =	simm.s32 $0xA880;
	s29 =	simm.s32 $0xB080  }
0x9: {  	s30 =	simm.s32 $0xB880;
	s31 =	simm.s32 $0x1;
	s5 =	sand.u32 $0x1, s2  }
0xa: {  	s2 =	simm.s32 $0x0;
	s3 =	sshll.u32 s1, $0x4;
	s6 =	sshll.u32 s5, $0x3  }
0xb: {  	[smem:$0x7FF] =	sst s2;
	s5 =	ssub.s32 $0x2, s5;
	s6 =	sor.u32 s6, s3  }
0xc: {  	_ =	strace $0x8000004A;
	s3 =	sadd.s32 $0x1400, s0;
	[dreg:$0x6] =	wrdreg s25  }
0xd: {  	s9 =	sshrl.u32 s5, $0x1;
	[dreg:$0x7] =	wrdreg s26;
	s25 =	simm.s32 $0x9880  }
0xe: {  	s26 =	simm.s32 $0xA080;
	s7 =	smul.u32 $0x1800, s6;
	s8 =	sadd.s32 s6, s0  }
0xf: {  	s6 =	smul.u32 $0x300, s6;
	s23 =	ssub.s32 s5, s9;
	s8 =	sadd.s32 $0x3D800, s8  }
0x10: {  	s5 =	sadd.s32 $0x1600, s0;
	s7 =	sshrl.u32 s7, $0x3;
	[dreg:$0x3] =	wrdreg s8  }
0x11: {  	s6 =	sadd.s32 s4, s6;
	s8 =	simm.s32 $0x80;
	s4 =	sadd.s32 s4, s7  }
0x12: {  	v2 =	vlaneseq.u32;
	[dreg:$0x4] =	wrdreg s6;
	s6 =	smax.u32 s23, $0x1;
	s7 =	simm.s32 $0x3  }
0x13: {  	vm0 =	vmmov $0xffff;
	v1 =	vshrl.u32 v2, $0x3;
	s23 =	simm.s32 $0x8880;
	s24 =	sadd.s32 $0xC00, s4;
	s4 =	sadd.s32 $0x1500, s0  }
0x14: {  	v0 =	vand.u32 $0x7, v2;
	v2 =	vor.u32 $0x8, v2;
	v1 =	vmul.u32 $0x8, v1;
	s0 =	simm.s32 $0x2;
	[dreg:$0x5] =	wrdreg s24;
	s24 =	simm.s32 $0x9080  }
.LBB2_1:
0x15: {  	s1 =	rddreg [dreg:$0x3]  }
0x16: {  	[tilespmem:s2], [sflag:$0x3] =	stream.linear.gather [hbm4b:s1+s2], $0x40, $0x38;
	[tilespmem:$0xC080] =	vst v63  }
0x17: {  	_ =	swait.ge [sflag:s7], $0x40  }
0x18: {  	[sflag:s7] =	ssyncset.done $0x0  }
0x19: {  	[sflag:s7] =	ssyncadd.s32 $0xFFFFFFC0  }
0x1a: {  	v3 =	vld [tilespmem:$0x0];
	_ =	sdelay $0x4  }
0x1b: {  	v4 =	vshrl.u32 v3, $0x3  }
0x1c: {  	v4 =	vmul.u32 $0x30, v4  }
0x1d: {  	v3 =	vand.u32 $0x7, v3  }
0x1e: {  	v3 =	vor.u32 v3, v4  }
0x1f: {  	v4 =	vperm.xlane v3, v0;
	_ =	sdelay $0x1  }
0x20: {  	v4 =	vadd.s32 v1, v4;
	_ =	sdelay $0x3  }
0x21: {  	v3 =	vperm.xlane v3, v2  }
0x22: {  	[tilespmem:s8], [sflag:$0x1] =	stream.indirect_vreg.gather [hbm4b:s3+s2], $0x80, v4, vm0, $0xb8;
	[tilespmem:$0xC080] =	vst v63  }
0x23: {  	s1 =	rddreg [dreg:$0x6];
	v3 =	vadd.s32 v1, v3  }
0x24: {  	[tilespmem:s1], [sflag:$0x1] =	stream.indirect_vreg.gather [hbm4b:s4+s2], $0x80, v4, vm0, $0xb8;
	[tilespmem:$0xC080] =	vst v63  }
0x25: {  	s9 =	rddreg [dreg:$0x7]  }
0x26: {  	[tilespmem:s9], [sflag:$0x1] =	stream.indirect_vreg.gather [hbm4b:s5+s2], $0x80, v4, vm0, $0xb8;
	[tilespmem:$0xC080] =	vst v63  }
0x27: {  	s9 =	simm.s32 $0x1880  }
0x28: {  	[tilespmem:s9], [sflag:$0x1] =	stream.indirect_vreg.gather [hbm4b:s3+s2], $0x80, v3, vm0, $0xb8;
	[tilespmem:$0xC080] =	vst v63  }
0x29: {  	_ = 	snop  }
0x2a: {  	[tilespmem:s10], [sflag:$0x1] =	stream.indirect_vreg.gather [hbm4b:s4+s2], $0x80, v3, vm0, $0xb8;
	[tilespmem:$0xC080] =	vst v63  }
0x2b: {  	_ = 	snop  }
0x2c: {  	[tilespmem:s11], [sflag:$0x1] =	stream.indirect_vreg.gather [hbm4b:s5+s2], $0x80, v3, vm0, $0xb8;
	[tilespmem:$0xC080] =	vst v63  }
0x2d: {  	v3 =	vld [tilespmem:$0x10];
	_ =	sdelay $0x4  }
0x2e: {  	v61 =	vshrl.u32 v3, $0x3  }
0x2f: {  	v4 =	vmul.u32 $0x30, v61  }
0x30: {  	v3 =	vand.u32 $0x7, v3  }
0x31: {  	v3 =	vor.u32 v3, v4  }
0x32: {  	v4 =	vperm.xlane v3, v0;
	_ =	sdelay $0x1  }
0x33: {  	v4 =	vadd.s32 v1, v4;
	_ =	sdelay $0x3  }
0x34: {  	v3 =	vperm.xlane v3, v2  }
0x35: {  	[tilespmem:s12], [sflag:$0x1] =	stream.indirect_vreg.gather [hbm4b:s3+s2], $0x80, v4, vm0, $0xb8;
	[tilespmem:$0xC080] =	vst v63  }
0x36: {  	v3 =	vadd.s32 v1, v3  }
0x37: {  	[tilespmem:s13], [sflag:$0x1] =	stream.indirect_vreg.gather [hbm4b:s4+s2], $0x80, v4, vm0, $0xb8;
	[tilespmem:$0xC080] =	vst v63  }
0x38: {  	_ = 	snop  }
0x39: {  	[tilespmem:s14], [sflag:$0x1] =	stream.indirect_vreg.gather [hbm4b:s5+s2], $0x80, v4, vm0, $0xb8;
	[tilespmem:$0xC080] =	vst v63  }
0x3a: {  	_ = 	snop  }
0x3b: {  	[tilespmem:s15], [sflag:$0x1] =	stream.indirect_vreg.gather [hbm4b:s3+s2], $0x80, v3, vm0, $0xb8;
	[tilespmem:$0xC080] =	vst v63  }
0x3c: {  	_ = 	snop  }
0x3d: {  	[tilespmem:s16], [sflag:$0x1] =	stream.indirect_vreg.gather [hbm4b:s4+s2], $0x80, v3, vm0, $0xb8;
	[tilespmem:$0xC080] =	vst v63  }
0x3e: {  	_ = 	snop  }
0x3f: {  	[tilespmem:s17], [sflag:$0x1] =	stream.indirect_vreg.gather [hbm4b:s5+s2], $0x80, v3, vm0, $0xb8;
	[tilespmem:$0xC080] =	vst v63  }
0x40: {  	v3 =	vld [tilespmem:$0x20];
	_ =	sdelay $0x4  }
0x41: {  	v62 =	vshrl.u32 v3, $0x3  }
0x42: {  	v4 =	vmul.u32 $0x30, v62  }
0x43: {  	v3 =	vand.u32 $0x7, v3  }
0x44: {  	v3 =	vor.u32 v3, v4  }
0x45: {  	v4 =	vperm.xlane v3, v0;
	_ =	sdelay $0x1  }
0x46: {  	v4 =	vadd.s32 v1, v4;
	_ =	sdelay $0x3  }
0x47: {  	v3 =	vperm.xlane v3, v2  }
0x48: {  	[tilespmem:s18], [sflag:$0x2] =	stream.indirect_vreg.gather [hbm4b:s3+s2], $0x80, v4, vm0, $0xb8;
	[tilespmem:$0xC080] =	vst v63  }
0x49: {  	v3 =	vadd.s32 v1, v3  }
0x4a: {  	[tilespmem:s19], [sflag:$0x2] =	stream.indirect_vreg.gather [hbm4b:s4+s2], $0x80, v4, vm0, $0xb8;
	[tilespmem:$0xC080] =	vst v63  }
0x4b: {  	_ = 	snop  }
0x4c: {  	[tilespmem:s20], [sflag:$0x2] =	stream.indirect_vreg.gather [hbm4b:s5+s2], $0x80, v4, vm0, $0xb8;
	[tilespmem:$0xC080] =	vst v63  }
0x4d: {  	_ = 	snop  }
0x4e: {  	[tilespmem:s21], [sflag:$0x2] =	stream.indirect_vreg.gather [hbm4b:s3+s2], $0x80, v3, vm0, $0xb8;
	[tilespmem:$0xC080] =	vst v63  }
0x4f: {  	_ = 	snop  }
0x50: {  	[tilespmem:s22], [sflag:$0x2] =	stream.indirect_vreg.gather [hbm4b:s4+s2], $0x80, v3, vm0, $0xb8;
	[tilespmem:$0xC080] =	vst v63  }
0x51: {  	_ = 	snop  }
0x52: {  	[tilespmem:s23], [sflag:$0x2] =	stream.indirect_vreg.gather [hbm4b:s5+s2], $0x80, v3, vm0, $0xb8;
	[tilespmem:$0xC080] =	vst v63  }
0x53: {  	v3 =	vld [tilespmem:$0x30];
	_ =	sdelay $0x4  }
0x54: {  	v63 =	vshrl.u32 v3, $0x3  }
0x55: {  	v4 =	vmul.u32 $0x30, v63  }
0x56: {  	v3 =	vand.u32 $0x7, v3  }
0x57: {  	v3 =	vor.u32 v3, v4  }
0x58: {  	v4 =	vperm.xlane v3, v0;
	_ =	sdelay $0x1  }
0x59: {  	v4 =	vadd.s32 v1, v4;
	_ =	sdelay $0x3  }
0x5a: {  	v3 =	vperm.xlane v3, v2  }
0x5b: {  	[tilespmem:s24], [sflag:$0x2] =	stream.indirect_vreg.gather [hbm4b:s3+s2], $0x80, v4, vm0, $0xb8;
	[tilespmem:$0xC080] =	vst v63  }
0x5c: {  	v3 =	vadd.s32 v1, v3  }
0x5d: {  	[tilespmem:s25], [sflag:$0x2] =	stream.indirect_vreg.gather [hbm4b:s4+s2], $0x80, v4, vm0, $0xb8;
	[tilespmem:$0xC080] =	vst v63  }
0x5e: {  	_ = 	snop  }
0x5f: {  	[tilespmem:s26], [sflag:$0x2] =	stream.indirect_vreg.gather [hbm4b:s5+s2], $0x80, v4, vm0, $0xb8;
	[tilespmem:$0xC080] =	vst v63  }
0x60: {  	_ = 	snop  }
0x61: {  	[tilespmem:s28], [sflag:$0x2] =	stream.indirect_vreg.gather [hbm4b:s3+s2], $0x80, v3, vm0, $0xb8;
	[tilespmem:$0xC080] =	vst v63  }
0x62: {  	_ = 	snop  }
0x63: {  	[tilespmem:s29], [sflag:$0x2] =	stream.indirect_vreg.gather [hbm4b:s4+s2], $0x80, v3, vm0, $0xb8;
	[tilespmem:$0xC080] =	vst v63  }
0x64: {  	_ = 	snop  }
0x65: {  	[tilespmem:s30], [sflag:$0x2] =	stream.indirect_vreg.gather [hbm4b:s5+s2], $0x80, v3, vm0, $0xb8;
	[tilespmem:$0xC080] =	vst v63  }
0x66: {  	_ =	swait.ge [sflag:s31], $0x6000  }
0x67: {  	[sflag:s31] =	ssyncset.done $0x0  }
0x68: {  	s9 =	rddreg [dreg:$0x4];
	[sflag:s31] =	ssyncadd.s32 $0xFFFFA000  }
0x69: {  	[hbm4b:s9+s2] =	stream.linear.scatter [tilespmem:s8], [sflag:$0x3], $0x6000, $0x38;
	[tilespmem:$0xC080] =	vst v63  }
0x6a: {  	_ =	swait.ge [sflag:s7], $0x6000  }
0x6b: {  	[sflag:s7] =	ssyncset.done $0x0  }
0x6c: {  	[sflag:s7] =	ssyncadd.s32 $0xFFFFA000  }
0x6d: {  	_ =	swait.ge [sflag:s0], $0x6000  }
0x6e: {  	p0 =	sne.s32 s6, $0x1;
	[sflag:s0] =	ssyncset.done $0x0  }
.Ltmp0:
0x6f: {  	s9 =	rddreg [dreg:$0x5];
	[sflag:s0] =	ssyncadd.s32 $0xFFFFA000;
	(pc) =	sbr.rel @p0 .LBB2_1-.Ltmp0, $4  }
0x70: {  	[hbm4b:s9+s2] =	stream.linear.scatter [tilespmem:s18], [sflag:$0x3], $0x6000, $0x38;
	[tilespmem:$0xC080] =	vst v63  }
0x71: {  	_ =	swait.ge [sflag:s7], $0x6000  }
0x72: {  	[sflag:s7] =	ssyncset.done $0x0  }
0x73: {  	s6 =	sadd.s32 $0xFFFFFFFF, s6;
	[sflag:s7] =	ssyncadd.s32 $0xFFFFA000  }
0x74: {  	_ =	sfence.sel $0x180000  }
0x75: {  	[bflag:$0x0] =	sbarrier.arrive $0xFFFF  }
0x76: {  	_ =	strace $0x9000004A  }
0x77: {  	s0 =	stileid.u32;
	[bflag:$0x2] =	sbarrier.arrive $0xFFFF  }
0x78: {  	p0 =	sne.s32 s0, $0x0;
	s0 =	rddreg [dreg:$0x2]  }
0x79: {  	s0 =	sadd.s32 @!p0 $0x100000, s0  }
0x7a: {  	[sflag:s0] =	ssyncadd.tile.s32 @!p0 $0x1;
	_ =	shalt  }
.Lfunc_end2:
_tile_overlayer_lowered:
.L_overlay_start_2:
0x7b: {  	(tag) =	ssettag $0x2  }
0x7c: {  	s0 =	rddreg [dreg:$0x0];
	s2 =	stileid.u32  }
0x7d: {  	s1 =	rddreg [dreg:$0x1];
	p0 =	sne.s32 s2, $0x0  }
0x7e: {  	s3 =	rddreg [dreg:$0x2];
	[bflag:$0x3] =	sbarrier.arrive $0xFFFF;
	s2 =	simm.s32 @!p0 $0x1C03  }
0x7f: {  	[timem:s3], [sflag:s2] =	dma.local @!p0 [hbm:s0], s1  }
0x80: {  	s0 =	simm.s32 @!p0 $0x3  }
0x81: {  	_ =	swait.ge @!p0 [sflag:s0], s1  }
0x82: {  	s1 =	ssub.s32 @!p0 $0x0, s1;
	[sflag:s0] =	ssyncset.done @!p0 $0x0  }
0x83: {  	[sflag:s0] =	ssyncadd.s32 @!p0 s1  }
0x84: {  	[bflag:$0x3] =	sbarrier.arrive $0xFFFF  }
0x85: {  	_ =	shalt  }

</sc_bundles>
